<compile_context>
chip_gen: v7x
topology: tpu7x:2x2x1
jax: 0.10.2.dev20260603
libtpu: 0.0.44.dev20260713+nightly
codegen_flags: <defaults>
</compile_context>

<pallas_src>
import jax
import jax.numpy as jnp
import numpy as np
from jax import lax
from jax.experimental import pallas as pl
from jax.experimental.pallas import tpu as pltpu
from jax.experimental.pallas import tpu_sc as plsc

_F32 = jnp.float32
_BF16 = jnp.bfloat16
_I32 = jnp.int32

_NC = 2
_NS = 16
_NW = _NC * _NS
_LANES = 16


def _round_bf16(v):
    u = lax.bitcast_convert_type(v, _I32)
    lsb = jnp.bitwise_and(jnp.right_shift(u, 16), 1)
    r = jnp.bitwise_and(u + 32767 + lsb, _I32(-65536))
    return lax.bitcast_convert_type(r, _F32)


def _make_esum(b_g, n, h_dim, chunk_rows):
    rows = b_g * n
    rows_per_w = rows // _NW
    n_chunks = rows_per_w // chunk_rows
    jvecs = n // _LANES
    assert h_dim == 4 * _LANES and rows_per_w * _NW == rows
    assert n % rows_per_w == 0
    assert n_chunks * chunk_rows == rows_per_w and n % _LANES == 0

    def body(e_hbm, out_hbm, buf0, buf1, outbuf, sem0, sem1):
        wid = lax.axis_index("s") * _NC + lax.axis_index("c")
        b = wid // (n // rows_per_w)
        i0 = (wid % (n // rows_per_w)) * rows_per_w
        bufs = (buf0, buf1)
        sems = (sem0, sem1)

        def start(c):
            return pltpu.async_copy(
                e_hbm.at[b, pl.ds(i0 + c * chunk_rows, chunk_rows)],
                bufs[c % 2], sems[c % 2])

        cp = start(0)
        for c in range(n_chunks):
            nxt = start(c + 1) if c + 1 < n_chunks else None
            cp.wait()
            buf = bufs[c % 2]
            for r in range(chunk_rows):
                orow = c * chunk_rows + r

                def hbody(h, carry, buf=buf, r=r, orow=orow):
                    p = [_round_bf16(buf[r, h, pl.ds(g * _LANES, _LANES)])
                         for g in range(jvecs)]
                    while len(p) > 1:
                        p = [a + b for a, b in zip(p[::2], p[1::2])]
                    outbuf[orow, pl.ds(h * _LANES, _LANES)] = p[0]
                    return carry

                lax.fori_loop(0, h_dim, hbody, 0)
            cp = nxt
        pltpu.sync_copy(
            outbuf, out_hbm.at[pl.ds(wid * rows_per_w, rows_per_w)])

    return pl.kernel(
        body,
        mesh=plsc.VectorSubcoreMesh(core_axis_name="c", subcore_axis_name="s"),
        out_type=jax.ShapeDtypeStruct((rows, h_dim * _LANES), _F32),
        scratch_types=[
            pltpu.VMEM((chunk_rows, h_dim, n), _F32),
            pltpu.VMEM((chunk_rows, h_dim, n), _F32),
            pltpu.VMEM((rows_per_w, h_dim * _LANES), _F32),
            pltpu.SemaphoreType.DMA,
            pltpu.SemaphoreType.DMA,
        ],
    )


def _dot(a, b, precision=None):
    return lax.dot_general(
        a, b, (((1,), (0,)), ((), ())),
        precision=precision,
        preferred_element_type=_F32,
    )


def _tc_esum_kernel(e_ref, agg_ref, out_ref):
    nb, h_dim, jn = e_ref.shape[1], e_ref.shape[2], e_ref.shape[3]
    a = e_ref[0].reshape(nb, h_dim * jn).astype(_BF16)
    out_ref[0] = _dot(a, agg_ref[...])


def _gru_kernel(ysc_ref, ytc_ref, node_ref, wfab_ref, wfc_ref, bf_ref,
                wih_ref, whh_ref, bih_ref, bhh_ref, out_ref):
    b_g, n, h_dim = node_ref.shape
    rows = b_g * n
    r_rounds = wfab_ref.shape[0]
    hi = lax.Precision.HIGHEST

    yp = ysc_ref[...]
    pidx = lax.broadcasted_iota(jnp.int32, (yp.shape[1], h_dim), 0)
    hidx = lax.broadcasted_iota(jnp.int32, (yp.shape[1], h_dim), 1)
    sel = (pidx // _LANES == hidx).astype(_F32)
    ysc = _dot(yp, sel, lax.Precision.HIGHEST)
    ytc = ytc_ref[...].reshape(rows - ysc.shape[0], h_dim)
    y = jnp.concatenate([ysc, ytc], axis=0)
    h = node_ref[...].reshape(rows, h_dim)
    fn = _F32(n)
    for t in range(r_rounds):
        h16 = h.astype(_BF16)
        hterm = _dot(h16, wfab_ref[t, :h_dim, :]) * fn
        hs = jnp.sum(h16.astype(_F32).reshape(b_g, n, h_dim), axis=1)
        hsterm = _dot(hs, wfab_ref[t, h_dim:, :].astype(_F32), hi)
        hsrows = jnp.broadcast_to(hsterm[:, None, :], (b_g, n, 6 * h_dim))
        eterm = _dot(y, wfc_ref[t].astype(_F32), hi)
        agg = (hterm + hsrows.reshape(rows, 6 * h_dim) + eterm
               + fn * bf_ref[t][None, :])
        gi = _dot(agg.astype(_BF16), wih_ref[t]) + bih_ref[t][None, :]
        gh = _dot(h16, whh_ref[t]) + bhh_ref[t][None, :]
        i_r, i_z, i_n = jnp.split(gi, 3, axis=-1)
        h_r, h_z, h_n = jnp.split(gh, 3, axis=-1)
        r = jax.nn.sigmoid(i_r + h_r)
        z = jax.nn.sigmoid(i_z + h_z)
        nn = jnp.tanh(i_n + r * h_n)
        h = (1.0 - z) * nn + z * h

    out_ref[...] = jnp.sum(h.reshape(b_g, n, h_dim), axis=1)


def kernel(embedded_node, embedded_adjancy_matrix, Wf, bf, Wih, Whh, bih, bhh):
    b_g, n, _, h_dim = embedded_adjancy_matrix.shape
    r_rounds = Wf.shape[0]
    rows = b_g * n

    e_t = jnp.swapaxes(embedded_adjancy_matrix, 2, 3)
    b_sc = b_g // 2
    b_tc = b_g - b_sc
    y_sc = _make_esum(b_sc, n, h_dim, chunk_rows=2)(e_t)

    agg = jnp.asarray((np.arange(h_dim * n)[:, None] // n
                       == np.arange(h_dim)[None, :]), dtype=_BF16)
    nb = 32
    y_tc = pl.pallas_call(
        _tc_esum_kernel,
        grid=(b_tc, n // nb),
        in_specs=[
            pl.BlockSpec((1, nb, h_dim, n), lambda b, i: (b_sc + b, i, 0, 0)),
            pl.BlockSpec((h_dim * n, h_dim), lambda b, i: (0, 0)),
        ],
        out_specs=pl.BlockSpec((1, nb, h_dim), lambda b, i: (b, i, 0)),
        out_shape=jax.ShapeDtypeStruct((b_tc, n, h_dim), jnp.float32),
        compiler_params=pltpu.CompilerParams(
            dimension_semantics=("arbitrary", "arbitrary"),
        ),
    )(e_t, agg)

    wfc16 = Wf[:, 2 * h_dim:, :].astype(_BF16)
    wfab16 = Wf[:, :2 * h_dim, :].astype(_BF16)
    wih16 = Wih.astype(_BF16)
    whh16 = Whh.astype(_BF16)

    out = pl.pallas_call(
        _gru_kernel,
        out_shape=jax.ShapeDtypeStruct((b_g, h_dim), jnp.float32),
    )(y_sc, y_tc, embedded_node, wfab16, wfc16, bf, wih16, whh16, bih, bhh)
    return out

# --- scband reference (transcript-rebuilt; emitter-appended) ---
"""Pipeline reference for scband-propagation-block-85426899517640 (READ-ONLY COPY).

The authoritative reference and input builder live on the scoring server;
editing this copy changes nothing except your own understanding.
"""

import jax, jax.numpy as jnp
import numpy as np

B, N, H, R = 4, 128, 64, 3


def setup_inputs(seed: int = 0) -> dict:
    key = jax.random.key(seed)
    ks = jax.random.split(key, 8)
    embedded_node = jax.random.normal(ks[0], (B, N, H), dtype=jnp.float32)
    embedded_adjancy_matrix = jax.random.normal(ks[1], (B, N, N, H), dtype=jnp.float32) * 0.1
    # learned params (per propagation round, stacked on leading axis)
    Wf = jax.random.normal(ks[2], (R, 3 * H, 6 * H), dtype=jnp.float32) / np.sqrt(3 * H)
    bf = jnp.zeros((R, 6 * H), dtype=jnp.float32)
    Wih = jax.random.normal(ks[3], (R, 6 * H, 3 * H), dtype=jnp.float32) / np.sqrt(6 * H)
    Whh = jax.random.normal(ks[4], (R, H, 3 * H), dtype=jnp.float32) / np.sqrt(H)
    bih = jnp.zeros((R, 3 * H), dtype=jnp.float32)
    bhh = jnp.zeros((R, 3 * H), dtype=jnp.float32)
    return {
        "embedded_node": embedded_node,
        "embedded_adjancy_matrix": embedded_adjancy_matrix,
        "Wf": Wf, "bf": bf, "Wih": Wih, "Whh": Whh, "bih": bih, "bhh": bhh,
    }


def reference(embedded_node, embedded_adjancy_matrix, Wf, bf, Wih, Whh, bih, bhh):
    # PropagationBlock: for each round, build per-edge messages
    # m_ij = Linear([h_i ; h_j ; e_ij]) (3H -> 6H), aggregate over source nodes j,
    # then update node states with a GRU cell; final readout h_G = sum over nodes.
    h = embedded_node
    for t in range(R):
        hi = jnp.broadcast_to(h[:, :, None, :], (B, N, N, H))
        hj = jnp.broadcast_to(h[:, None, :, :], (B, N, N, H))
        msg_in = jnp.concatenate([hi, hj, embedded_adjancy_matrix], axis=-1)  # [B,N,N,3H]
        m = msg_in @ Wf[t] + bf[t]  # [B,N,N,6H]
        agg = m.sum(axis=2)  # [B,N,6H]
        gi = agg @ Wih[t] + bih[t]  # [B,N,3H]
        gh = h @ Whh[t] + bhh[t]    # [B,N,3H]
        i_r, i_z, i_n = jnp.split(gi, 3, axis=-1)
        h_r, h_z, h_n = jnp.split(gh, 3, axis=-1)
        r = jax.nn.sigmoid(i_r + h_r)
        z = jax.nn.sigmoid(i_z + h_z)
        n = jnp.tanh(i_n + r * h_n)
        h = (1.0 - z) * n + z * h
    h_G = h.sum(axis=1)  # [B,H]
    return h_G

if __name__ == "__main__":
    import jax
    _d = setup_inputs()
    print(jax.jit(kernel)(*tuple(_d.values())))

</pallas_src>

<mosaic_0001>
#map = affine_map<(d0, d1) -> (0, 0, 0, 0)>
#map1 = affine_map<(d0, d1) -> (0, 0)>
module attributes {stable_mosaic.version = 14 : i64} {
  func.func @body(%arg0: i32, %arg1: i32, %arg2: memref<4x128x64x128xf32, #tpu.memory_space<hbm>>, %arg3: memref<256x1024xf32, #tpu.memory_space<hbm>>, %arg4: memref<2x64x128xf32, #tpu.memory_space<vmem>>, %arg5: memref<2x64x128xf32, #tpu.memory_space<vmem>>, %arg6: memref<8x1024xf32, #tpu.memory_space<vmem>>, %arg7: memref<!tpu.dma_semaphore, #tpu.memory_space<semaphore_mem>>, %arg8: memref<!tpu.dma_semaphore, #tpu.memory_space<semaphore_mem>>) attributes {dimension_semantics = [#tpu.dimension_semantics<core_parallel>, #tpu.dimension_semantics<subcore_parallel>], iteration_bounds = array<i64: 2, 16>, scalar_prefetch = 0 : i64, scratch_operands = 5 : i64, tpu.core_type = #tpu.core_type<sc_vector_subcore>, window_params = [{transform_indices = #map}, {transform_indices = #map1}]} {
    %mul3A = arith.constant 2 : i32
    %mul3A_0 = arith.muli %arg1, %mul3A : i32
    %add3A = arith.addi %mul3A_0, %arg0 : i32
    %jit3A = arith.constant 16 : i32
    %div3A = arith.divsi %add3A, %jit3A : i32
    %sign3A = arith.constant 0 : i32
    %sign3A_1 = arith.cmpi sgt, %add3A, %sign3A : i32
    %sign3A_2 = arith.extui %sign3A_1 : i1 to i32
    %sign3A_3 = arith.constant 0 : i32
    %sign3A_4 = arith.cmpi slt, %add3A, %sign3A_3 : i32
    %sign3A_5 = arith.extui %sign3A_4 : i1 to i32
    %sign3A_6 = arith.subi %sign3A_2, %sign3A_5 : i32
    %sign3A_7 = arith.constant 0 : i32
    %sign3A_8 = arith.cmpi sgt, %jit3A, %sign3A_7 : i32
    %sign3A_9 = arith.extui %sign3A_8 : i1 to i32
    %sign3A_10 = arith.constant 0 : i32
    %sign3A_11 = arith.cmpi slt, %jit3A, %sign3A_10 : i32
    %sign3A_12 = arith.extui %sign3A_11 : i1 to i32
    %sign3A_13 = arith.subi %sign3A_9, %sign3A_12 : i32
    %ne3A = arith.cmpi ne, %sign3A_6, %sign3A_13 : i32
    %rem3A = arith.remsi %add3A, %jit3A : i32
    %ne3A_14 = arith.constant 0 : i32
    %ne3A_15 = arith.cmpi ne, %rem3A, %ne3A_14 : i32
    %and3A = arith.andi %ne3A, %ne3A_15 : i1
    %sub3A = arith.constant 1 : i32
    %sub3A_16 = arith.subi %div3A, %sub3A : i32
    %select_n3A = arith.select %and3A, %sub3A_16, %div3A : i32
    %jit3A_17 = arith.constant 16 : i32
    %eq3A = arith.constant 0 : i32
    %eq3A_18 = arith.cmpi eq, %jit3A_17, %eq3A : i32
    %jit3A_19 = arith.constant 1 : i32
    %select_n3A_20 = arith.select %eq3A_18, %jit3A_19, %jit3A_17 : i32
    %rem3A_21 = arith.remsi %add3A, %select_n3A_20 : i32
    %ne3A_22 = arith.constant 0 : i32
    %ne3A_23 = arith.cmpi ne, %rem3A_21, %ne3A_22 : i32
    %lt3A = arith.constant 0 : i32
    %lt3A_24 = arith.cmpi slt, %rem3A_21, %lt3A : i32
    %lt3A_25 = arith.constant 0 : i32
    %lt3A_26 = arith.cmpi slt, %select_n3A_20, %lt3A_25 : i32
    %ne3A_27 = arith.xori %lt3A_24, %lt3A_26 : i1
    %and3A_28 = arith.andi %ne3A_27, %ne3A_23 : i1
    %add3A_29 = arith.addi %rem3A_21, %select_n3A_20 : i32
    %select_n3A_30 = arith.select %and3A_28, %add3A_29, %rem3A_21 : i32
    %mul3A_31 = arith.constant 8 : i32
    %mul3A_32 = arith.muli %select_n3A_30, %mul3A_31 : i32
    %add3A_33 = arith.constant 0 : i32
    %add3A_34 = arith.addi %mul3A_32, %add3A_33 : i32
    %dma_start3A = arith.constant 0 : i32
    %dma_start3A_35 = arith.constant 0 : i32
    %dma_start3A_36 = tpu.memref_slice %arg2[%select_n3A, %add3A_34, %dma_start3A, %dma_start3A_35] : memref<4x128x64x128xf32, #tpu.memory_space<hbm>> -> memref<1x2x64x128xf32, #tpu.memory_space<hbm>>
    %dma_start3A_37 = tpu.memref_squeeze %dma_start3A_36 : memref<1x2x64x128xf32, #tpu.memory_space<hbm>> -> memref<2x64x128xf32, #tpu.memory_space<hbm>>
    %dma_start3A_38 = arith.constant 0 : i32
    %dma_start3A_39 = arith.constant 0 : i32
    %dma_start3A_40 = tpu.memref_slice %arg2[%select_n3A, %add3A_34, %dma_start3A_38, %dma_start3A_39] : memref<4x128x64x128xf32, #tpu.memory_space<hbm>> -> memref<1x2x64x128xf32, #tpu.memory_space<hbm>>
    %dma_start3A_41 = tpu.memref_squeeze %dma_start3A_40 : memref<1x2x64x128xf32, #tpu.memory_space<hbm>> -> memref<2x64x128xf32, #tpu.memory_space<hbm>>
    tpu.enqueue_dma source(%dma_start3A_41 : memref<2x64x128xf32, #tpu.memory_space<hbm>>) target(%arg4 : memref<2x64x128xf32, #tpu.memory_space<vmem>>) target_semaphore(%arg7 : memref<!tpu.dma_semaphore, #tpu.memory_space<semaphore_mem>>)
    %add3A_42 = arith.constant 2 : i32
    %add3A_43 = arith.addi %mul3A_32, %add3A_42 : i32
    %dma_start3A_44 = arith.constant 0 : i32
    %dma_start3A_45 = arith.constant 0 : i32
    %dma_start3A_46 = tpu.memref_slice %arg2[%select_n3A, %add3A_43, %dma_start3A_44, %dma_start3A_45] : memref<4x128x64x128xf32, #tpu.memory_space<hbm>> -> memref<1x2x64x128xf32, #tpu.memory_space<hbm>>
    %dma_start3A_47 = tpu.memref_squeeze %dma_start3A_46 : memref<1x2x64x128xf32, #tpu.memory_space<hbm>> -> memref<2x64x128xf32, #tpu.memory_space<hbm>>
    %dma_start3A_48 = arith.constant 0 : i32
    %dma_start3A_49 = arith.constant 0 : i32
    %dma_start3A_50 = tpu.memref_slice %arg2[%select_n3A, %add3A_43, %dma_start3A_48, %dma_start3A_49] : memref<4x128x64x128xf32, #tpu.memory_space<hbm>> -> memref<1x2x64x128xf32, #tpu.memory_space<hbm>>
    %dma_start3A_51 = tpu.memref_squeeze %dma_start3A_50 : memref<1x2x64x128xf32, #tpu.memory_space<hbm>> -> memref<2x64x128xf32, #tpu.memory_space<hbm>>
    tpu.enqueue_dma source(%dma_start3A_51 : memref<2x64x128xf32, #tpu.memory_space<hbm>>) target(%arg5 : memref<2x64x128xf32, #tpu.memory_space<vmem>>) target_semaphore(%arg8 : memref<!tpu.dma_semaphore, #tpu.memory_space<semaphore_mem>>)
    %dma_wait3A = arith.constant 0 : i32
    %dma_wait3A_52 = arith.constant 0 : i32
    %dma_wait3A_53 = tpu.memref_slice %arg2[%select_n3A, %add3A_34, %dma_wait3A, %dma_wait3A_52] : memref<4x128x64x128xf32, #tpu.memory_space<hbm>> -> memref<1x2x64x128xf32, #tpu.memory_space<hbm>>
    %dma_wait3A_54 = tpu.memref_squeeze %dma_wait3A_53 : memref<1x2x64x128xf32, #tpu.memory_space<hbm>> -> memref<2x64x128xf32, #tpu.memory_space<hbm>>
    %dma_wait3A_55 = arith.constant 0 : i32
    %dma_wait3A_56 = arith.constant 0 : i32
    %dma_wait3A_57 = tpu.memref_slice %arg2[%select_n3A, %add3A_34, %dma_wait3A_55, %dma_wait3A_56] : memref<4x128x64x128xf32, #tpu.memory_space<hbm>> -> memref<1x2x64x128xf32, #tpu.memory_space<hbm>>
    %dma_wait3A_58 = tpu.memref_squeeze %dma_wait3A_57 : memref<1x2x64x128xf32, #tpu.memory_space<hbm>> -> memref<2x64x128xf32, #tpu.memory_space<hbm>>
    tpu.wait_dma2 semaphore(%arg7 : memref<!tpu.dma_semaphore, #tpu.memory_space<semaphore_mem>>) src(%dma_wait3A_58 : memref<2x64x128xf32, #tpu.memory_space<hbm>>) dst(%arg4 : memref<2x64x128xf32, #tpu.memory_space<vmem>>)
    %scan3A = arith.constant 0 : i32
    %scan3A_59 = arith.constant 0 : i32
    %scan3A_60 = arith.constant 64 : i32
    %scan3A_61 = arith.addi %scan3A_59, %scan3A_60 : i32
    %scan3A_62 = arith.constant 1 : i32
    scf.for %scan3A_152 = %scan3A_59 to %scan3A_61 step %scan3A_62  : i32 {
      %get3A = arith.constant 0 : i32
      %get3A_153 = arith.index_cast %get3A : i32 to index
      %get3A_154 = arith.index_cast %scan3A_152 : i32 to index
      %get3A_155 = arith.constant 0 : index
      %get3A_156 = tpu.vector_load %arg4[%get3A_153, %get3A_154, %get3A_155] {strides = array<i32>} : memref<2x64x128xf32, #tpu.memory_space<vmem>>, vector<1x1x16xf32>,
      %get3A_157 = vector.shape_cast %get3A_156 : vector<1x1x16xf32> to vector<16xf32>
      %bitcast_convert_type3A = tpu.bitcast %get3A_157 : vector<16xf32> -> vector<16xi32>
      %shift_right_arithmetic3A = arith.constant 16 : i32
      %shift_right_arithmetic3A_158 = vector.broadcast %shift_right_arithmetic3A : i32 to vector<16xi32>
      %shift_right_arithmetic3A_159 = arith.shrsi %bitcast_convert_type3A, %shift_right_arithmetic3A_158 : vector<16xi32>
      %and3A_160 = arith.constant 1 : i32
      %and3A_161 = vector.broadcast %and3A_160 : i32 to vector<16xi32>
      %and3A_162 = arith.andi %shift_right_arithmetic3A_159, %and3A_161 : vector<16xi32>
      %add3A_163 = arith.constant 32767 : i32
      %add3A_164 = vector.broadcast %add3A_163 : i32 to vector<16xi32>
      %add3A_165 = arith.addi %bitcast_convert_type3A, %add3A_164 : vector<16xi32>
      %add3A_166 = arith.addi %add3A_165, %and3A_162 : vector<16xi32>
      %and3A_167 = arith.constant -65536 : i32
      %and3A_168 = vector.broadcast %and3A_167 : i32 to vector<16xi32>
      %and3A_169 = arith.andi %add3A_166, %and3A_168 : vector<16xi32>
      %bitcast_convert_type3A_170 = tpu.bitcast %and3A_169 : vector<16xi32> -> vector<16xf32>
      %get3A_171 = arith.constant 0 : i32
      %get3A_172 = arith.index_cast %get3A_171 : i32 to index
      %get3A_173 = arith.index_cast %scan3A_152 : i32 to index
      %get3A_174 = arith.constant 16 : index
      %get3A_175 = tpu.vector_load %arg4[%get3A_172, %get3A_173, %get3A_174] {strides = array<i32>} : memref<2x64x128xf32, #tpu.memory_space<vmem>>, vector<1x1x16xf32>,
      %get3A_176 = vector.shape_cast %get3A_175 : vector<1x1x16xf32> to vector<16xf32>
      %bitcast_convert_type3A_177 = tpu.bitcast %get3A_176 : vector<16xf32> -> vector<16xi32>
      %shift_right_arithmetic3A_178 = arith.constant 16 : i32
      %shift_right_arithmetic3A_179 = vector.broadcast %shift_right_arithmetic3A_178 : i32 to vector<16xi32>
      %shift_right_arithmetic3A_180 = arith.shrsi %bitcast_convert_type3A_177, %shift_right_arithmetic3A_179 : vector<16xi32>
      %and3A_181 = arith.constant 1 : i32
      %and3A_182 = vector.broadcast %and3A_181 : i32 to vector<16xi32>
      %and3A_183 = arith.andi %shift_right_arithmetic3A_180, %and3A_182 : vector<16xi32>
      %add3A_184 = arith.constant 32767 : i32
      %add3A_185 = vector.broadcast %add3A_184 : i32 to vector<16xi32>
      %add3A_186 = arith.addi %bitcast_convert_type3A_177, %add3A_185 : vector<16xi32>
      %add3A_187 = arith.addi %add3A_186, %and3A_183 : vector<16xi32>
      %and3A_188 = arith.constant -65536 : i32
      %and3A_189 = vector.broadcast %and3A_188 : i32 to vector<16xi32>
      %and3A_190 = arith.andi %add3A_187, %and3A_189 : vector<16xi32>
      %bitcast_convert_type3A_191 = tpu.bitcast %and3A_190 : vector<16xi32> -> vector<16xf32>
      %get3A_192 = arith.constant 0 : i32
      %get3A_193 = arith.index_cast %get3A_192 : i32 to index
      %get3A_194 = arith.index_cast %scan3A_152 : i32 to index
      %get3A_195 = arith.constant 32 : index
      %get3A_196 = tpu.vector_load %arg4[%get3A_193, %get3A_194, %get3A_195] {strides = array<i32>} : memref<2x64x128xf32, #tpu.memory_space<vmem>>, vector<1x1x16xf32>,
      %get3A_197 = vector.shape_cast %get3A_196 : vector<1x1x16xf32> to vector<16xf32>
      %bitcast_convert_type3A_198 = tpu.bitcast %get3A_197 : vector<16xf32> -> vector<16xi32>
      %shift_right_arithmetic3A_199 = arith.constant 16 : i32
      %shift_right_arithmetic3A_200 = vector.broadcast %shift_right_arithmetic3A_199 : i32 to vector<16xi32>
      %shift_right_arithmetic3A_201 = arith.shrsi %bitcast_convert_type3A_198, %shift_right_arithmetic3A_200 : vector<16xi32>
      %and3A_202 = arith.constant 1 : i32
      %and3A_203 = vector.broadcast %and3A_202 : i32 to vector<16xi32>
      %and3A_204 = arith.andi %shift_right_arithmetic3A_201, %and3A_203 : vector<16xi32>
      %add3A_205 = arith.constant 32767 : i32
      %add3A_206 = vector.broadcast %add3A_205 : i32 to vector<16xi32>
      %add3A_207 = arith.addi %bitcast_convert_type3A_198, %add3A_206 : vector<16xi32>
      %add3A_208 = arith.addi %add3A_207, %and3A_204 : vector<16xi32>
      %and3A_209 = arith.constant -65536 : i32
      %and3A_210 = vector.broadcast %and3A_209 : i32 to vector<16xi32>
      %and3A_211 = arith.andi %add3A_208, %and3A_210 : vector<16xi32>
      %bitcast_convert_type3A_212 = tpu.bitcast %and3A_211 : vector<16xi32> -> vector<16xf32>
      %get3A_213 = arith.constant 0 : i32
      %get3A_214 = arith.index_cast %get3A_213 : i32 to index
      %get3A_215 = arith.index_cast %scan3A_152 : i32 to index
      %get3A_216 = arith.constant 48 : index
      %get3A_217 = tpu.vector_load %arg4[%get3A_214, %get3A_215, %get3A_216] {strides = array<i32>} : memref<2x64x128xf32, #tpu.memory_space<vmem>>, vector<1x1x16xf32>,
      %get3A_218 = vector.shape_cast %get3A_217 : vector<1x1x16xf32> to vector<16xf32>
      %bitcast_convert_type3A_219 = tpu.bitcast %get3A_218 : vector<16xf32> -> vector<16xi32>
      %shift_right_arithmetic3A_220 = arith.constant 16 : i32
      %shift_right_arithmetic3A_221 = vector.broadcast %shift_right_arithmetic3A_220 : i32 to vector<16xi32>
      %shift_right_arithmetic3A_222 = arith.shrsi %bitcast_convert_type3A_219, %shift_right_arithmetic3A_221 : vector<16xi32>
      %and3A_223 = arith.constant 1 : i32
      %and3A_224 = vector.broadcast %and3A_223 : i32 to vector<16xi32>
      %and3A_225 = arith.andi %shift_right_arithmetic3A_222, %and3A_224 : vector<16xi32>
      %add3A_226 = arith.constant 32767 : i32
      %add3A_227 = vector.broadcast %add3A_226 : i32 to vector<16xi32>
      %add3A_228 = arith.addi %bitcast_convert_type3A_219, %add3A_227 : vector<16xi32>
      %add3A_229 = arith.addi %add3A_228, %and3A_225 : vector<16xi32>
      %and3A_230 = arith.constant -65536 : i32
      %and3A_231 = vector.broadcast %and3A_230 : i32 to vector<16xi32>
      %and3A_232 = arith.andi %add3A_229, %and3A_231 : vector<16xi32>
      %bitcast_convert_type3A_233 = tpu.bitcast %and3A_232 : vector<16xi32> -> vector<16xf32>
      %get3A_234 = arith.constant 0 : i32
      %get3A_235 = arith.index_cast %get3A_234 : i32 to index
      %get3A_236 = arith.index_cast %scan3A_152 : i32 to index
      %get3A_237 = arith.constant 64 : index
      %get3A_238 = tpu.vector_load %arg4[%get3A_235, %get3A_236, %get3A_237] {strides = array<i32>} : memref<2x64x128xf32, #tpu.memory_space<vmem>>, vector<1x1x16xf32>,
      %get3A_239 = vector.shape_cast %get3A_238 : vector<1x1x16xf32> to vector<16xf32>
      %bitcast_convert_type3A_240 = tpu.bitcast %get3A_239 : vector<16xf32> -> vector<16xi32>
      %shift_right_arithmetic3A_241 = arith.constant 16 : i32
      %shift_right_arithmetic3A_242 = vector.broadcast %shift_right_arithmetic3A_241 : i32 to vector<16xi32>
      %shift_right_arithmetic3A_243 = arith.shrsi %bitcast_convert_type3A_240, %shift_right_arithmetic3A_242 : vector<16xi32>
      %and3A_244 = arith.constant 1 : i32
      %and3A_245 = vector.broadcast %and3A_244 : i32 to vector<16xi32>
      %and3A_246 = arith.andi %shift_right_arithmetic3A_243, %and3A_245 : vector<16xi32>
      %add3A_247 = arith.constant 32767 : i32
      %add3A_248 = vector.broadcast %add3A_247 : i32 to vector<16xi32>
      %add3A_249 = arith.addi %bitcast_convert_type3A_240, %add3A_248 : vector<16xi32>
      %add3A_250 = arith.addi %add3A_249, %and3A_246 : vector<16xi32>
      %and3A_251 = arith.constant -65536 : i32
      %and3A_252 = vector.broadcast %and3A_251 : i32 to vector<16xi32>
      %and3A_253 = arith.andi %add3A_250, %and3A_252 : vector<16xi32>
      %bitcast_convert_type3A_254 = tpu.bitcast %and3A_253 : vector<16xi32> -> vector<16xf32>
      %get3A_255 = arith.constant 0 : i32
      %get3A_256 = arith.index_cast %get3A_255 : i32 to index
      %get3A_257 = arith.index_cast %scan3A_152 : i32 to index
      %get3A_258 = arith.constant 80 : index
      %get3A_259 = tpu.vector_load %arg4[%get3A_256, %get3A_257, %get3A_258] {strides = array<i32>} : memref<2x64x128xf32, #tpu.memory_space<vmem>>, vector<1x1x16xf32>,
      %get3A_260 = vector.shape_cast %get3A_259 : vector<1x1x16xf32> to vector<16xf32>
      %bitcast_convert_type3A_261 = tpu.bitcast %get3A_260 : vector<16xf32> -> vector<16xi32>
      %shift_right_arithmetic3A_262 = arith.constant 16 : i32
      %shift_right_arithmetic3A_263 = vector.broadcast %shift_right_arithmetic3A_262 : i32 to vector<16xi32>
      %shift_right_arithmetic3A_264 = arith.shrsi %bitcast_convert_type3A_261, %shift_right_arithmetic3A_263 : vector<16xi32>
      %and3A_265 = arith.constant 1 : i32
      %and3A_266 = vector.broadcast %and3A_265 : i32 to vector<16xi32>
      %and3A_267 = arith.andi %shift_right_arithmetic3A_264, %and3A_266 : vector<16xi32>
      %add3A_268 = arith.constant 32767 : i32
      %add3A_269 = vector.broadcast %add3A_268 : i32 to vector<16xi32>
      %add3A_270 = arith.addi %bitcast_convert_type3A_261, %add3A_269 : vector<16xi32>
      %add3A_271 = arith.addi %add3A_270, %and3A_267 : vector<16xi32>
      %and3A_272 = arith.constant -65536 : i32
      %and3A_273 = vector.broadcast %and3A_272 : i32 to vector<16xi32>
      %and3A_274 = arith.andi %add3A_271, %and3A_273 : vector<16xi32>
      %bitcast_convert_type3A_275 = tpu.bitcast %and3A_274 : vector<16xi32> -> vector<16xf32>
      %get3A_276 = arith.constant 0 : i32
      %get3A_277 = arith.index_cast %get3A_276 : i32 to index
      %get3A_278 = arith.index_cast %scan3A_152 : i32 to index
      %get3A_279 = arith.constant 96 : index
      %get3A_280 = tpu.vector_load %arg4[%get3A_277, %get3A_278, %get3A_279] {strides = array<i32>} : memref<2x64x128xf32, #tpu.memory_space<vmem>>, vector<1x1x16xf32>,
      %get3A_281 = vector.shape_cast %get3A_280 : vector<1x1x16xf32> to vector<16xf32>
      %bitcast_convert_type3A_282 = tpu.bitcast %get3A_281 : vector<16xf32> -> vector<16xi32>
      %shift_right_arithmetic3A_283 = arith.constant 16 : i32
      %shift_right_arithmetic3A_284 = vector.broadcast %shift_right_arithmetic3A_283 : i32 to vector<16xi32>
      %shift_right_arithmetic3A_285 = arith.shrsi %bitcast_convert_type3A_282, %shift_right_arithmetic3A_284 : vector<16xi32>
      %and3A_286 = arith.constant 1 : i32
      %and3A_287 = vector.broadcast %and3A_286 : i32 to vector<16xi32>
      %and3A_288 = arith.andi %shift_right_arithmetic3A_285, %and3A_287 : vector<16xi32>
      %add3A_289 = arith.constant 32767 : i32
      %add3A_290 = vector.broadcast %add3A_289 : i32 to vector<16xi32>
      %add3A_291 = arith.addi %bitcast_convert_type3A_282, %add3A_290 : vector<16xi32>
      %add3A_292 = arith.addi %add3A_291, %and3A_288 : vector<16xi32>
      %and3A_293 = arith.constant -65536 : i32
      %and3A_294 = vector.broadcast %and3A_293 : i32 to vector<16xi32>
      %and3A_295 = arith.andi %add3A_292, %and3A_294 : vector<16xi32>
      %bitcast_convert_type3A_296 = tpu.bitcast %and3A_295 : vector<16xi32> -> vector<16xf32>
      %get3A_297 = arith.constant 0 : i32
      %get3A_298 = arith.index_cast %get3A_297 : i32 to index
      %get3A_299 = arith.index_cast %scan3A_152 : i32 to index
      %get3A_300 = arith.constant 112 : index
      %get3A_301 = tpu.vector_load %arg4[%get3A_298, %get3A_299, %get3A_300] {strides = array<i32>} : memref<2x64x128xf32, #tpu.memory_space<vmem>>, vector<1x1x16xf32>,
      %get3A_302 = vector.shape_cast %get3A_301 : vector<1x1x16xf32> to vector<16xf32>
      %bitcast_convert_type3A_303 = tpu.bitcast %get3A_302 : vector<16xf32> -> vector<16xi32>
      %shift_right_arithmetic3A_304 = arith.constant 16 : i32
      %shift_right_arithmetic3A_305 = vector.broadcast %shift_right_arithmetic3A_304 : i32 to vector<16xi32>
      %shift_right_arithmetic3A_306 = arith.shrsi %bitcast_convert_type3A_303, %shift_right_arithmetic3A_305 : vector<16xi32>
      %and3A_307 = arith.constant 1 : i32
      %and3A_308 = vector.broadcast %and3A_307 : i32 to vector<16xi32>
      %and3A_309 = arith.andi %shift_right_arithmetic3A_306, %and3A_308 : vector<16xi32>
      %add3A_310 = arith.constant 32767 : i32
      %add3A_311 = vector.broadcast %add3A_310 : i32 to vector<16xi32>
      %add3A_312 = arith.addi %bitcast_convert_type3A_303, %add3A_311 : vector<16xi32>
      %add3A_313 = arith.addi %add3A_312, %and3A_309 : vector<16xi32>
      %and3A_314 = arith.constant -65536 : i32
      %and3A_315 = vector.broadcast %and3A_314 : i32 to vector<16xi32>
      %and3A_316 = arith.andi %add3A_313, %and3A_315 : vector<16xi32>
      %bitcast_convert_type3A_317 = tpu.bitcast %and3A_316 : vector<16xi32> -> vector<16xf32>
      %add3A_318 = arith.addf %bitcast_convert_type3A_170, %bitcast_convert_type3A_191 : vector<16xf32>
      %add3A_319 = arith.addf %bitcast_convert_type3A_212, %bitcast_convert_type3A_233 : vector<16xf32>
      %add3A_320 = arith.addf %bitcast_convert_type3A_254, %bitcast_convert_type3A_275 : vector<16xf32>
      %add3A_321 = arith.addf %bitcast_convert_type3A_296, %bitcast_convert_type3A_317 : vector<16xf32>
      %add3A_322 = arith.addf %add3A_318, %add3A_319 : vector<16xf32>
      %add3A_323 = arith.addf %add3A_320, %add3A_321 : vector<16xf32>
      %add3A_324 = arith.addf %add3A_322, %add3A_323 : vector<16xf32>
      %mul3A_325 = arith.constant 16 : i32
      %mul3A_326 = arith.muli %scan3A_152, %mul3A_325 : i32
      %swap3A = arith.constant 0 : i32
      %swap3A_327 = arith.index_cast %swap3A : i32 to index
      %swap3A_328 = arith.index_cast %mul3A_326 : i32 to index
      %swap3A_329 = tpu.vector_load %arg6[%swap3A_327, %swap3A_328] {strides = array<i32>} : memref<8x1024xf32, #tpu.memory_space<vmem>>, vector<1x16xf32>,
      %swap3A_330 = vector.shape_cast %swap3A_329 : vector<1x16xf32> to vector<16xf32>
      %swap3A_331 = vector.shape_cast %add3A_324 : vector<16xf32> to vector<1x16xf32>
      tpu.vector_store %arg6[%swap3A_327, %swap3A_328], %swap3A_331 {strides = array<i32>} : memref<8x1024xf32, #tpu.memory_space<vmem>>, vector<1x16xf32>,
    }
    %scan3A_63 = arith.constant 64 : i32
    %scan3A_64 = arith.constant 0 : i32
    %scan3A_65 = arith.constant 0 : i32
    %scan3A_66 = arith.constant 64 : i32
    %scan3A_67 = arith.addi %scan3A_65, %scan3A_66 : i32
    %scan3A_68 = arith.constant 1 : i32
    scf.for %scan3A_152 = %scan3A_65 to %scan3A_67 step %scan3A_68  : i32 {
      %get3A = arith.constant 1 : i32
      %get3A_153 = arith.index_cast %get3A : i32 to index
      %get3A_154 = arith.index_cast %scan3A_152 : i32 to index
      %get3A_155 = arith.constant 0 : index
      %get3A_156 = tpu.vector_load %arg4[%get3A_153, %get3A_154, %get3A_155] {strides = array<i32>} : memref<2x64x128xf32, #tpu.memory_space<vmem>>, vector<1x1x16xf32>,
      %get3A_157 = vector.shape_cast %get3A_156 : vector<1x1x16xf32> to vector<16xf32>
      %bitcast_convert_type3A = tpu.bitcast %get3A_157 : vector<16xf32> -> vector<16xi32>
      %shift_right_arithmetic3A = arith.constant 16 : i32
      %shift_right_arithmetic3A_158 = vector.broadcast %shift_right_arithmetic3A : i32 to vector<16xi32>
      %shift_right_arithmetic3A_159 = arith.shrsi %bitcast_convert_type3A, %shift_right_arithmetic3A_158 : vector<16xi32>
      %and3A_160 = arith.constant 1 : i32
      %and3A_161 = vector.broadcast %and3A_160 : i32 to vector<16xi32>
      %and3A_162 = arith.andi %shift_right_arithmetic3A_159, %and3A_161 : vector<16xi32>
      %add3A_163 = arith.constant 32767 : i32
      %add3A_164 = vector.broadcast %add3A_163 : i32 to vector<16xi32>
      %add3A_165 = arith.addi %bitcast_convert_type3A, %add3A_164 : vector<16xi32>
      %add3A_166 = arith.addi %add3A_165, %and3A_162 : vector<16xi32>
      %and3A_167 = arith.constant -65536 : i32
      %and3A_168 = vector.broadcast %and3A_167 : i32 to vector<16xi32>
      %and3A_169 = arith.andi %add3A_166, %and3A_168 : vector<16xi32>
      %bitcast_convert_type3A_170 = tpu.bitcast %and3A_169 : vector<16xi32> -> vector<16xf32>
      %get3A_171 = arith.constant 1 : i32
      %get3A_172 = arith.index_cast %get3A_171 : i32 to index
      %get3A_173 = arith.index_cast %scan3A_152 : i32 to index
      %get3A_174 = arith.constant 16 : index
      %get3A_175 = tpu.vector_load %arg4[%get3A_172, %get3A_173, %get3A_174] {strides = array<i32>} : memref<2x64x128xf32, #tpu.memory_space<vmem>>, vector<1x1x16xf32>,
      %get3A_176 = vector.shape_cast %get3A_175 : vector<1x1x16xf32> to vector<16xf32>
      %bitcast_convert_type3A_177 = tpu.bitcast %get3A_176 : vector<16xf32> -> vector<16xi32>
      %shift_right_arithmetic3A_178 = arith.constant 16 : i32
      %shift_right_arithmetic3A_179 = vector.broadcast %shift_right_arithmetic3A_178 : i32 to vector<16xi32>
      %shift_right_arithmetic3A_180 = arith.shrsi %bitcast_convert_type3A_177, %shift_right_arithmetic3A_179 : vector<16xi32>
      %and3A_181 = arith.constant 1 : i32
      %and3A_182 = vector.broadcast %and3A_181 : i32 to vector<16xi32>
      %and3A_183 = arith.andi %shift_right_arithmetic3A_180, %and3A_182 : vector<16xi32>
      %add3A_184 = arith.constant 32767 : i32
      %add3A_185 = vector.broadcast %add3A_184 : i32 to vector<16xi32>
      %add3A_186 = arith.addi %bitcast_convert_type3A_177, %add3A_185 : vector<16xi32>
      %add3A_187 = arith.addi %add3A_186, %and3A_183 : vector<16xi32>
      %and3A_188 = arith.constant -65536 : i32
      %and3A_189 = vector.broadcast %and3A_188 : i32 to vector<16xi32>
      %and3A_190 = arith.andi %add3A_187, %and3A_189 : vector<16xi32>
      %bitcast_convert_type3A_191 = tpu.bitcast %and3A_190 : vector<16xi32> -> vector<16xf32>
      %get3A_192 = arith.constant 1 : i32
      %get3A_193 = arith.index_cast %get3A_192 : i32 to index
      %get3A_194 = arith.index_cast %scan3A_152 : i32 to index
      %get3A_195 = arith.constant 32 : index
      %get3A_196 = tpu.vector_load %arg4[%get3A_193, %get3A_194, %get3A_195] {strides = array<i32>} : memref<2x64x128xf32, #tpu.memory_space<vmem>>, vector<1x1x16xf32>,
      %get3A_197 = vector.shape_cast %get3A_196 : vector<1x1x16xf32> to vector<16xf32>
      %bitcast_convert_type3A_198 = tpu.bitcast %get3A_197 : vector<16xf32> -> vector<16xi32>
      %shift_right_arithmetic3A_199 = arith.constant 16 : i32
      %shift_right_arithmetic3A_200 = vector.broadcast %shift_right_arithmetic3A_199 : i32 to vector<16xi32>
      %shift_right_arithmetic3A_201 = arith.shrsi %bitcast_convert_type3A_198, %shift_right_arithmetic3A_200 : vector<16xi32>
      %and3A_202 = arith.constant 1 : i32
      %and3A_203 = vector.broadcast %and3A_202 : i32 to vector<16xi32>
      %and3A_204 = arith.andi %shift_right_arithmetic3A_201, %and3A_203 : vector<16xi32>
      %add3A_205 = arith.constant 32767 : i32
      %add3A_206 = vector.broadcast %add3A_205 : i32 to vector<16xi32>
      %add3A_207 = arith.addi %bitcast_convert_type3A_198, %add3A_206 : vector<16xi32>
      %add3A_208 = arith.addi %add3A_207, %and3A_204 : vector<16xi32>
      %and3A_209 = arith.constant -65536 : i32
      %and3A_210 = vector.broadcast %and3A_209 : i32 to vector<16xi32>
      %and3A_211 = arith.andi %add3A_208, %and3A_210 : vector<16xi32>
      %bitcast_convert_type3A_212 = tpu.bitcast %and3A_211 : vector<16xi32> -> vector<16xf32>
      %get3A_213 = arith.constant 1 : i32
      %get3A_214 = arith.index_cast %get3A_213 : i32 to index
      %get3A_215 = arith.index_cast %scan3A_152 : i32 to index
      %get3A_216 = arith.constant 48 : index
      %get3A_217 = tpu.vector_load %arg4[%get3A_214, %get3A_215, %get3A_216] {strides = array<i32>} : memref<2x64x128xf32, #tpu.memory_space<vmem>>, vector<1x1x16xf32>,
      %get3A_218 = vector.shape_cast %get3A_217 : vector<1x1x16xf32> to vector<16xf32>
      %bitcast_convert_type3A_219 = tpu.bitcast %get3A_218 : vector<16xf32> -> vector<16xi32>
      %shift_right_arithmetic3A_220 = arith.constant 16 : i32
      %shift_right_arithmetic3A_221 = vector.broadcast %shift_right_arithmetic3A_220 : i32 to vector<16xi32>
      %shift_right_arithmetic3A_222 = arith.shrsi %bitcast_convert_type3A_219, %shift_right_arithmetic3A_221 : vector<16xi32>
      %and3A_223 = arith.constant 1 : i32
      %and3A_224 = vector.broadcast %and3A_223 : i32 to vector<16xi32>
      %and3A_225 = arith.andi %shift_right_arithmetic3A_222, %and3A_224 : vector<16xi32>
      %add3A_226 = arith.constant 32767 : i32
      %add3A_227 = vector.broadcast %add3A_226 : i32 to vector<16xi32>
      %add3A_228 = arith.addi %bitcast_convert_type3A_219, %add3A_227 : vector<16xi32>
      %add3A_229 = arith.addi %add3A_228, %and3A_225 : vector<16xi32>
      %and3A_230 = arith.constant -65536 : i32
      %and3A_231 = vector.broadcast %and3A_230 : i32 to vector<16xi32>
      %and3A_232 = arith.andi %add3A_229, %and3A_231 : vector<16xi32>
      %bitcast_convert_type3A_233 = tpu.bitcast %and3A_232 : vector<16xi32> -> vector<16xf32>
      %get3A_234 = arith.constant 1 : i32
      %get3A_235 = arith.index_cast %get3A_234 : i32 to index
      %get3A_236 = arith.index_cast %scan3A_152 : i32 to index
      %get3A_237 = arith.constant 64 : index
      %get3A_238 = tpu.vector_load %arg4[%get3A_235, %get3A_236, %get3A_237] {strides = array<i32>} : memref<2x64x128xf32, #tpu.memory_space<vmem>>, vector<1x1x16xf32>,
      %get3A_239 = vector.shape_cast %get3A_238 : vector<1x1x16xf32> to vector<16xf32>
      %bitcast_convert_type3A_240 = tpu.bitcast %get3A_239 : vector<16xf32> -> vector<16xi32>
      %shift_right_arithmetic3A_241 = arith.constant 16 : i32
      %shift_right_arithmetic3A_242 = vector.broadcast %shift_right_arithmetic3A_241 : i32 to vector<16xi32>
      %shift_right_arithmetic3A_243 = arith.shrsi %bitcast_convert_type3A_240, %shift_right_arithmetic3A_242 : vector<16xi32>
      %and3A_244 = arith.constant 1 : i32
      %and3A_245 = vector.broadcast %and3A_244 : i32 to vector<16xi32>
      %and3A_246 = arith.andi %shift_right_arithmetic3A_243, %and3A_245 : vector<16xi32>
      %add3A_247 = arith.constant 32767 : i32
      %add3A_248 = vector.broadcast %add3A_247 : i32 to vector<16xi32>
      %add3A_249 = arith.addi %bitcast_convert_type3A_240, %add3A_248 : vector<16xi32>
      %add3A_250 = arith.addi %add3A_249, %and3A_246 : vector<16xi32>
      %and3A_251 = arith.constant -65536 : i32
      %and3A_252 = vector.broadcast %and3A_251 : i32 to vector<16xi32>
      %and3A_253 = arith.andi %add3A_250, %and3A_252 : vector<16xi32>
      %bitcast_convert_type3A_254 = tpu.bitcast %and3A_253 : vector<16xi32> -> vector<16xf32>
      %get3A_255 = arith.constant 1 : i32
      %get3A_256 = arith.index_cast %get3A_255 : i32 to index
      %get3A_257 = arith.index_cast %scan3A_152 : i32 to index
      %get3A_258 = arith.constant 80 : index
      %get3A_259 = tpu.vector_load %arg4[%get3A_256, %get3A_257, %get3A_258] {strides = array<i32>} : memref<2x64x128xf32, #tpu.memory_space<vmem>>, vector<1x1x16xf32>,
      %get3A_260 = vector.shape_cast %get3A_259 : vector<1x1x16xf32> to vector<16xf32>
      %bitcast_convert_type3A_261 = tpu.bitcast %get3A_260 : vector<16xf32> -> vector<16xi32>
      %shift_right_arithmetic3A_262 = arith.constant 16 : i32
      %shift_right_arithmetic3A_263 = vector.broadcast %shift_right_arithmetic3A_262 : i32 to vector<16xi32>
      %shift_right_arithmetic3A_264 = arith.shrsi %bitcast_convert_type3A_261, %shift_right_arithmetic3A_263 : vector<16xi32>
      %and3A_265 = arith.constant 1 : i32
      %and3A_266 = vector.broadcast %and3A_265 : i32 to vector<16xi32>
      %and3A_267 = arith.andi %shift_right_arithmetic3A_264, %and3A_266 : vector<16xi32>
      %add3A_268 = arith.constant 32767 : i32
      %add3A_269 = vector.broadcast %add3A_268 : i32 to vector<16xi32>
      %add3A_270 = arith.addi %bitcast_convert_type3A_261, %add3A_269 : vector<16xi32>
      %add3A_271 = arith.addi %add3A_270, %and3A_267 : vector<16xi32>
      %and3A_272 = arith.constant -65536 : i32
      %and3A_273 = vector.broadcast %and3A_272 : i32 to vector<16xi32>
      %and3A_274 = arith.andi %add3A_271, %and3A_273 : vector<16xi32>
      %bitcast_convert_type3A_275 = tpu.bitcast %and3A_274 : vector<16xi32> -> vector<16xf32>
      %get3A_276 = arith.constant 1 : i32
      %get3A_277 = arith.index_cast %get3A_276 : i32 to index
      %get3A_278 = arith.index_cast %scan3A_152 : i32 to index
      %get3A_279 = arith.constant 96 : index
      %get3A_280 = tpu.vector_load %arg4[%get3A_277, %get3A_278, %get3A_279] {strides = array<i32>} : memref<2x64x128xf32, #tpu.memory_space<vmem>>, vector<1x1x16xf32>,
      %get3A_281 = vector.shape_cast %get3A_280 : vector<1x1x16xf32> to vector<16xf32>
      %bitcast_convert_type3A_282 = tpu.bitcast %get3A_281 : vector<16xf32> -> vector<16xi32>
      %shift_right_arithmetic3A_283 = arith.constant 16 : i32
      %shift_right_arithmetic3A_284 = vector.broadcast %shift_right_arithmetic3A_283 : i32 to vector<16xi32>
      %shift_right_arithmetic3A_285 = arith.shrsi %bitcast_convert_type3A_282, %shift_right_arithmetic3A_284 : vector<16xi32>
      %and3A_286 = arith.constant 1 : i32
      %and3A_287 = vector.broadcast %and3A_286 : i32 to vector<16xi32>
      %and3A_288 = arith.andi %shift_right_arithmetic3A_285, %and3A_287 : vector<16xi32>
      %add3A_289 = arith.constant 32767 : i32
      %add3A_290 = vector.broadcast %add3A_289 : i32 to vector<16xi32>
      %add3A_291 = arith.addi %bitcast_convert_type3A_282, %add3A_290 : vector<16xi32>
      %add3A_292 = arith.addi %add3A_291, %and3A_288 : vector<16xi32>
      %and3A_293 = arith.constant -65536 : i32
      %and3A_294 = vector.broadcast %and3A_293 : i32 to vector<16xi32>
      %and3A_295 = arith.andi %add3A_292, %and3A_294 : vector<16xi32>
      %bitcast_convert_type3A_296 = tpu.bitcast %and3A_295 : vector<16xi32> -> vector<16xf32>
      %get3A_297 = arith.constant 1 : i32
      %get3A_298 = arith.index_cast %get3A_297 : i32 to index
      %get3A_299 = arith.index_cast %scan3A_152 : i32 to index
      %get3A_300 = arith.constant 112 : index
      %get3A_301 = tpu.vector_load %arg4[%get3A_298, %get3A_299, %get3A_300] {strides = array<i32>} : memref<2x64x128xf32, #tpu.memory_space<vmem>>, vector<1x1x16xf32>,
      %get3A_302 = vector.shape_cast %get3A_301 : vector<1x1x16xf32> to vector<16xf32>
      %bitcast_convert_type3A_303 = tpu.bitcast %get3A_302 : vector<16xf32> -> vector<16xi32>
      %shift_right_arithmetic3A_304 = arith.constant 16 : i32
      %shift_right_arithmetic3A_305 = vector.broadcast %shift_right_arithmetic3A_304 : i32 to vector<16xi32>
      %shift_right_arithmetic3A_306 = arith.shrsi %bitcast_convert_type3A_303, %shift_right_arithmetic3A_305 : vector<16xi32>
      %and3A_307 = arith.constant 1 : i32
      %and3A_308 = vector.broadcast %and3A_307 : i32 to vector<16xi32>
      %and3A_309 = arith.andi %shift_right_arithmetic3A_306, %and3A_308 : vector<16xi32>
      %add3A_310 = arith.constant 32767 : i32
      %add3A_311 = vector.broadcast %add3A_310 : i32 to vector<16xi32>
      %add3A_312 = arith.addi %bitcast_convert_type3A_303, %add3A_311 : vector<16xi32>
      %add3A_313 = arith.addi %add3A_312, %and3A_309 : vector<16xi32>
      %and3A_314 = arith.constant -65536 : i32
      %and3A_315 = vector.broadcast %and3A_314 : i32 to vector<16xi32>
      %and3A_316 = arith.andi %add3A_313, %and3A_315 : vector<16xi32>
      %bitcast_convert_type3A_317 = tpu.bitcast %and3A_316 : vector<16xi32> -> vector<16xf32>
      %add3A_318 = arith.addf %bitcast_convert_type3A_170, %bitcast_convert_type3A_191 : vector<16xf32>
      %add3A_319 = arith.addf %bitcast_convert_type3A_212, %bitcast_convert_type3A_233 : vector<16xf32>
      %add3A_320 = arith.addf %bitcast_convert_type3A_254, %bitcast_convert_type3A_275 : vector<16xf32>
      %add3A_321 = arith.addf %bitcast_convert_type3A_296, %bitcast_convert_type3A_317 : vector<16xf32>
      %add3A_322 = arith.addf %add3A_318, %add3A_319 : vector<16xf32>
      %add3A_323 = arith.addf %add3A_320, %add3A_321 : vector<16xf32>
      %add3A_324 = arith.addf %add3A_322, %add3A_323 : vector<16xf32>
      %mul3A_325 = arith.constant 16 : i32
      %mul3A_326 = arith.muli %scan3A_152, %mul3A_325 : i32
      %swap3A = arith.constant 1 : i32
      %swap3A_327 = arith.index_cast %swap3A : i32 to index
      %swap3A_328 = arith.index_cast %mul3A_326 : i32 to index
      %swap3A_329 = tpu.vector_load %arg6[%swap3A_327, %swap3A_328] {strides = array<i32>} : memref<8x1024xf32, #tpu.memory_space<vmem>>, vector<1x16xf32>,
      %swap3A_330 = vector.shape_cast %swap3A_329 : vector<1x16xf32> to vector<16xf32>
      %swap3A_331 = vector.shape_cast %add3A_324 : vector<16xf32> to vector<1x16xf32>
      tpu.vector_store %arg6[%swap3A_327, %swap3A_328], %swap3A_331 {strides = array<i32>} : memref<8x1024xf32, #tpu.memory_space<vmem>>, vector<1x16xf32>,
    }
    %scan3A_69 = arith.constant 64 : i32
    %add3A_70 = arith.constant 4 : i32
    %add3A_71 = arith.addi %mul3A_32, %add3A_70 : i32
    %dma_start3A_72 = arith.constant 0 : i32
    %dma_start3A_73 = arith.constant 0 : i32
    %dma_start3A_74 = tpu.memref_slice %arg2[%select_n3A, %add3A_71, %dma_start3A_72, %dma_start3A_73] : memref<4x128x64x128xf32, #tpu.memory_space<hbm>> -> memref<1x2x64x128xf32, #tpu.memory_space<hbm>>
    %dma_start3A_75 = tpu.memref_squeeze %dma_start3A_74 : memref<1x2x64x128xf32, #tpu.memory_space<hbm>> -> memref<2x64x128xf32, #tpu.memory_space<hbm>>
    %dma_start3A_76 = arith.constant 0 : i32
    %dma_start3A_77 = arith.constant 0 : i32
    %dma_start3A_78 = tpu.memref_slice %arg2[%select_n3A, %add3A_71, %dma_start3A_76, %dma_start3A_77] : memref<4x128x64x128xf32, #tpu.memory_space<hbm>> -> memref<1x2x64x128xf32, #tpu.memory_space<hbm>>
    %dma_start3A_79 = tpu.memref_squeeze %dma_start3A_78 : memref<1x2x64x128xf32, #tpu.memory_space<hbm>> -> memref<2x64x128xf32, #tpu.memory_space<hbm>>
    tpu.enqueue_dma source(%dma_start3A_79 : memref<2x64x128xf32, #tpu.memory_space<hbm>>) target(%arg4 : memref<2x64x128xf32, #tpu.memory_space<vmem>>) target_semaphore(%arg7 : memref<!tpu.dma_semaphore, #tpu.memory_space<semaphore_mem>>)
    %dma_wait3A_80 = arith.constant 0 : i32
    %dma_wait3A_81 = arith.constant 0 : i32
    %dma_wait3A_82 = tpu.memref_slice %arg2[%select_n3A, %add3A_43, %dma_wait3A_80, %dma_wait3A_81] : memref<4x128x64x128xf32, #tpu.memory_space<hbm>> -> memref<1x2x64x128xf32, #tpu.memory_space<hbm>>
    %dma_wait3A_83 = tpu.memref_squeeze %dma_wait3A_82 : memref<1x2x64x128xf32, #tpu.memory_space<hbm>> -> memref<2x64x128xf32, #tpu.memory_space<hbm>>
    %dma_wait3A_84 = arith.constant 0 : i32
    %dma_wait3A_85 = arith.constant 0 : i32
    %dma_wait3A_86 = tpu.memref_slice %arg2[%select_n3A, %add3A_43, %dma_wait3A_84, %dma_wait3A_85] : memref<4x128x64x128xf32, #tpu.memory_space<hbm>> -> memref<1x2x64x128xf32, #tpu.memory_space<hbm>>
    %dma_wait3A_87 = tpu.memref_squeeze %dma_wait3A_86 : memref<1x2x64x128xf32, #tpu.memory_space<hbm>> -> memref<2x64x128xf32, #tpu.memory_space<hbm>>
    tpu.wait_dma2 semaphore(%arg8 : memref<!tpu.dma_semaphore, #tpu.memory_space<semaphore_mem>>) src(%dma_wait3A_87 : memref<2x64x128xf32, #tpu.memory_space<hbm>>) dst(%arg5 : memref<2x64x128xf32, #tpu.memory_space<vmem>>)
    %scan3A_88 = arith.constant 0 : i32
    %scan3A_89 = arith.constant 0 : i32
    %scan3A_90 = arith.constant 64 : i32
    %scan3A_91 = arith.addi %scan3A_89, %scan3A_90 : i32
    %scan3A_92 = arith.constant 1 : i32
    scf.for %scan3A_152 = %scan3A_89 to %scan3A_91 step %scan3A_92  : i32 {
      %get3A = arith.constant 0 : i32
      %get3A_153 = arith.index_cast %get3A : i32 to index
      %get3A_154 = arith.index_cast %scan3A_152 : i32 to index
      %get3A_155 = arith.constant 0 : index
      %get3A_156 = tpu.vector_load %arg5[%get3A_153, %get3A_154, %get3A_155] {strides = array<i32>} : memref<2x64x128xf32, #tpu.memory_space<vmem>>, vector<1x1x16xf32>,
      %get3A_157 = vector.shape_cast %get3A_156 : vector<1x1x16xf32> to vector<16xf32>
      %bitcast_convert_type3A = tpu.bitcast %get3A_157 : vector<16xf32> -> vector<16xi32>
      %shift_right_arithmetic3A = arith.constant 16 : i32
      %shift_right_arithmetic3A_158 = vector.broadcast %shift_right_arithmetic3A : i32 to vector<16xi32>
      %shift_right_arithmetic3A_159 = arith.shrsi %bitcast_convert_type3A, %shift_right_arithmetic3A_158 : vector<16xi32>
      %and3A_160 = arith.constant 1 : i32
      %and3A_161 = vector.broadcast %and3A_160 : i32 to vector<16xi32>
      %and3A_162 = arith.andi %shift_right_arithmetic3A_159, %and3A_161 : vector<16xi32>
      %add3A_163 = arith.constant 32767 : i32
      %add3A_164 = vector.broadcast %add3A_163 : i32 to vector<16xi32>
      %add3A_165 = arith.addi %bitcast_convert_type3A, %add3A_164 : vector<16xi32>
      %add3A_166 = arith.addi %add3A_165, %and3A_162 : vector<16xi32>
      %and3A_167 = arith.constant -65536 : i32
      %and3A_168 = vector.broadcast %and3A_167 : i32 to vector<16xi32>
      %and3A_169 = arith.andi %add3A_166, %and3A_168 : vector<16xi32>
      %bitcast_convert_type3A_170 = tpu.bitcast %and3A_169 : vector<16xi32> -> vector<16xf32>
      %get3A_171 = arith.constant 0 : i32
      %get3A_172 = arith.index_cast %get3A_171 : i32 to index
      %get3A_173 = arith.index_cast %scan3A_152 : i32 to index
      %get3A_174 = arith.constant 16 : index
      %get3A_175 = tpu.vector_load %arg5[%get3A_172, %get3A_173, %get3A_174] {strides = array<i32>} : memref<2x64x128xf32, #tpu.memory_space<vmem>>, vector<1x1x16xf32>,
      %get3A_176 = vector.shape_cast %get3A_175 : vector<1x1x16xf32> to vector<16xf32>
      %bitcast_convert_type3A_177 = tpu.bitcast %get3A_176 : vector<16xf32> -> vector<16xi32>
      %shift_right_arithmetic3A_178 = arith.constant 16 : i32
      %shift_right_arithmetic3A_179 = vector.broadcast %shift_right_arithmetic3A_178 : i32 to vector<16xi32>
      %shift_right_arithmetic3A_180 = arith.shrsi %bitcast_convert_type3A_177, %shift_right_arithmetic3A_179 : vector<16xi32>
      %and3A_181 = arith.constant 1 : i32
      %and3A_182 = vector.broadcast %and3A_181 : i32 to vector<16xi32>
      %and3A_183 = arith.andi %shift_right_arithmetic3A_180, %and3A_182 : vector<16xi32>
      %add3A_184 = arith.constant 32767 : i32
      %add3A_185 = vector.broadcast %add3A_184 : i32 to vector<16xi32>
      %add3A_186 = arith.addi %bitcast_convert_type3A_177, %add3A_185 : vector<16xi32>
      %add3A_187 = arith.addi %add3A_186, %and3A_183 : vector<16xi32>
      %and3A_188 = arith.constant -65536 : i32
      %and3A_189 = vector.broadcast %and3A_188 : i32 to vector<16xi32>
      %and3A_190 = arith.andi %add3A_187, %and3A_189 : vector<16xi32>
      %bitcast_convert_type3A_191 = tpu.bitcast %and3A_190 : vector<16xi32> -> vector<16xf32>
      %get3A_192 = arith.constant 0 : i32
      %get3A_193 = arith.index_cast %get3A_192 : i32 to index
      %get3A_194 = arith.index_cast %scan3A_152 : i32 to index
      %get3A_195 = arith.constant 32 : index
      %get3A_196 = tpu.vector_load %arg5[%get3A_193, %get3A_194, %get3A_195] {strides = array<i32>} : memref<2x64x128xf32, #tpu.memory_space<vmem>>, vector<1x1x16xf32>,
      %get3A_197 = vector.shape_cast %get3A_196 : vector<1x1x16xf32> to vector<16xf32>
      %bitcast_convert_type3A_198 = tpu.bitcast %get3A_197 : vector<16xf32> -> vector<16xi32>
      %shift_right_arithmetic3A_199 = arith.constant 16 : i32
      %shift_right_arithmetic3A_200 = vector.broadcast %shift_right_arithmetic3A_199 : i32 to vector<16xi32>
      %shift_right_arithmetic3A_201 = arith.shrsi %bitcast_convert_type3A_198, %shift_right_arithmetic3A_200 : vector<16xi32>
      %and3A_202 = arith.constant 1 : i32
      %and3A_203 = vector.broadcast %and3A_202 : i32 to vector<16xi32>
      %and3A_204 = arith.andi %shift_right_arithmetic3A_201, %and3A_203 : vector<16xi32>
      %add3A_205 = arith.constant 32767 : i32
      %add3A_206 = vector.broadcast %add3A_205 : i32 to vector<16xi32>
      %add3A_207 = arith.addi %bitcast_convert_type3A_198, %add3A_206 : vector<16xi32>
      %add3A_208 = arith.addi %add3A_207, %and3A_204 : vector<16xi32>
      %and3A_209 = arith.constant -65536 : i32
      %and3A_210 = vector.broadcast %and3A_209 : i32 to vector<16xi32>
      %and3A_211 = arith.andi %add3A_208, %and3A_210 : vector<16xi32>
      %bitcast_convert_type3A_212 = tpu.bitcast %and3A_211 : vector<16xi32> -> vector<16xf32>
      %get3A_213 = arith.constant 0 : i32
      %get3A_214 = arith.index_cast %get3A_213 : i32 to index
      %get3A_215 = arith.index_cast %scan3A_152 : i32 to index
      %get3A_216 = arith.constant 48 : index
      %get3A_217 = tpu.vector_load %arg5[%get3A_214, %get3A_215, %get3A_216] {strides = array<i32>} : memref<2x64x128xf32, #tpu.memory_space<vmem>>, vector<1x1x16xf32>,
      %get3A_218 = vector.shape_cast %get3A_217 : vector<1x1x16xf32> to vector<16xf32>
      %bitcast_convert_type3A_219 = tpu.bitcast %get3A_218 : vector<16xf32> -> vector<16xi32>
      %shift_right_arithmetic3A_220 = arith.constant 16 : i32
      %shift_right_arithmetic3A_221 = vector.broadcast %shift_right_arithmetic3A_220 : i32 to vector<16xi32>
      %shift_right_arithmetic3A_222 = arith.shrsi %bitcast_convert_type3A_219, %shift_right_arithmetic3A_221 : vector<16xi32>
      %and3A_223 = arith.constant 1 : i32
      %and3A_224 = vector.broadcast %and3A_223 : i32 to vector<16xi32>
      %and3A_225 = arith.andi %shift_right_arithmetic3A_222, %and3A_224 : vector<16xi32>
      %add3A_226 = arith.constant 32767 : i32
      %add3A_227 = vector.broadcast %add3A_226 : i32 to vector<16xi32>
      %add3A_228 = arith.addi %bitcast_convert_type3A_219, %add3A_227 : vector<16xi32>
      %add3A_229 = arith.addi %add3A_228, %and3A_225 : vector<16xi32>
      %and3A_230 = arith.constant -65536 : i32
      %and3A_231 = vector.broadcast %and3A_230 : i32 to vector<16xi32>
      %and3A_232 = arith.andi %add3A_229, %and3A_231 : vector<16xi32>
      %bitcast_convert_type3A_233 = tpu.bitcast %and3A_232 : vector<16xi32> -> vector<16xf32>
      %get3A_234 = arith.constant 0 : i32
      %get3A_235 = arith.index_cast %get3A_234 : i32 to index
      %get3A_236 = arith.index_cast %scan3A_152 : i32 to index
      %get3A_237 = arith.constant 64 : index
      %get3A_238 = tpu.vector_load %arg5[%get3A_235, %get3A_236, %get3A_237] {strides = array<i32>} : memref<2x64x128xf32, #tpu.memory_space<vmem>>, vector<1x1x16xf32>,
      %get3A_239 = vector.shape_cast %get3A_238 : vector<1x1x16xf32> to vector<16xf32>
      %bitcast_convert_type3A_240 = tpu.bitcast %get3A_239 : vector<16xf32> -> vector<16xi32>
      %shift_right_arithmetic3A_241 = arith.constant 16 : i32
      %shift_right_arithmetic3A_242 = vector.broadcast %shift_right_arithmetic3A_241 : i32 to vector<16xi32>
      %shift_right_arithmetic3A_243 = arith.shrsi %bitcast_convert_type3A_240, %shift_right_arithmetic3A_242 : vector<16xi32>
      %and3A_244 = arith.constant 1 : i32
      %and3A_245 = vector.broadcast %and3A_244 : i32 to vector<16xi32>
      %and3A_246 = arith.andi %shift_right_arithmetic3A_243, %and3A_245 : vector<16xi32>
      %add3A_247 = arith.constant 32767 : i32
      %add3A_248 = vector.broadcast %add3A_247 : i32 to vector<16xi32>
      %add3A_249 = arith.addi %bitcast_convert_type3A_240, %add3A_248 : vector<16xi32>
      %add3A_250 = arith.addi %add3A_249, %and3A_246 : vector<16xi32>
      %and3A_251 = arith.constant -65536 : i32
      %and3A_252 = vector.broadcast %and3A_251 : i32 to vector<16xi32>
      %and3A_253 = arith.andi %add3A_250, %and3A_252 : vector<16xi32>
      %bitcast_convert_type3A_254 = tpu.bitcast %and3A_253 : vector<16xi32> -> vector<16xf32>
      %get3A_255 = arith.constant 0 : i32
      %get3A_256 = arith.index_cast %get3A_255 : i32 to index
      %get3A_257 = arith.index_cast %scan3A_152 : i32 to index
      %get3A_258 = arith.constant 80 : index
      %get3A_259 = tpu.vector_load %arg5[%get3A_256, %get3A_257, %get3A_258] {strides = array<i32>} : memref<2x64x128xf32, #tpu.memory_space<vmem>>, vector<1x1x16xf32>,
      %get3A_260 = vector.shape_cast %get3A_259 : vector<1x1x16xf32> to vector<16xf32>
      %bitcast_convert_type3A_261 = tpu.bitcast %get3A_260 : vector<16xf32> -> vector<16xi32>
      %shift_right_arithmetic3A_262 = arith.constant 16 : i32
      %shift_right_arithmetic3A_263 = vector.broadcast %shift_right_arithmetic3A_262 : i32 to vector<16xi32>
      %shift_right_arithmetic3A_264 = arith.shrsi %bitcast_convert_type3A_261, %shift_right_arithmetic3A_263 : vector<16xi32>
      %and3A_265 = arith.constant 1 : i32
      %and3A_266 = vector.broadcast %and3A_265 : i32 to vector<16xi32>
      %and3A_267 = arith.andi %shift_right_arithmetic3A_264, %and3A_266 : vector<16xi32>
      %add3A_268 = arith.constant 32767 : i32
      %add3A_269 = vector.broadcast %add3A_268 : i32 to vector<16xi32>
      %add3A_270 = arith.addi %bitcast_convert_type3A_261, %add3A_269 : vector<16xi32>
      %add3A_271 = arith.addi %add3A_270, %and3A_267 : vector<16xi32>
      %and3A_272 = arith.constant -65536 : i32
      %and3A_273 = vector.broadcast %and3A_272 : i32 to vector<16xi32>
      %and3A_274 = arith.andi %add3A_271, %and3A_273 : vector<16xi32>
      %bitcast_convert_type3A_275 = tpu.bitcast %and3A_274 : vector<16xi32> -> vector<16xf32>
      %get3A_276 = arith.constant 0 : i32
      %get3A_277 = arith.index_cast %get3A_276 : i32 to index
      %get3A_278 = arith.index_cast %scan3A_152 : i32 to index
      %get3A_279 = arith.constant 96 : index
      %get3A_280 = tpu.vector_load %arg5[%get3A_277, %get3A_278, %get3A_279] {strides = array<i32>} : memref<2x64x128xf32, #tpu.memory_space<vmem>>, vector<1x1x16xf32>,
      %get3A_281 = vector.shape_cast %get3A_280 : vector<1x1x16xf32> to vector<16xf32>
      %bitcast_convert_type3A_282 = tpu.bitcast %get3A_281 : vector<16xf32> -> vector<16xi32>
      %shift_right_arithmetic3A_283 = arith.constant 16 : i32
      %shift_right_arithmetic3A_284 = vector.broadcast %shift_right_arithmetic3A_283 : i32 to vector<16xi32>
      %shift_right_arithmetic3A_285 = arith.shrsi %bitcast_convert_type3A_282, %shift_right_arithmetic3A_284 : vector<16xi32>
      %and3A_286 = arith.constant 1 : i32
      %and3A_287 = vector.broadcast %and3A_286 : i32 to vector<16xi32>
      %and3A_288 = arith.andi %shift_right_arithmetic3A_285, %and3A_287 : vector<16xi32>
      %add3A_289 = arith.constant 32767 : i32
      %add3A_290 = vector.broadcast %add3A_289 : i32 to vector<16xi32>
      %add3A_291 = arith.addi %bitcast_convert_type3A_282, %add3A_290 : vector<16xi32>
      %add3A_292 = arith.addi %add3A_291, %and3A_288 : vector<16xi32>
      %and3A_293 = arith.constant -65536 : i32
      %and3A_294 = vector.broadcast %and3A_293 : i32 to vector<16xi32>
      %and3A_295 = arith.andi %add3A_292, %and3A_294 : vector<16xi32>
      %bitcast_convert_type3A_296 = tpu.bitcast %and3A_295 : vector<16xi32> -> vector<16xf32>
      %get3A_297 = arith.constant 0 : i32
      %get3A_298 = arith.index_cast %get3A_297 : i32 to index
      %get3A_299 = arith.index_cast %scan3A_152 : i32 to index
      %get3A_300 = arith.constant 112 : index
      %get3A_301 = tpu.vector_load %arg5[%get3A_298, %get3A_299, %get3A_300] {strides = array<i32>} : memref<2x64x128xf32, #tpu.memory_space<vmem>>, vector<1x1x16xf32>,
      %get3A_302 = vector.shape_cast %get3A_301 : vector<1x1x16xf32> to vector<16xf32>
      %bitcast_convert_type3A_303 = tpu.bitcast %get3A_302 : vector<16xf32> -> vector<16xi32>
      %shift_right_arithmetic3A_304 = arith.constant 16 : i32
      %shift_right_arithmetic3A_305 = vector.broadcast %shift_right_arithmetic3A_304 : i32 to vector<16xi32>
      %shift_right_arithmetic3A_306 = arith.shrsi %bitcast_convert_type3A_303, %shift_right_arithmetic3A_305 : vector<16xi32>
      %and3A_307 = arith.constant 1 : i32
      %and3A_308 = vector.broadcast %and3A_307 : i32 to vector<16xi32>
      %and3A_309 = arith.andi %shift_right_arithmetic3A_306, %and3A_308 : vector<16xi32>
      %add3A_310 = arith.constant 32767 : i32
      %add3A_311 = vector.broadcast %add3A_310 : i32 to vector<16xi32>
      %add3A_312 = arith.addi %bitcast_convert_type3A_303, %add3A_311 : vector<16xi32>
      %add3A_313 = arith.addi %add3A_312, %and3A_309 : vector<16xi32>
      %and3A_314 = arith.constant -65536 : i32
      %and3A_315 = vector.broadcast %and3A_314 : i32 to vector<16xi32>
      %and3A_316 = arith.andi %add3A_313, %and3A_315 : vector<16xi32>
      %bitcast_convert_type3A_317 = tpu.bitcast %and3A_316 : vector<16xi32> -> vector<16xf32>
      %add3A_318 = arith.addf %bitcast_convert_type3A_170, %bitcast_convert_type3A_191 : vector<16xf32>
      %add3A_319 = arith.addf %bitcast_convert_type3A_212, %bitcast_convert_type3A_233 : vector<16xf32>
      %add3A_320 = arith.addf %bitcast_convert_type3A_254, %bitcast_convert_type3A_275 : vector<16xf32>
      %add3A_321 = arith.addf %bitcast_convert_type3A_296, %bitcast_convert_type3A_317 : vector<16xf32>
      %add3A_322 = arith.addf %add3A_318, %add3A_319 : vector<16xf32>
      %add3A_323 = arith.addf %add3A_320, %add3A_321 : vector<16xf32>
      %add3A_324 = arith.addf %add3A_322, %add3A_323 : vector<16xf32>
      %mul3A_325 = arith.constant 16 : i32
      %mul3A_326 = arith.muli %scan3A_152, %mul3A_325 : i32
      %swap3A = arith.constant 2 : i32
      %swap3A_327 = arith.index_cast %swap3A : i32 to index
      %swap3A_328 = arith.index_cast %mul3A_326 : i32 to index
      %swap3A_329 = tpu.vector_load %arg6[%swap3A_327, %swap3A_328] {strides = array<i32>} : memref<8x1024xf32, #tpu.memory_space<vmem>>, vector<1x16xf32>,
      %swap3A_330 = vector.shape_cast %swap3A_329 : vector<1x16xf32> to vector<16xf32>
      %swap3A_331 = vector.shape_cast %add3A_324 : vector<16xf32> to vector<1x16xf32>
      tpu.vector_store %arg6[%swap3A_327, %swap3A_328], %swap3A_331 {strides = array<i32>} : memref<8x1024xf32, #tpu.memory_space<vmem>>, vector<1x16xf32>,
    }
    %scan3A_93 = arith.constant 64 : i32
    %scan3A_94 = arith.constant 0 : i32
    %scan3A_95 = arith.constant 0 : i32
    %scan3A_96 = arith.constant 64 : i32
    %scan3A_97 = arith.addi %scan3A_95, %scan3A_96 : i32
    %scan3A_98 = arith.constant 1 : i32
    scf.for %scan3A_152 = %scan3A_95 to %scan3A_97 step %scan3A_98  : i32 {
      %get3A = arith.constant 1 : i32
      %get3A_153 = arith.index_cast %get3A : i32 to index
      %get3A_154 = arith.index_cast %scan3A_152 : i32 to index
      %get3A_155 = arith.constant 0 : index
      %get3A_156 = tpu.vector_load %arg5[%get3A_153, %get3A_154, %get3A_155] {strides = array<i32>} : memref<2x64x128xf32, #tpu.memory_space<vmem>>, vector<1x1x16xf32>,
      %get3A_157 = vector.shape_cast %get3A_156 : vector<1x1x16xf32> to vector<16xf32>
      %bitcast_convert_type3A = tpu.bitcast %get3A_157 : vector<16xf32> -> vector<16xi32>
      %shift_right_arithmetic3A = arith.constant 16 : i32
      %shift_right_arithmetic3A_158 = vector.broadcast %shift_right_arithmetic3A : i32 to vector<16xi32>
      %shift_right_arithmetic3A_159 = arith.shrsi %bitcast_convert_type3A, %shift_right_arithmetic3A_158 : vector<16xi32>
      %and3A_160 = arith.constant 1 : i32
      %and3A_161 = vector.broadcast %and3A_160 : i32 to vector<16xi32>
      %and3A_162 = arith.andi %shift_right_arithmetic3A_159, %and3A_161 : vector<16xi32>
      %add3A_163 = arith.constant 32767 : i32
      %add3A_164 = vector.broadcast %add3A_163 : i32 to vector<16xi32>
      %add3A_165 = arith.addi %bitcast_convert_type3A, %add3A_164 : vector<16xi32>
      %add3A_166 = arith.addi %add3A_165, %and3A_162 : vector<16xi32>
      %and3A_167 = arith.constant -65536 : i32
      %and3A_168 = vector.broadcast %and3A_167 : i32 to vector<16xi32>
      %and3A_169 = arith.andi %add3A_166, %and3A_168 : vector<16xi32>
      %bitcast_convert_type3A_170 = tpu.bitcast %and3A_169 : vector<16xi32> -> vector<16xf32>
      %get3A_171 = arith.constant 1 : i32
      %get3A_172 = arith.index_cast %get3A_171 : i32 to index
      %get3A_173 = arith.index_cast %scan3A_152 : i32 to index
      %get3A_174 = arith.constant 16 : index
      %get3A_175 = tpu.vector_load %arg5[%get3A_172, %get3A_173, %get3A_174] {strides = array<i32>} : memref<2x64x128xf32, #tpu.memory_space<vmem>>, vector<1x1x16xf32>,
      %get3A_176 = vector.shape_cast %get3A_175 : vector<1x1x16xf32> to vector<16xf32>
      %bitcast_convert_type3A_177 = tpu.bitcast %get3A_176 : vector<16xf32> -> vector<16xi32>
      %shift_right_arithmetic3A_178 = arith.constant 16 : i32
      %shift_right_arithmetic3A_179 = vector.broadcast %shift_right_arithmetic3A_178 : i32 to vector<16xi32>
      %shift_right_arithmetic3A_180 = arith.shrsi %bitcast_convert_type3A_177, %shift_right_arithmetic3A_179 : vector<16xi32>
      %and3A_181 = arith.constant 1 : i32
      %and3A_182 = vector.broadcast %and3A_181 : i32 to vector<16xi32>
      %and3A_183 = arith.andi %shift_right_arithmetic3A_180, %and3A_182 : vector<16xi32>
      %add3A_184 = arith.constant 32767 : i32
      %add3A_185 = vector.broadcast %add3A_184 : i32 to vector<16xi32>
      %add3A_186 = arith.addi %bitcast_convert_type3A_177, %add3A_185 : vector<16xi32>
      %add3A_187 = arith.addi %add3A_186, %and3A_183 : vector<16xi32>
      %and3A_188 = arith.constant -65536 : i32
      %and3A_189 = vector.broadcast %and3A_188 : i32 to vector<16xi32>
      %and3A_190 = arith.andi %add3A_187, %and3A_189 : vector<16xi32>
      %bitcast_convert_type3A_191 = tpu.bitcast %and3A_190 : vector<16xi32> -> vector<16xf32>
      %get3A_192 = arith.constant 1 : i32
      %get3A_193 = arith.index_cast %get3A_192 : i32 to index
      %get3A_194 = arith.index_cast %scan3A_152 : i32 to index
      %get3A_195 = arith.constant 32 : index
      %get3A_196 = tpu.vector_load %arg5[%get3A_193, %get3A_194, %get3A_195] {strides = array<i32>} : memref<2x64x128xf32, #tpu.memory_space<vmem>>, vector<1x1x16xf32>,
      %get3A_197 = vector.shape_cast %get3A_196 : vector<1x1x16xf32> to vector<16xf32>
      %bitcast_convert_type3A_198 = tpu.bitcast %get3A_197 : vector<16xf32> -> vector<16xi32>
      %shift_right_arithmetic3A_199 = arith.constant 16 : i32
      %shift_right_arithmetic3A_200 = vector.broadcast %shift_right_arithmetic3A_199 : i32 to vector<16xi32>
      %shift_right_arithmetic3A_201 = arith.shrsi %bitcast_convert_type3A_198, %shift_right_arithmetic3A_200 : vector<16xi32>
      %and3A_202 = arith.constant 1 : i32
      %and3A_203 = vector.broadcast %and3A_202 : i32 to vector<16xi32>
      %and3A_204 = arith.andi %shift_right_arithmetic3A_201, %and3A_203 : vector<16xi32>
      %add3A_205 = arith.constant 32767 : i32
      %add3A_206 = vector.broadcast %add3A_205 : i32 to vector<16xi32>
      %add3A_207 = arith.addi %bitcast_convert_type3A_198, %add3A_206 : vector<16xi32>
      %add3A_208 = arith.addi %add3A_207, %and3A_204 : vector<16xi32>
      %and3A_209 = arith.constant -65536 : i32
      %and3A_210 = vector.broadcast %and3A_209 : i32 to vector<16xi32>
      %and3A_211 = arith.andi %add3A_208, %and3A_210 : vector<16xi32>
      %bitcast_convert_type3A_212 = tpu.bitcast %and3A_211 : vector<16xi32> -> vector<16xf32>
      %get3A_213 = arith.constant 1 : i32
      %get3A_214 = arith.index_cast %get3A_213 : i32 to index
      %get3A_215 = arith.index_cast %scan3A_152 : i32 to index
      %get3A_216 = arith.constant 48 : index
      %get3A_217 = tpu.vector_load %arg5[%get3A_214, %get3A_215, %get3A_216] {strides = array<i32>} : memref<2x64x128xf32, #tpu.memory_space<vmem>>, vector<1x1x16xf32>,
      %get3A_218 = vector.shape_cast %get3A_217 : vector<1x1x16xf32> to vector<16xf32>
      %bitcast_convert_type3A_219 = tpu.bitcast %get3A_218 : vector<16xf32> -> vector<16xi32>
      %shift_right_arithmetic3A_220 = arith.constant 16 : i32
      %shift_right_arithmetic3A_221 = vector.broadcast %shift_right_arithmetic3A_220 : i32 to vector<16xi32>
      %shift_right_arithmetic3A_222 = arith.shrsi %bitcast_convert_type3A_219, %shift_right_arithmetic3A_221 : vector<16xi32>
      %and3A_223 = arith.constant 1 : i32
      %and3A_224 = vector.broadcast %and3A_223 : i32 to vector<16xi32>
      %and3A_225 = arith.andi %shift_right_arithmetic3A_222, %and3A_224 : vector<16xi32>
      %add3A_226 = arith.constant 32767 : i32
      %add3A_227 = vector.broadcast %add3A_226 : i32 to vector<16xi32>
      %add3A_228 = arith.addi %bitcast_convert_type3A_219, %add3A_227 : vector<16xi32>
      %add3A_229 = arith.addi %add3A_228, %and3A_225 : vector<16xi32>
      %and3A_230 = arith.constant -65536 : i32
      %and3A_231 = vector.broadcast %and3A_230 : i32 to vector<16xi32>
      %and3A_232 = arith.andi %add3A_229, %and3A_231 : vector<16xi32>
      %bitcast_convert_type3A_233 = tpu.bitcast %and3A_232 : vector<16xi32> -> vector<16xf32>
      %get3A_234 = arith.constant 1 : i32
      %get3A_235 = arith.index_cast %get3A_234 : i32 to index
      %get3A_236 = arith.index_cast %scan3A_152 : i32 to index
      %get3A_237 = arith.constant 64 : index
      %get3A_238 = tpu.vector_load %arg5[%get3A_235, %get3A_236, %get3A_237] {strides = array<i32>} : memref<2x64x128xf32, #tpu.memory_space<vmem>>, vector<1x1x16xf32>,
      %get3A_239 = vector.shape_cast %get3A_238 : vector<1x1x16xf32> to vector<16xf32>
      %bitcast_convert_type3A_240 = tpu.bitcast %get3A_239 : vector<16xf32> -> vector<16xi32>
      %shift_right_arithmetic3A_241 = arith.constant 16 : i32
      %shift_right_arithmetic3A_242 = vector.broadcast %shift_right_arithmetic3A_241 : i32 to vector<16xi32>
      %shift_right_arithmetic3A_243 = arith.shrsi %bitcast_convert_type3A_240, %shift_right_arithmetic3A_242 : vector<16xi32>
      %and3A_244 = arith.constant 1 : i32
      %and3A_245 = vector.broadcast %and3A_244 : i32 to vector<16xi32>
      %and3A_246 = arith.andi %shift_right_arithmetic3A_243, %and3A_245 : vector<16xi32>
      %add3A_247 = arith.constant 32767 : i32
      %add3A_248 = vector.broadcast %add3A_247 : i32 to vector<16xi32>
      %add3A_249 = arith.addi %bitcast_convert_type3A_240, %add3A_248 : vector<16xi32>
      %add3A_250 = arith.addi %add3A_249, %and3A_246 : vector<16xi32>
      %and3A_251 = arith.constant -65536 : i32
      %and3A_252 = vector.broadcast %and3A_251 : i32 to vector<16xi32>
      %and3A_253 = arith.andi %add3A_250, %and3A_252 : vector<16xi32>
      %bitcast_convert_type3A_254 = tpu.bitcast %and3A_253 : vector<16xi32> -> vector<16xf32>
      %get3A_255 = arith.constant 1 : i32
      %get3A_256 = arith.index_cast %get3A_255 : i32 to index
      %get3A_257 = arith.index_cast %scan3A_152 : i32 to index
      %get3A_258 = arith.constant 80 : index
      %get3A_259 = tpu.vector_load %arg5[%get3A_256, %get3A_257, %get3A_258] {strides = array<i32>} : memref<2x64x128xf32, #tpu.memory_space<vmem>>, vector<1x1x16xf32>,
      %get3A_260 = vector.shape_cast %get3A_259 : vector<1x1x16xf32> to vector<16xf32>
      %bitcast_convert_type3A_261 = tpu.bitcast %get3A_260 : vector<16xf32> -> vector<16xi32>
      %shift_right_arithmetic3A_262 = arith.constant 16 : i32
      %shift_right_arithmetic3A_263 = vector.broadcast %shift_right_arithmetic3A_262 : i32 to vector<16xi32>
      %shift_right_arithmetic3A_264 = arith.shrsi %bitcast_convert_type3A_261, %shift_right_arithmetic3A_263 : vector<16xi32>
      %and3A_265 = arith.constant 1 : i32
      %and3A_266 = vector.broadcast %and3A_265 : i32 to vector<16xi32>
      %and3A_267 = arith.andi %shift_right_arithmetic3A_264, %and3A_266 : vector<16xi32>
      %add3A_268 = arith.constant 32767 : i32
      %add3A_269 = vector.broadcast %add3A_268 : i32 to vector<16xi32>
      %add3A_270 = arith.addi %bitcast_convert_type3A_261, %add3A_269 : vector<16xi32>
      %add3A_271 = arith.addi %add3A_270, %and3A_267 : vector<16xi32>
      %and3A_272 = arith.constant -65536 : i32
      %and3A_273 = vector.broadcast %and3A_272 : i32 to vector<16xi32>
      %and3A_274 = arith.andi %add3A_271, %and3A_273 : vector<16xi32>
      %bitcast_convert_type3A_275 = tpu.bitcast %and3A_274 : vector<16xi32> -> vector<16xf32>
      %get3A_276 = arith.constant 1 : i32
      %get3A_277 = arith.index_cast %get3A_276 : i32 to index
      %get3A_278 = arith.index_cast %scan3A_152 : i32 to index
      %get3A_279 = arith.constant 96 : index
      %get3A_280 = tpu.vector_load %arg5[%get3A_277, %get3A_278, %get3A_279] {strides = array<i32>} : memref<2x64x128xf32, #tpu.memory_space<vmem>>, vector<1x1x16xf32>,
      %get3A_281 = vector.shape_cast %get3A_280 : vector<1x1x16xf32> to vector<16xf32>
      %bitcast_convert_type3A_282 = tpu.bitcast %get3A_281 : vector<16xf32> -> vector<16xi32>
      %shift_right_arithmetic3A_283 = arith.constant 16 : i32
      %shift_right_arithmetic3A_284 = vector.broadcast %shift_right_arithmetic3A_283 : i32 to vector<16xi32>
      %shift_right_arithmetic3A_285 = arith.shrsi %bitcast_convert_type3A_282, %shift_right_arithmetic3A_284 : vector<16xi32>
      %and3A_286 = arith.constant 1 : i32
      %and3A_287 = vector.broadcast %and3A_286 : i32 to vector<16xi32>
      %and3A_288 = arith.andi %shift_right_arithmetic3A_285, %and3A_287 : vector<16xi32>
      %add3A_289 = arith.constant 32767 : i32
      %add3A_290 = vector.broadcast %add3A_289 : i32 to vector<16xi32>
      %add3A_291 = arith.addi %bitcast_convert_type3A_282, %add3A_290 : vector<16xi32>
      %add3A_292 = arith.addi %add3A_291, %and3A_288 : vector<16xi32>
      %and3A_293 = arith.constant -65536 : i32
      %and3A_294 = vector.broadcast %and3A_293 : i32 to vector<16xi32>
      %and3A_295 = arith.andi %add3A_292, %and3A_294 : vector<16xi32>
      %bitcast_convert_type3A_296 = tpu.bitcast %and3A_295 : vector<16xi32> -> vector<16xf32>
      %get3A_297 = arith.constant 1 : i32
      %get3A_298 = arith.index_cast %get3A_297 : i32 to index
      %get3A_299 = arith.index_cast %scan3A_152 : i32 to index
      %get3A_300 = arith.constant 112 : index
      %get3A_301 = tpu.vector_load %arg5[%get3A_298, %get3A_299, %get3A_300] {strides = array<i32>} : memref<2x64x128xf32, #tpu.memory_space<vmem>>, vector<1x1x16xf32>,
      %get3A_302 = vector.shape_cast %get3A_301 : vector<1x1x16xf32> to vector<16xf32>
      %bitcast_convert_type3A_303 = tpu.bitcast %get3A_302 : vector<16xf32> -> vector<16xi32>
      %shift_right_arithmetic3A_304 = arith.constant 16 : i32
      %shift_right_arithmetic3A_305 = vector.broadcast %shift_right_arithmetic3A_304 : i32 to vector<16xi32>
      %shift_right_arithmetic3A_306 = arith.shrsi %bitcast_convert_type3A_303, %shift_right_arithmetic3A_305 : vector<16xi32>
      %and3A_307 = arith.constant 1 : i32
      %and3A_308 = vector.broadcast %and3A_307 : i32 to vector<16xi32>
      %and3A_309 = arith.andi %shift_right_arithmetic3A_306, %and3A_308 : vector<16xi32>
      %add3A_310 = arith.constant 32767 : i32
      %add3A_311 = vector.broadcast %add3A_310 : i32 to vector<16xi32>
      %add3A_312 = arith.addi %bitcast_convert_type3A_303, %add3A_311 : vector<16xi32>
      %add3A_313 = arith.addi %add3A_312, %and3A_309 : vector<16xi32>
      %and3A_314 = arith.constant -65536 : i32
      %and3A_315 = vector.broadcast %and3A_314 : i32 to vector<16xi32>
      %and3A_316 = arith.andi %add3A_313, %and3A_315 : vector<16xi32>
      %bitcast_convert_type3A_317 = tpu.bitcast %and3A_316 : vector<16xi32> -> vector<16xf32>
      %add3A_318 = arith.addf %bitcast_convert_type3A_170, %bitcast_convert_type3A_191 : vector<16xf32>
      %add3A_319 = arith.addf %bitcast_convert_type3A_212, %bitcast_convert_type3A_233 : vector<16xf32>
      %add3A_320 = arith.addf %bitcast_convert_type3A_254, %bitcast_convert_type3A_275 : vector<16xf32>
      %add3A_321 = arith.addf %bitcast_convert_type3A_296, %bitcast_convert_type3A_317 : vector<16xf32>
      %add3A_322 = arith.addf %add3A_318, %add3A_319 : vector<16xf32>
      %add3A_323 = arith.addf %add3A_320, %add3A_321 : vector<16xf32>
      %add3A_324 = arith.addf %add3A_322, %add3A_323 : vector<16xf32>
      %mul3A_325 = arith.constant 16 : i32
      %mul3A_326 = arith.muli %scan3A_152, %mul3A_325 : i32
      %swap3A = arith.constant 3 : i32
      %swap3A_327 = arith.index_cast %swap3A : i32 to index
      %swap3A_328 = arith.index_cast %mul3A_326 : i32 to index
      %swap3A_329 = tpu.vector_load %arg6[%swap3A_327, %swap3A_328] {strides = array<i32>} : memref<8x1024xf32, #tpu.memory_space<vmem>>, vector<1x16xf32>,
      %swap3A_330 = vector.shape_cast %swap3A_329 : vector<1x16xf32> to vector<16xf32>
      %swap3A_331 = vector.shape_cast %add3A_324 : vector<16xf32> to vector<1x16xf32>
      tpu.vector_store %arg6[%swap3A_327, %swap3A_328], %swap3A_331 {strides = array<i32>} : memref<8x1024xf32, #tpu.memory_space<vmem>>, vector<1x16xf32>,
    }
    %scan3A_99 = arith.constant 64 : i32
    %add3A_100 = arith.constant 6 : i32
    %add3A_101 = arith.addi %mul3A_32, %add3A_100 : i32
    %dma_start3A_102 = arith.constant 0 : i32
    %dma_start3A_103 = arith.constant 0 : i32
    %dma_start3A_104 = tpu.memref_slice %arg2[%select_n3A, %add3A_101, %dma_start3A_102, %dma_start3A_103] : memref<4x128x64x128xf32, #tpu.memory_space<hbm>> -> memref<1x2x64x128xf32, #tpu.memory_space<hbm>>
    %dma_start3A_105 = tpu.memref_squeeze %dma_start3A_104 : memref<1x2x64x128xf32, #tpu.memory_space<hbm>> -> memref<2x64x128xf32, #tpu.memory_space<hbm>>
    %dma_start3A_106 = arith.constant 0 : i32
    %dma_start3A_107 = arith.constant 0 : i32
    %dma_start3A_108 = tpu.memref_slice %arg2[%select_n3A, %add3A_101, %dma_start3A_106, %dma_start3A_107] : memref<4x128x64x128xf32, #tpu.memory_space<hbm>> -> memref<1x2x64x128xf32, #tpu.memory_space<hbm>>
    %dma_start3A_109 = tpu.memref_squeeze %dma_start3A_108 : memref<1x2x64x128xf32, #tpu.memory_space<hbm>> -> memref<2x64x128xf32, #tpu.memory_space<hbm>>
    tpu.enqueue_dma source(%dma_start3A_109 : memref<2x64x128xf32, #tpu.memory_space<hbm>>) target(%arg5 : memref<2x64x128xf32, #tpu.memory_space<vmem>>) target_semaphore(%arg8 : memref<!tpu.dma_semaphore, #tpu.memory_space<semaphore_mem>>)
    %dma_wait3A_110 = arith.constant 0 : i32
    %dma_wait3A_111 = arith.constant 0 : i32
    %dma_wait3A_112 = tpu.memref_slice %arg2[%select_n3A, %add3A_71, %dma_wait3A_110, %dma_wait3A_111] : memref<4x128x64x128xf32, #tpu.memory_space<hbm>> -> memref<1x2x64x128xf32, #tpu.memory_space<hbm>>
    %dma_wait3A_113 = tpu.memref_squeeze %dma_wait3A_112 : memref<1x2x64x128xf32, #tpu.memory_space<hbm>> -> memref<2x64x128xf32, #tpu.memory_space<hbm>>
    %dma_wait3A_114 = arith.constant 0 : i32
    %dma_wait3A_115 = arith.constant 0 : i32
    %dma_wait3A_116 = tpu.memref_slice %arg2[%select_n3A, %add3A_71, %dma_wait3A_114, %dma_wait3A_115] : memref<4x128x64x128xf32, #tpu.memory_space<hbm>> -> memref<1x2x64x128xf32, #tpu.memory_space<hbm>>
    %dma_wait3A_117 = tpu.memref_squeeze %dma_wait3A_116 : memref<1x2x64x128xf32, #tpu.memory_space<hbm>> -> memref<2x64x128xf32, #tpu.memory_space<hbm>>
    tpu.wait_dma2 semaphore(%arg7 : memref<!tpu.dma_semaphore, #tpu.memory_space<semaphore_mem>>) src(%dma_wait3A_117 : memref<2x64x128xf32, #tpu.memory_space<hbm>>) dst(%arg4 : memref<2x64x128xf32, #tpu.memory_space<vmem>>)
    %scan3A_118 = arith.constant 0 : i32
    %scan3A_119 = arith.constant 0 : i32
    %scan3A_120 = arith.constant 64 : i32
    %scan3A_121 = arith.addi %scan3A_119, %scan3A_120 : i32
    %scan3A_122 = arith.constant 1 : i32
    scf.for %scan3A_152 = %scan3A_119 to %scan3A_121 step %scan3A_122  : i32 {
      %get3A = arith.constant 0 : i32
      %get3A_153 = arith.index_cast %get3A : i32 to index
      %get3A_154 = arith.index_cast %scan3A_152 : i32 to index
      %get3A_155 = arith.constant 0 : index
      %get3A_156 = tpu.vector_load %arg4[%get3A_153, %get3A_154, %get3A_155] {strides = array<i32>} : memref<2x64x128xf32, #tpu.memory_space<vmem>>, vector<1x1x16xf32>,
      %get3A_157 = vector.shape_cast %get3A_156 : vector<1x1x16xf32> to vector<16xf32>
      %bitcast_convert_type3A = tpu.bitcast %get3A_157 : vector<16xf32> -> vector<16xi32>
      %shift_right_arithmetic3A = arith.constant 16 : i32
      %shift_right_arithmetic3A_158 = vector.broadcast %shift_right_arithmetic3A : i32 to vector<16xi32>
      %shift_right_arithmetic3A_159 = arith.shrsi %bitcast_convert_type3A, %shift_right_arithmetic3A_158 : vector<16xi32>
      %and3A_160 = arith.constant 1 : i32
      %and3A_161 = vector.broadcast %and3A_160 : i32 to vector<16xi32>
      %and3A_162 = arith.andi %shift_right_arithmetic3A_159, %and3A_161 : vector<16xi32>
      %add3A_163 = arith.constant 32767 : i32
      %add3A_164 = vector.broadcast %add3A_163 : i32 to vector<16xi32>
      %add3A_165 = arith.addi %bitcast_convert_type3A, %add3A_164 : vector<16xi32>
      %add3A_166 = arith.addi %add3A_165, %and3A_162 : vector<16xi32>
      %and3A_167 = arith.constant -65536 : i32
      %and3A_168 = vector.broadcast %and3A_167 : i32 to vector<16xi32>
      %and3A_169 = arith.andi %add3A_166, %and3A_168 : vector<16xi32>
      %bitcast_convert_type3A_170 = tpu.bitcast %and3A_169 : vector<16xi32> -> vector<16xf32>
      %get3A_171 = arith.constant 0 : i32
      %get3A_172 = arith.index_cast %get3A_171 : i32 to index
      %get3A_173 = arith.index_cast %scan3A_152 : i32 to index
      %get3A_174 = arith.constant 16 : index
      %get3A_175 = tpu.vector_load %arg4[%get3A_172, %get3A_173, %get3A_174] {strides = array<i32>} : memref<2x64x128xf32, #tpu.memory_space<vmem>>, vector<1x1x16xf32>,
      %get3A_176 = vector.shape_cast %get3A_175 : vector<1x1x16xf32> to vector<16xf32>
      %bitcast_convert_type3A_177 = tpu.bitcast %get3A_176 : vector<16xf32> -> vector<16xi32>
      %shift_right_arithmetic3A_178 = arith.constant 16 : i32
      %shift_right_arithmetic3A_179 = vector.broadcast %shift_right_arithmetic3A_178 : i32 to vector<16xi32>
      %shift_right_arithmetic3A_180 = arith.shrsi %bitcast_convert_type3A_177, %shift_right_arithmetic3A_179 : vector<16xi32>
      %and3A_181 = arith.constant 1 : i32
      %and3A_182 = vector.broadcast %and3A_181 : i32 to vector<16xi32>
      %and3A_183 = arith.andi %shift_right_arithmetic3A_180, %and3A_182 : vector<16xi32>
      %add3A_184 = arith.constant 32767 : i32
      %add3A_185 = vector.broadcast %add3A_184 : i32 to vector<16xi32>
      %add3A_186 = arith.addi %bitcast_convert_type3A_177, %add3A_185 : vector<16xi32>
      %add3A_187 = arith.addi %add3A_186, %and3A_183 : vector<16xi32>
      %and3A_188 = arith.constant -65536 : i32
      %and3A_189 = vector.broadcast %and3A_188 : i32 to vector<16xi32>
      %and3A_190 = arith.andi %add3A_187, %and3A_189 : vector<16xi32>
      %bitcast_convert_type3A_191 = tpu.bitcast %and3A_190 : vector<16xi32> -> vector<16xf32>
      %get3A_192 = arith.constant 0 : i32
      %get3A_193 = arith.index_cast %get3A_192 : i32 to index
      %get3A_194 = arith.index_cast %scan3A_152 : i32 to index
      %get3A_195 = arith.constant 32 : index
      %get3A_196 = tpu.vector_load %arg4[%get3A_193, %get3A_194, %get3A_195] {strides = array<i32>} : memref<2x64x128xf32, #tpu.memory_space<vmem>>, vector<1x1x16xf32>,
      %get3A_197 = vector.shape_cast %get3A_196 : vector<1x1x16xf32> to vector<16xf32>
      %bitcast_convert_type3A_198 = tpu.bitcast %get3A_197 : vector<16xf32> -> vector<16xi32>
      %shift_right_arithmetic3A_199 = arith.constant 16 : i32
      %shift_right_arithmetic3A_200 = vector.broadcast %shift_right_arithmetic3A_199 : i32 to vector<16xi32>
      %shift_right_arithmetic3A_201 = arith.shrsi %bitcast_convert_type3A_198, %shift_right_arithmetic3A_200 : vector<16xi32>
      %and3A_202 = arith.constant 1 : i32
      %and3A_203 = vector.broadcast %and3A_202 : i32 to vector<16xi32>
      %and3A_204 = arith.andi %shift_right_arithmetic3A_201, %and3A_203 : vector<16xi32>
      %add3A_205 = arith.constant 32767 : i32
      %add3A_206 = vector.broadcast %add3A_205 : i32 to vector<16xi32>
      %add3A_207 = arith.addi %bitcast_convert_type3A_198, %add3A_206 : vector<16xi32>
      %add3A_208 = arith.addi %add3A_207, %and3A_204 : vector<16xi32>
      %and3A_209 = arith.constant -65536 : i32
      %and3A_210 = vector.broadcast %and3A_209 : i32 to vector<16xi32>
      %and3A_211 = arith.andi %add3A_208, %and3A_210 : vector<16xi32>
      %bitcast_convert_type3A_212 = tpu.bitcast %and3A_211 : vector<16xi32> -> vector<16xf32>
      %get3A_213 = arith.constant 0 : i32
      %get3A_214 = arith.index_cast %get3A_213 : i32 to index
      %get3A_215 = arith.index_cast %scan3A_152 : i32 to index
      %get3A_216 = arith.constant 48 : index
      %get3A_217 = tpu.vector_load %arg4[%get3A_214, %get3A_215, %get3A_216] {strides = array<i32>} : memref<2x64x128xf32, #tpu.memory_space<vmem>>, vector<1x1x16xf32>,
      %get3A_218 = vector.shape_cast %get3A_217 : vector<1x1x16xf32> to vector<16xf32>
      %bitcast_convert_type3A_219 = tpu.bitcast %get3A_218 : vector<16xf32> -> vector<16xi32>
      %shift_right_arithmetic3A_220 = arith.constant 16 : i32
      %shift_right_arithmetic3A_221 = vector.broadcast %shift_right_arithmetic3A_220 : i32 to vector<16xi32>
      %shift_right_arithmetic3A_222 = arith.shrsi %bitcast_convert_type3A_219, %shift_right_arithmetic3A_221 : vector<16xi32>
      %and3A_223 = arith.constant 1 : i32
      %and3A_224 = vector.broadcast %and3A_223 : i32 to vector<16xi32>
      %and3A_225 = arith.andi %shift_right_arithmetic3A_222, %and3A_224 : vector<16xi32>
      %add3A_226 = arith.constant 32767 : i32
      %add3A_227 = vector.broadcast %add3A_226 : i32 to vector<16xi32>
      %add3A_228 = arith.addi %bitcast_convert_type3A_219, %add3A_227 : vector<16xi32>
      %add3A_229 = arith.addi %add3A_228, %and3A_225 : vector<16xi32>
      %and3A_230 = arith.constant -65536 : i32
      %and3A_231 = vector.broadcast %and3A_230 : i32 to vector<16xi32>
      %and3A_232 = arith.andi %add3A_229, %and3A_231 : vector<16xi32>
      %bitcast_convert_type3A_233 = tpu.bitcast %and3A_232 : vector<16xi32> -> vector<16xf32>
      %get3A_234 = arith.constant 0 : i32
      %get3A_235 = arith.index_cast %get3A_234 : i32 to index
      %get3A_236 = arith.index_cast %scan3A_152 : i32 to index
      %get3A_237 = arith.constant 64 : index
      %get3A_238 = tpu.vector_load %arg4[%get3A_235, %get3A_236, %get3A_237] {strides = array<i32>} : memref<2x64x128xf32, #tpu.memory_space<vmem>>, vector<1x1x16xf32>,
      %get3A_239 = vector.shape_cast %get3A_238 : vector<1x1x16xf32> to vector<16xf32>
      %bitcast_convert_type3A_240 = tpu.bitcast %get3A_239 : vector<16xf32> -> vector<16xi32>
      %shift_right_arithmetic3A_241 = arith.constant 16 : i32
      %shift_right_arithmetic3A_242 = vector.broadcast %shift_right_arithmetic3A_241 : i32 to vector<16xi32>
      %shift_right_arithmetic3A_243 = arith.shrsi %bitcast_convert_type3A_240, %shift_right_arithmetic3A_242 : vector<16xi32>
      %and3A_244 = arith.constant 1 : i32
      %and3A_245 = vector.broadcast %and3A_244 : i32 to vector<16xi32>
      %and3A_246 = arith.andi %shift_right_arithmetic3A_243, %and3A_245 : vector<16xi32>
      %add3A_247 = arith.constant 32767 : i32
      %add3A_248 = vector.broadcast %add3A_247 : i32 to vector<16xi32>
      %add3A_249 = arith.addi %bitcast_convert_type3A_240, %add3A_248 : vector<16xi32>
      %add3A_250 = arith.addi %add3A_249, %and3A_246 : vector<16xi32>
      %and3A_251 = arith.constant -65536 : i32
      %and3A_252 = vector.broadcast %and3A_251 : i32 to vector<16xi32>
      %and3A_253 = arith.andi %add3A_250, %and3A_252 : vector<16xi32>
      %bitcast_convert_type3A_254 = tpu.bitcast %and3A_253 : vector<16xi32> -> vector<16xf32>
      %get3A_255 = arith.constant 0 : i32
      %get3A_256 = arith.index_cast %get3A_255 : i32 to index
      %get3A_257 = arith.index_cast %scan3A_152 : i32 to index
      %get3A_258 = arith.constant 80 : index
      %get3A_259 = tpu.vector_load %arg4[%get3A_256, %get3A_257, %get3A_258] {strides = array<i32>} : memref<2x64x128xf32, #tpu.memory_space<vmem>>, vector<1x1x16xf32>,
      %get3A_260 = vector.shape_cast %get3A_259 : vector<1x1x16xf32> to vector<16xf32>
      %bitcast_convert_type3A_261 = tpu.bitcast %get3A_260 : vector<16xf32> -> vector<16xi32>
      %shift_right_arithmetic3A_262 = arith.constant 16 : i32
      %shift_right_arithmetic3A_263 = vector.broadcast %shift_right_arithmetic3A_262 : i32 to vector<16xi32>
      %shift_right_arithmetic3A_264 = arith.shrsi %bitcast_convert_type3A_261, %shift_right_arithmetic3A_263 : vector<16xi32>
      %and3A_265 = arith.constant 1 : i32
      %and3A_266 = vector.broadcast %and3A_265 : i32 to vector<16xi32>
      %and3A_267 = arith.andi %shift_right_arithmetic3A_264, %and3A_266 : vector<16xi32>
      %add3A_268 = arith.constant 32767 : i32
      %add3A_269 = vector.broadcast %add3A_268 : i32 to vector<16xi32>
      %add3A_270 = arith.addi %bitcast_convert_type3A_261, %add3A_269 : vector<16xi32>
      %add3A_271 = arith.addi %add3A_270, %and3A_267 : vector<16xi32>
      %and3A_272 = arith.constant -65536 : i32
      %and3A_273 = vector.broadcast %and3A_272 : i32 to vector<16xi32>
      %and3A_274 = arith.andi %add3A_271, %and3A_273 : vector<16xi32>
      %bitcast_convert_type3A_275 = tpu.bitcast %and3A_274 : vector<16xi32> -> vector<16xf32>
      %get3A_276 = arith.constant 0 : i32
      %get3A_277 = arith.index_cast %get3A_276 : i32 to index
      %get3A_278 = arith.index_cast %scan3A_152 : i32 to index
      %get3A_279 = arith.constant 96 : index
      %get3A_280 = tpu.vector_load %arg4[%get3A_277, %get3A_278, %get3A_279] {strides = array<i32>} : memref<2x64x128xf32, #tpu.memory_space<vmem>>, vector<1x1x16xf32>,
      %get3A_281 = vector.shape_cast %get3A_280 : vector<1x1x16xf32> to vector<16xf32>
      %bitcast_convert_type3A_282 = tpu.bitcast %get3A_281 : vector<16xf32> -> vector<16xi32>
      %shift_right_arithmetic3A_283 = arith.constant 16 : i32
      %shift_right_arithmetic3A_284 = vector.broadcast %shift_right_arithmetic3A_283 : i32 to vector<16xi32>
      %shift_right_arithmetic3A_285 = arith.shrsi %bitcast_convert_type3A_282, %shift_right_arithmetic3A_284 : vector<16xi32>
      %and3A_286 = arith.constant 1 : i32
      %and3A_287 = vector.broadcast %and3A_286 : i32 to vector<16xi32>
      %and3A_288 = arith.andi %shift_right_arithmetic3A_285, %and3A_287 : vector<16xi32>
      %add3A_289 = arith.constant 32767 : i32
      %add3A_290 = vector.broadcast %add3A_289 : i32 to vector<16xi32>
      %add3A_291 = arith.addi %bitcast_convert_type3A_282, %add3A_290 : vector<16xi32>
      %add3A_292 = arith.addi %add3A_291, %and3A_288 : vector<16xi32>
      %and3A_293 = arith.constant -65536 : i32
      %and3A_294 = vector.broadcast %and3A_293 : i32 to vector<16xi32>
      %and3A_295 = arith.andi %add3A_292, %and3A_294 : vector<16xi32>
      %bitcast_convert_type3A_296 = tpu.bitcast %and3A_295 : vector<16xi32> -> vector<16xf32>
      %get3A_297 = arith.constant 0 : i32
      %get3A_298 = arith.index_cast %get3A_297 : i32 to index
      %get3A_299 = arith.index_cast %scan3A_152 : i32 to index
      %get3A_300 = arith.constant 112 : index
      %get3A_301 = tpu.vector_load %arg4[%get3A_298, %get3A_299, %get3A_300] {strides = array<i32>} : memref<2x64x128xf32, #tpu.memory_space<vmem>>, vector<1x1x16xf32>,
      %get3A_302 = vector.shape_cast %get3A_301 : vector<1x1x16xf32> to vector<16xf32>
      %bitcast_convert_type3A_303 = tpu.bitcast %get3A_302 : vector<16xf32> -> vector<16xi32>
      %shift_right_arithmetic3A_304 = arith.constant 16 : i32
      %shift_right_arithmetic3A_305 = vector.broadcast %shift_right_arithmetic3A_304 : i32 to vector<16xi32>
      %shift_right_arithmetic3A_306 = arith.shrsi %bitcast_convert_type3A_303, %shift_right_arithmetic3A_305 : vector<16xi32>
      %and3A_307 = arith.constant 1 : i32
      %and3A_308 = vector.broadcast %and3A_307 : i32 to vector<16xi32>
      %and3A_309 = arith.andi %shift_right_arithmetic3A_306, %and3A_308 : vector<16xi32>
      %add3A_310 = arith.constant 32767 : i32
      %add3A_311 = vector.broadcast %add3A_310 : i32 to vector<16xi32>
      %add3A_312 = arith.addi %bitcast_convert_type3A_303, %add3A_311 : vector<16xi32>
      %add3A_313 = arith.addi %add3A_312, %and3A_309 : vector<16xi32>
      %and3A_314 = arith.constant -65536 : i32
      %and3A_315 = vector.broadcast %and3A_314 : i32 to vector<16xi32>
      %and3A_316 = arith.andi %add3A_313, %and3A_315 : vector<16xi32>
      %bitcast_convert_type3A_317 = tpu.bitcast %and3A_316 : vector<16xi32> -> vector<16xf32>
      %add3A_318 = arith.addf %bitcast_convert_type3A_170, %bitcast_convert_type3A_191 : vector<16xf32>
      %add3A_319 = arith.addf %bitcast_convert_type3A_212, %bitcast_convert_type3A_233 : vector<16xf32>
      %add3A_320 = arith.addf %bitcast_convert_type3A_254, %bitcast_convert_type3A_275 : vector<16xf32>
      %add3A_321 = arith.addf %bitcast_convert_type3A_296, %bitcast_convert_type3A_317 : vector<16xf32>
      %add3A_322 = arith.addf %add3A_318, %add3A_319 : vector<16xf32>
      %add3A_323 = arith.addf %add3A_320, %add3A_321 : vector<16xf32>
      %add3A_324 = arith.addf %add3A_322, %add3A_323 : vector<16xf32>
      %mul3A_325 = arith.constant 16 : i32
      %mul3A_326 = arith.muli %scan3A_152, %mul3A_325 : i32
      %swap3A = arith.constant 4 : i32
      %swap3A_327 = arith.index_cast %swap3A : i32 to index
      %swap3A_328 = arith.index_cast %mul3A_326 : i32 to index
      %swap3A_329 = tpu.vector_load %arg6[%swap3A_327, %swap3A_328] {strides = array<i32>} : memref<8x1024xf32, #tpu.memory_space<vmem>>, vector<1x16xf32>,
      %swap3A_330 = vector.shape_cast %swap3A_329 : vector<1x16xf32> to vector<16xf32>
      %swap3A_331 = vector.shape_cast %add3A_324 : vector<16xf32> to vector<1x16xf32>
      tpu.vector_store %arg6[%swap3A_327, %swap3A_328], %swap3A_331 {strides = array<i32>} : memref<8x1024xf32, #tpu.memory_space<vmem>>, vector<1x16xf32>,
    }
    %scan3A_123 = arith.constant 64 : i32
    %scan3A_124 = arith.constant 0 : i32
    %scan3A_125 = arith.constant 0 : i32
    %scan3A_126 = arith.constant 64 : i32
    %scan3A_127 = arith.addi %scan3A_125, %scan3A_126 : i32
    %scan3A_128 = arith.constant 1 : i32
    scf.for %scan3A_152 = %scan3A_125 to %scan3A_127 step %scan3A_128  : i32 {
      %get3A = arith.constant 1 : i32
      %get3A_153 = arith.index_cast %get3A : i32 to index
      %get3A_154 = arith.index_cast %scan3A_152 : i32 to index
      %get3A_155 = arith.constant 0 : index
      %get3A_156 = tpu.vector_load %arg4[%get3A_153, %get3A_154, %get3A_155] {strides = array<i32>} : memref<2x64x128xf32, #tpu.memory_space<vmem>>, vector<1x1x16xf32>,
      %get3A_157 = vector.shape_cast %get3A_156 : vector<1x1x16xf32> to vector<16xf32>
      %bitcast_convert_type3A = tpu.bitcast %get3A_157 : vector<16xf32> -> vector<16xi32>
      %shift_right_arithmetic3A = arith.constant 16 : i32
      %shift_right_arithmetic3A_158 = vector.broadcast %shift_right_arithmetic3A : i32 to vector<16xi32>
      %shift_right_arithmetic3A_159 = arith.shrsi %bitcast_convert_type3A, %shift_right_arithmetic3A_158 : vector<16xi32>
      %and3A_160 = arith.constant 1 : i32
      %and3A_161 = vector.broadcast %and3A_160 : i32 to vector<16xi32>
      %and3A_162 = arith.andi %shift_right_arithmetic3A_159, %and3A_161 : vector<16xi32>
      %add3A_163 = arith.constant 32767 : i32
      %add3A_164 = vector.broadcast %add3A_163 : i32 to vector<16xi32>
      %add3A_165 = arith.addi %bitcast_convert_type3A, %add3A_164 : vector<16xi32>
      %add3A_166 = arith.addi %add3A_165, %and3A_162 : vector<16xi32>
      %and3A_167 = arith.constant -65536 : i32
      %and3A_168 = vector.broadcast %and3A_167 : i32 to vector<16xi32>
      %and3A_169 = arith.andi %add3A_166, %and3A_168 : vector<16xi32>
      %bitcast_convert_type3A_170 = tpu.bitcast %and3A_169 : vector<16xi32> -> vector<16xf32>
      %get3A_171 = arith.constant 1 : i32
      %get3A_172 = arith.index_cast %get3A_171 : i32 to index
      %get3A_173 = arith.index_cast %scan3A_152 : i32 to index
      %get3A_174 = arith.constant 16 : index
      %get3A_175 = tpu.vector_load %arg4[%get3A_172, %get3A_173, %get3A_174] {strides = array<i32>} : memref<2x64x128xf32, #tpu.memory_space<vmem>>, vector<1x1x16xf32>,
      %get3A_176 = vector.shape_cast %get3A_175 : vector<1x1x16xf32> to vector<16xf32>
      %bitcast_convert_type3A_177 = tpu.bitcast %get3A_176 : vector<16xf32> -> vector<16xi32>
      %shift_right_arithmetic3A_178 = arith.constant 16 : i32
      %shift_right_arithmetic3A_179 = vector.broadcast %shift_right_arithmetic3A_178 : i32 to vector<16xi32>
      %shift_right_arithmetic3A_180 = arith.shrsi %bitcast_convert_type3A_177, %shift_right_arithmetic3A_179 : vector<16xi32>
      %and3A_181 = arith.constant 1 : i32
      %and3A_182 = vector.broadcast %and3A_181 : i32 to vector<16xi32>
      %and3A_183 = arith.andi %shift_right_arithmetic3A_180, %and3A_182 : vector<16xi32>
      %add3A_184 = arith.constant 32767 : i32
      %add3A_185 = vector.broadcast %add3A_184 : i32 to vector<16xi32>
      %add3A_186 = arith.addi %bitcast_convert_type3A_177, %add3A_185 : vector<16xi32>
      %add3A_187 = arith.addi %add3A_186, %and3A_183 : vector<16xi32>
      %and3A_188 = arith.constant -65536 : i32
      %and3A_189 = vector.broadcast %and3A_188 : i32 to vector<16xi32>
      %and3A_190 = arith.andi %add3A_187, %and3A_189 : vector<16xi32>
      %bitcast_convert_type3A_191 = tpu.bitcast %and3A_190 : vector<16xi32> -> vector<16xf32>
      %get3A_192 = arith.constant 1 : i32
      %get3A_193 = arith.index_cast %get3A_192 : i32 to index
      %get3A_194 = arith.index_cast %scan3A_152 : i32 to index
      %get3A_195 = arith.constant 32 : index
      %get3A_196 = tpu.vector_load %arg4[%get3A_193, %get3A_194, %get3A_195] {strides = array<i32>} : memref<2x64x128xf32, #tpu.memory_space<vmem>>, vector<1x1x16xf32>,
      %get3A_197 = vector.shape_cast %get3A_196 : vector<1x1x16xf32> to vector<16xf32>
      %bitcast_convert_type3A_198 = tpu.bitcast %get3A_197 : vector<16xf32> -> vector<16xi32>
      %shift_right_arithmetic3A_199 = arith.constant 16 : i32
      %shift_right_arithmetic3A_200 = vector.broadcast %shift_right_arithmetic3A_199 : i32 to vector<16xi32>
      %shift_right_arithmetic3A_201 = arith.shrsi %bitcast_convert_type3A_198, %shift_right_arithmetic3A_200 : vector<16xi32>
      %and3A_202 = arith.constant 1 : i32
      %and3A_203 = vector.broadcast %and3A_202 : i32 to vector<16xi32>
      %and3A_204 = arith.andi %shift_right_arithmetic3A_201, %and3A_203 : vector<16xi32>
      %add3A_205 = arith.constant 32767 : i32
      %add3A_206 = vector.broadcast %add3A_205 : i32 to vector<16xi32>
      %add3A_207 = arith.addi %bitcast_convert_type3A_198, %add3A_206 : vector<16xi32>
      %add3A_208 = arith.addi %add3A_207, %and3A_204 : vector<16xi32>
      %and3A_209 = arith.constant -65536 : i32
      %and3A_210 = vector.broadcast %and3A_209 : i32 to vector<16xi32>
      %and3A_211 = arith.andi %add3A_208, %and3A_210 : vector<16xi32>
      %bitcast_convert_type3A_212 = tpu.bitcast %and3A_211 : vector<16xi32> -> vector<16xf32>
      %get3A_213 = arith.constant 1 : i32
      %get3A_214 = arith.index_cast %get3A_213 : i32 to index
      %get3A_215 = arith.index_cast %scan3A_152 : i32 to index
      %get3A_216 = arith.constant 48 : index
      %get3A_217 = tpu.vector_load %arg4[%get3A_214, %get3A_215, %get3A_216] {strides = array<i32>} : memref<2x64x128xf32, #tpu.memory_space<vmem>>, vector<1x1x16xf32>,
      %get3A_218 = vector.shape_cast %get3A_217 : vector<1x1x16xf32> to vector<16xf32>
      %bitcast_convert_type3A_219 = tpu.bitcast %get3A_218 : vector<16xf32> -> vector<16xi32>
      %shift_right_arithmetic3A_220 = arith.constant 16 : i32
      %shift_right_arithmetic3A_221 = vector.broadcast %shift_right_arithmetic3A_220 : i32 to vector<16xi32>
      %shift_right_arithmetic3A_222 = arith.shrsi %bitcast_convert_type3A_219, %shift_right_arithmetic3A_221 : vector<16xi32>
      %and3A_223 = arith.constant 1 : i32
      %and3A_224 = vector.broadcast %and3A_223 : i32 to vector<16xi32>
      %and3A_225 = arith.andi %shift_right_arithmetic3A_222, %and3A_224 : vector<16xi32>
      %add3A_226 = arith.constant 32767 : i32
      %add3A_227 = vector.broadcast %add3A_226 : i32 to vector<16xi32>
      %add3A_228 = arith.addi %bitcast_convert_type3A_219, %add3A_227 : vector<16xi32>
      %add3A_229 = arith.addi %add3A_228, %and3A_225 : vector<16xi32>
      %and3A_230 = arith.constant -65536 : i32
      %and3A_231 = vector.broadcast %and3A_230 : i32 to vector<16xi32>
      %and3A_232 = arith.andi %add3A_229, %and3A_231 : vector<16xi32>
      %bitcast_convert_type3A_233 = tpu.bitcast %and3A_232 : vector<16xi32> -> vector<16xf32>
      %get3A_234 = arith.constant 1 : i32
      %get3A_235 = arith.index_cast %get3A_234 : i32 to index
      %get3A_236 = arith.index_cast %scan3A_152 : i32 to index
      %get3A_237 = arith.constant 64 : index
      %get3A_238 = tpu.vector_load %arg4[%get3A_235, %get3A_236, %get3A_237] {strides = array<i32>} : memref<2x64x128xf32, #tpu.memory_space<vmem>>, vector<1x1x16xf32>,
      %get3A_239 = vector.shape_cast %get3A_238 : vector<1x1x16xf32> to vector<16xf32>
      %bitcast_convert_type3A_240 = tpu.bitcast %get3A_239 : vector<16xf32> -> vector<16xi32>
      %shift_right_arithmetic3A_241 = arith.constant 16 : i32
      %shift_right_arithmetic3A_242 = vector.broadcast %shift_right_arithmetic3A_241 : i32 to vector<16xi32>
      %shift_right_arithmetic3A_243 = arith.shrsi %bitcast_convert_type3A_240, %shift_right_arithmetic3A_242 : vector<16xi32>
      %and3A_244 = arith.constant 1 : i32
      %and3A_245 = vector.broadcast %and3A_244 : i32 to vector<16xi32>
      %and3A_246 = arith.andi %shift_right_arithmetic3A_243, %and3A_245 : vector<16xi32>
      %add3A_247 = arith.constant 32767 : i32
      %add3A_248 = vector.broadcast %add3A_247 : i32 to vector<16xi32>
      %add3A_249 = arith.addi %bitcast_convert_type3A_240, %add3A_248 : vector<16xi32>
      %add3A_250 = arith.addi %add3A_249, %and3A_246 : vector<16xi32>
      %and3A_251 = arith.constant -65536 : i32
      %and3A_252 = vector.broadcast %and3A_251 : i32 to vector<16xi32>
      %and3A_253 = arith.andi %add3A_250, %and3A_252 : vector<16xi32>
      %bitcast_convert_type3A_254 = tpu.bitcast %and3A_253 : vector<16xi32> -> vector<16xf32>
      %get3A_255 = arith.constant 1 : i32
      %get3A_256 = arith.index_cast %get3A_255 : i32 to index
      %get3A_257 = arith.index_cast %scan3A_152 : i32 to index
      %get3A_258 = arith.constant 80 : index
      %get3A_259 = tpu.vector_load %arg4[%get3A_256, %get3A_257, %get3A_258] {strides = array<i32>} : memref<2x64x128xf32, #tpu.memory_space<vmem>>, vector<1x1x16xf32>,
      %get3A_260 = vector.shape_cast %get3A_259 : vector<1x1x16xf32> to vector<16xf32>
      %bitcast_convert_type3A_261 = tpu.bitcast %get3A_260 : vector<16xf32> -> vector<16xi32>
      %shift_right_arithmetic3A_262 = arith.constant 16 : i32
      %shift_right_arithmetic3A_263 = vector.broadcast %shift_right_arithmetic3A_262 : i32 to vector<16xi32>
      %shift_right_arithmetic3A_264 = arith.shrsi %bitcast_convert_type3A_261, %shift_right_arithmetic3A_263 : vector<16xi32>
      %and3A_265 = arith.constant 1 : i32
      %and3A_266 = vector.broadcast %and3A_265 : i32 to vector<16xi32>
      %and3A_267 = arith.andi %shift_right_arithmetic3A_264, %and3A_266 : vector<16xi32>
      %add3A_268 = arith.constant 32767 : i32
      %add3A_269 = vector.broadcast %add3A_268 : i32 to vector<16xi32>
      %add3A_270 = arith.addi %bitcast_convert_type3A_261, %add3A_269 : vector<16xi32>
      %add3A_271 = arith.addi %add3A_270, %and3A_267 : vector<16xi32>
      %and3A_272 = arith.constant -65536 : i32
      %and3A_273 = vector.broadcast %and3A_272 : i32 to vector<16xi32>
      %and3A_274 = arith.andi %add3A_271, %and3A_273 : vector<16xi32>
      %bitcast_convert_type3A_275 = tpu.bitcast %and3A_274 : vector<16xi32> -> vector<16xf32>
      %get3A_276 = arith.constant 1 : i32
      %get3A_277 = arith.index_cast %get3A_276 : i32 to index
      %get3A_278 = arith.index_cast %scan3A_152 : i32 to index
      %get3A_279 = arith.constant 96 : index
      %get3A_280 = tpu.vector_load %arg4[%get3A_277, %get3A_278, %get3A_279] {strides = array<i32>} : memref<2x64x128xf32, #tpu.memory_space<vmem>>, vector<1x1x16xf32>,
      %get3A_281 = vector.shape_cast %get3A_280 : vector<1x1x16xf32> to vector<16xf32>
      %bitcast_convert_type3A_282 = tpu.bitcast %get3A_281 : vector<16xf32> -> vector<16xi32>
      %shift_right_arithmetic3A_283 = arith.constant 16 : i32
      %shift_right_arithmetic3A_284 = vector.broadcast %shift_right_arithmetic3A_283 : i32 to vector<16xi32>
      %shift_right_arithmetic3A_285 = arith.shrsi %bitcast_convert_type3A_282, %shift_right_arithmetic3A_284 : vector<16xi32>
      %and3A_286 = arith.constant 1 : i32
      %and3A_287 = vector.broadcast %and3A_286 : i32 to vector<16xi32>
      %and3A_288 = arith.andi %shift_right_arithmetic3A_285, %and3A_287 : vector<16xi32>
      %add3A_289 = arith.constant 32767 : i32
      %add3A_290 = vector.broadcast %add3A_289 : i32 to vector<16xi32>
      %add3A_291 = arith.addi %bitcast_convert_type3A_282, %add3A_290 : vector<16xi32>
      %add3A_292 = arith.addi %add3A_291, %and3A_288 : vector<16xi32>
      %and3A_293 = arith.constant -65536 : i32
      %and3A_294 = vector.broadcast %and3A_293 : i32 to vector<16xi32>
      %and3A_295 = arith.andi %add3A_292, %and3A_294 : vector<16xi32>
      %bitcast_convert_type3A_296 = tpu.bitcast %and3A_295 : vector<16xi32> -> vector<16xf32>
      %get3A_297 = arith.constant 1 : i32
      %get3A_298 = arith.index_cast %get3A_297 : i32 to index
      %get3A_299 = arith.index_cast %scan3A_152 : i32 to index
      %get3A_300 = arith.constant 112 : index
      %get3A_301 = tpu.vector_load %arg4[%get3A_298, %get3A_299, %get3A_300] {strides = array<i32>} : memref<2x64x128xf32, #tpu.memory_space<vmem>>, vector<1x1x16xf32>,
      %get3A_302 = vector.shape_cast %get3A_301 : vector<1x1x16xf32> to vector<16xf32>
      %bitcast_convert_type3A_303 = tpu.bitcast %get3A_302 : vector<16xf32> -> vector<16xi32>
      %shift_right_arithmetic3A_304 = arith.constant 16 : i32
      %shift_right_arithmetic3A_305 = vector.broadcast %shift_right_arithmetic3A_304 : i32 to vector<16xi32>
      %shift_right_arithmetic3A_306 = arith.shrsi %bitcast_convert_type3A_303, %shift_right_arithmetic3A_305 : vector<16xi32>
      %and3A_307 = arith.constant 1 : i32
      %and3A_308 = vector.broadcast %and3A_307 : i32 to vector<16xi32>
      %and3A_309 = arith.andi %shift_right_arithmetic3A_306, %and3A_308 : vector<16xi32>
      %add3A_310 = arith.constant 32767 : i32
      %add3A_311 = vector.broadcast %add3A_310 : i32 to vector<16xi32>
      %add3A_312 = arith.addi %bitcast_convert_type3A_303, %add3A_311 : vector<16xi32>
      %add3A_313 = arith.addi %add3A_312, %and3A_309 : vector<16xi32>
      %and3A_314 = arith.constant -65536 : i32
      %and3A_315 = vector.broadcast %and3A_314 : i32 to vector<16xi32>
      %and3A_316 = arith.andi %add3A_313, %and3A_315 : vector<16xi32>
      %bitcast_convert_type3A_317 = tpu.bitcast %and3A_316 : vector<16xi32> -> vector<16xf32>
      %add3A_318 = arith.addf %bitcast_convert_type3A_170, %bitcast_convert_type3A_191 : vector<16xf32>
      %add3A_319 = arith.addf %bitcast_convert_type3A_212, %bitcast_convert_type3A_233 : vector<16xf32>
      %add3A_320 = arith.addf %bitcast_convert_type3A_254, %bitcast_convert_type3A_275 : vector<16xf32>
      %add3A_321 = arith.addf %bitcast_convert_type3A_296, %bitcast_convert_type3A_317 : vector<16xf32>
      %add3A_322 = arith.addf %add3A_318, %add3A_319 : vector<16xf32>
      %add3A_323 = arith.addf %add3A_320, %add3A_321 : vector<16xf32>
      %add3A_324 = arith.addf %add3A_322, %add3A_323 : vector<16xf32>
      %mul3A_325 = arith.constant 16 : i32
      %mul3A_326 = arith.muli %scan3A_152, %mul3A_325 : i32
      %swap3A = arith.constant 5 : i32
      %swap3A_327 = arith.index_cast %swap3A : i32 to index
      %swap3A_328 = arith.index_cast %mul3A_326 : i32 to index
      %swap3A_329 = tpu.vector_load %arg6[%swap3A_327, %swap3A_328] {strides = array<i32>} : memref<8x1024xf32, #tpu.memory_space<vmem>>, vector<1x16xf32>,
      %swap3A_330 = vector.shape_cast %swap3A_329 : vector<1x16xf32> to vector<16xf32>
      %swap3A_331 = vector.shape_cast %add3A_324 : vector<16xf32> to vector<1x16xf32>
      tpu.vector_store %arg6[%swap3A_327, %swap3A_328], %swap3A_331 {strides = array<i32>} : memref<8x1024xf32, #tpu.memory_space<vmem>>, vector<1x16xf32>,
    }
    %scan3A_129 = arith.constant 64 : i32
    %dma_wait3A_130 = arith.constant 0 : i32
    %dma_wait3A_131 = arith.constant 0 : i32
    %dma_wait3A_132 = tpu.memref_slice %arg2[%select_n3A, %add3A_101, %dma_wait3A_130, %dma_wait3A_131] : memref<4x128x64x128xf32, #tpu.memory_space<hbm>> -> memref<1x2x64x128xf32, #tpu.memory_space<hbm>>
    %dma_wait3A_133 = tpu.memref_squeeze %dma_wait3A_132 : memref<1x2x64x128xf32, #tpu.memory_space<hbm>> -> memref<2x64x128xf32, #tpu.memory_space<hbm>>
    %dma_wait3A_134 = arith.constant 0 : i32
    %dma_wait3A_135 = arith.constant 0 : i32
    %dma_wait3A_136 = tpu.memref_slice %arg2[%select_n3A, %add3A_101, %dma_wait3A_134, %dma_wait3A_135] : memref<4x128x64x128xf32, #tpu.memory_space<hbm>> -> memref<1x2x64x128xf32, #tpu.memory_space<hbm>>
    %dma_wait3A_137 = tpu.memref_squeeze %dma_wait3A_136 : memref<1x2x64x128xf32, #tpu.memory_space<hbm>> -> memref<2x64x128xf32, #tpu.memory_space<hbm>>
    tpu.wait_dma2 semaphore(%arg8 : memref<!tpu.dma_semaphore, #tpu.memory_space<semaphore_mem>>) src(%dma_wait3A_137 : memref<2x64x128xf32, #tpu.memory_space<hbm>>) dst(%arg5 : memref<2x64x128xf32, #tpu.memory_space<vmem>>)
    %scan3A_138 = arith.constant 0 : i32
    %scan3A_139 = arith.constant 0 : i32
    %scan3A_140 = arith.constant 64 : i32
    %scan3A_141 = arith.addi %scan3A_139, %scan3A_140 : i32
    %scan3A_142 = arith.constant 1 : i32
    scf.for %scan3A_152 = %scan3A_139 to %scan3A_141 step %scan3A_142  : i32 {
      %get3A = arith.constant 0 : i32
      %get3A_153 = arith.index_cast %get3A : i32 to index
      %get3A_154 = arith.index_cast %scan3A_152 : i32 to index
      %get3A_155 = arith.constant 0 : index
      %get3A_156 = tpu.vector_load %arg5[%get3A_153, %get3A_154, %get3A_155] {strides = array<i32>} : memref<2x64x128xf32, #tpu.memory_space<vmem>>, vector<1x1x16xf32>,
      %get3A_157 = vector.shape_cast %get3A_156 : vector<1x1x16xf32> to vector<16xf32>
      %bitcast_convert_type3A = tpu.bitcast %get3A_157 : vector<16xf32> -> vector<16xi32>
      %shift_right_arithmetic3A = arith.constant 16 : i32
      %shift_right_arithmetic3A_158 = vector.broadcast %shift_right_arithmetic3A : i32 to vector<16xi32>
      %shift_right_arithmetic3A_159 = arith.shrsi %bitcast_convert_type3A, %shift_right_arithmetic3A_158 : vector<16xi32>
      %and3A_160 = arith.constant 1 : i32
      %and3A_161 = vector.broadcast %and3A_160 : i32 to vector<16xi32>
      %and3A_162 = arith.andi %shift_right_arithmetic3A_159, %and3A_161 : vector<16xi32>
      %add3A_163 = arith.constant 32767 : i32
      %add3A_164 = vector.broadcast %add3A_163 : i32 to vector<16xi32>
      %add3A_165 = arith.addi %bitcast_convert_type3A, %add3A_164 : vector<16xi32>
      %add3A_166 = arith.addi %add3A_165, %and3A_162 : vector<16xi32>
      %and3A_167 = arith.constant -65536 : i32
      %and3A_168 = vector.broadcast %and3A_167 : i32 to vector<16xi32>
      %and3A_169 = arith.andi %add3A_166, %and3A_168 : vector<16xi32>
      %bitcast_convert_type3A_170 = tpu.bitcast %and3A_169 : vector<16xi32> -> vector<16xf32>
      %get3A_171 = arith.constant 0 : i32
      %get3A_172 = arith.index_cast %get3A_171 : i32 to index
      %get3A_173 = arith.index_cast %scan3A_152 : i32 to index
      %get3A_174 = arith.constant 16 : index
      %get3A_175 = tpu.vector_load %arg5[%get3A_172, %get3A_173, %get3A_174] {strides = array<i32>} : memref<2x64x128xf32, #tpu.memory_space<vmem>>, vector<1x1x16xf32>,
      %get3A_176 = vector.shape_cast %get3A_175 : vector<1x1x16xf32> to vector<16xf32>
      %bitcast_convert_type3A_177 = tpu.bitcast %get3A_176 : vector<16xf32> -> vector<16xi32>
      %shift_right_arithmetic3A_178 = arith.constant 16 : i32
      %shift_right_arithmetic3A_179 = vector.broadcast %shift_right_arithmetic3A_178 : i32 to vector<16xi32>
      %shift_right_arithmetic3A_180 = arith.shrsi %bitcast_convert_type3A_177, %shift_right_arithmetic3A_179 : vector<16xi32>
      %and3A_181 = arith.constant 1 : i32
      %and3A_182 = vector.broadcast %and3A_181 : i32 to vector<16xi32>
      %and3A_183 = arith.andi %shift_right_arithmetic3A_180, %and3A_182 : vector<16xi32>
      %add3A_184 = arith.constant 32767 : i32
      %add3A_185 = vector.broadcast %add3A_184 : i32 to vector<16xi32>
      %add3A_186 = arith.addi %bitcast_convert_type3A_177, %add3A_185 : vector<16xi32>
      %add3A_187 = arith.addi %add3A_186, %and3A_183 : vector<16xi32>
      %and3A_188 = arith.constant -65536 : i32
      %and3A_189 = vector.broadcast %and3A_188 : i32 to vector<16xi32>
      %and3A_190 = arith.andi %add3A_187, %and3A_189 : vector<16xi32>
      %bitcast_convert_type3A_191 = tpu.bitcast %and3A_190 : vector<16xi32> -> vector<16xf32>
      %get3A_192 = arith.constant 0 : i32
      %get3A_193 = arith.index_cast %get3A_192 : i32 to index
      %get3A_194 = arith.index_cast %scan3A_152 : i32 to index
      %get3A_195 = arith.constant 32 : index
      %get3A_196 = tpu.vector_load %arg5[%get3A_193, %get3A_194, %get3A_195] {strides = array<i32>} : memref<2x64x128xf32, #tpu.memory_space<vmem>>, vector<1x1x16xf32>,
      %get3A_197 = vector.shape_cast %get3A_196 : vector<1x1x16xf32> to vector<16xf32>
      %bitcast_convert_type3A_198 = tpu.bitcast %get3A_197 : vector<16xf32> -> vector<16xi32>
      %shift_right_arithmetic3A_199 = arith.constant 16 : i32
      %shift_right_arithmetic3A_200 = vector.broadcast %shift_right_arithmetic3A_199 : i32 to vector<16xi32>
      %shift_right_arithmetic3A_201 = arith.shrsi %bitcast_convert_type3A_198, %shift_right_arithmetic3A_200 : vector<16xi32>
      %and3A_202 = arith.constant 1 : i32
      %and3A_203 = vector.broadcast %and3A_202 : i32 to vector<16xi32>
      %and3A_204 = arith.andi %shift_right_arithmetic3A_201, %and3A_203 : vector<16xi32>
      %add3A_205 = arith.constant 32767 : i32
      %add3A_206 = vector.broadcast %add3A_205 : i32 to vector<16xi32>
      %add3A_207 = arith.addi %bitcast_convert_type3A_198, %add3A_206 : vector<16xi32>
      %add3A_208 = arith.addi %add3A_207, %and3A_204 : vector<16xi32>
      %and3A_209 = arith.constant -65536 : i32
      %and3A_210 = vector.broadcast %and3A_209 : i32 to vector<16xi32>
      %and3A_211 = arith.andi %add3A_208, %and3A_210 : vector<16xi32>
      %bitcast_convert_type3A_212 = tpu.bitcast %and3A_211 : vector<16xi32> -> vector<16xf32>
      %get3A_213 = arith.constant 0 : i32
      %get3A_214 = arith.index_cast %get3A_213 : i32 to index
      %get3A_215 = arith.index_cast %scan3A_152 : i32 to index
      %get3A_216 = arith.constant 48 : index
      %get3A_217 = tpu.vector_load %arg5[%get3A_214, %get3A_215, %get3A_216] {strides = array<i32>} : memref<2x64x128xf32, #tpu.memory_space<vmem>>, vector<1x1x16xf32>,
      %get3A_218 = vector.shape_cast %get3A_217 : vector<1x1x16xf32> to vector<16xf32>
      %bitcast_convert_type3A_219 = tpu.bitcast %get3A_218 : vector<16xf32> -> vector<16xi32>
      %shift_right_arithmetic3A_220 = arith.constant 16 : i32
      %shift_right_arithmetic3A_221 = vector.broadcast %shift_right_arithmetic3A_220 : i32 to vector<16xi32>
      %shift_right_arithmetic3A_222 = arith.shrsi %bitcast_convert_type3A_219, %shift_right_arithmetic3A_221 : vector<16xi32>
      %and3A_223 = arith.constant 1 : i32
      %and3A_224 = vector.broadcast %and3A_223 : i32 to vector<16xi32>
      %and3A_225 = arith.andi %shift_right_arithmetic3A_222, %and3A_224 : vector<16xi32>
      %add3A_226 = arith.constant 32767 : i32
      %add3A_227 = vector.broadcast %add3A_226 : i32 to vector<16xi32>
      %add3A_228 = arith.addi %bitcast_convert_type3A_219, %add3A_227 : vector<16xi32>
      %add3A_229 = arith.addi %add3A_228, %and3A_225 : vector<16xi32>
      %and3A_230 = arith.constant -65536 : i32
      %and3A_231 = vector.broadcast %and3A_230 : i32 to vector<16xi32>
      %and3A_232 = arith.andi %add3A_229, %and3A_231 : vector<16xi32>
      %bitcast_convert_type3A_233 = tpu.bitcast %and3A_232 : vector<16xi32> -> vector<16xf32>
      %get3A_234 = arith.constant 0 : i32
      %get3A_235 = arith.index_cast %get3A_234 : i32 to index
      %get3A_236 = arith.index_cast %scan3A_152 : i32 to index
      %get3A_237 = arith.constant 64 : index
      %get3A_238 = tpu.vector_load %arg5[%get3A_235, %get3A_236, %get3A_237] {strides = array<i32>} : memref<2x64x128xf32, #tpu.memory_space<vmem>>, vector<1x1x16xf32>,
      %get3A_239 = vector.shape_cast %get3A_238 : vector<1x1x16xf32> to vector<16xf32>
      %bitcast_convert_type3A_240 = tpu.bitcast %get3A_239 : vector<16xf32> -> vector<16xi32>
      %shift_right_arithmetic3A_241 = arith.constant 16 : i32
      %shift_right_arithmetic3A_242 = vector.broadcast %shift_right_arithmetic3A_241 : i32 to vector<16xi32>
      %shift_right_arithmetic3A_243 = arith.shrsi %bitcast_convert_type3A_240, %shift_right_arithmetic3A_242 : vector<16xi32>
      %and3A_244 = arith.constant 1 : i32
      %and3A_245 = vector.broadcast %and3A_244 : i32 to vector<16xi32>
      %and3A_246 = arith.andi %shift_right_arithmetic3A_243, %and3A_245 : vector<16xi32>
      %add3A_247 = arith.constant 32767 : i32
      %add3A_248 = vector.broadcast %add3A_247 : i32 to vector<16xi32>
      %add3A_249 = arith.addi %bitcast_convert_type3A_240, %add3A_248 : vector<16xi32>
      %add3A_250 = arith.addi %add3A_249, %and3A_246 : vector<16xi32>
      %and3A_251 = arith.constant -65536 : i32
      %and3A_252 = vector.broadcast %and3A_251 : i32 to vector<16xi32>
      %and3A_253 = arith.andi %add3A_250, %and3A_252 : vector<16xi32>
      %bitcast_convert_type3A_254 = tpu.bitcast %and3A_253 : vector<16xi32> -> vector<16xf32>
      %get3A_255 = arith.constant 0 : i32
      %get3A_256 = arith.index_cast %get3A_255 : i32 to index
      %get3A_257 = arith.index_cast %scan3A_152 : i32 to index
      %get3A_258 = arith.constant 80 : index
      %get3A_259 = tpu.vector_load %arg5[%get3A_256, %get3A_257, %get3A_258] {strides = array<i32>} : memref<2x64x128xf32, #tpu.memory_space<vmem>>, vector<1x1x16xf32>,
      %get3A_260 = vector.shape_cast %get3A_259 : vector<1x1x16xf32> to vector<16xf32>
      %bitcast_convert_type3A_261 = tpu.bitcast %get3A_260 : vector<16xf32> -> vector<16xi32>
      %shift_right_arithmetic3A_262 = arith.constant 16 : i32
      %shift_right_arithmetic3A_263 = vector.broadcast %shift_right_arithmetic3A_262 : i32 to vector<16xi32>
      %shift_right_arithmetic3A_264 = arith.shrsi %bitcast_convert_type3A_261, %shift_right_arithmetic3A_263 : vector<16xi32>
      %and3A_265 = arith.constant 1 : i32
      %and3A_266 = vector.broadcast %and3A_265 : i32 to vector<16xi32>
      %and3A_267 = arith.andi %shift_right_arithmetic3A_264, %and3A_266 : vector<16xi32>
      %add3A_268 = arith.constant 32767 : i32
      %add3A_269 = vector.broadcast %add3A_268 : i32 to vector<16xi32>
      %add3A_270 = arith.addi %bitcast_convert_type3A_261, %add3A_269 : vector<16xi32>
      %add3A_271 = arith.addi %add3A_270, %and3A_267 : vector<16xi32>
      %and3A_272 = arith.constant -65536 : i32
      %and3A_273 = vector.broadcast %and3A_272 : i32 to vector<16xi32>
      %and3A_274 = arith.andi %add3A_271, %and3A_273 : vector<16xi32>
      %bitcast_convert_type3A_275 = tpu.bitcast %and3A_274 : vector<16xi32> -> vector<16xf32>
      %get3A_276 = arith.constant 0 : i32
      %get3A_277 = arith.index_cast %get3A_276 : i32 to index
      %get3A_278 = arith.index_cast %scan3A_152 : i32 to index
      %get3A_279 = arith.constant 96 : index
      %get3A_280 = tpu.vector_load %arg5[%get3A_277, %get3A_278, %get3A_279] {strides = array<i32>} : memref<2x64x128xf32, #tpu.memory_space<vmem>>, vector<1x1x16xf32>,
      %get3A_281 = vector.shape_cast %get3A_280 : vector<1x1x16xf32> to vector<16xf32>
      %bitcast_convert_type3A_282 = tpu.bitcast %get3A_281 : vector<16xf32> -> vector<16xi32>
      %shift_right_arithmetic3A_283 = arith.constant 16 : i32
      %shift_right_arithmetic3A_284 = vector.broadcast %shift_right_arithmetic3A_283 : i32 to vector<16xi32>
      %shift_right_arithmetic3A_285 = arith.shrsi %bitcast_convert_type3A_282, %shift_right_arithmetic3A_284 : vector<16xi32>
      %and3A_286 = arith.constant 1 : i32
      %and3A_287 = vector.broadcast %and3A_286 : i32 to vector<16xi32>
      %and3A_288 = arith.andi %shift_right_arithmetic3A_285, %and3A_287 : vector<16xi32>
      %add3A_289 = arith.constant 32767 : i32
      %add3A_290 = vector.broadcast %add3A_289 : i32 to vector<16xi32>
      %add3A_291 = arith.addi %bitcast_convert_type3A_282, %add3A_290 : vector<16xi32>
      %add3A_292 = arith.addi %add3A_291, %and3A_288 : vector<16xi32>
      %and3A_293 = arith.constant -65536 : i32
      %and3A_294 = vector.broadcast %and3A_293 : i32 to vector<16xi32>
      %and3A_295 = arith.andi %add3A_292, %and3A_294 : vector<16xi32>
      %bitcast_convert_type3A_296 = tpu.bitcast %and3A_295 : vector<16xi32> -> vector<16xf32>
      %get3A_297 = arith.constant 0 : i32
      %get3A_298 = arith.index_cast %get3A_297 : i32 to index
      %get3A_299 = arith.index_cast %scan3A_152 : i32 to index
      %get3A_300 = arith.constant 112 : index
      %get3A_301 = tpu.vector_load %arg5[%get3A_298, %get3A_299, %get3A_300] {strides = array<i32>} : memref<2x64x128xf32, #tpu.memory_space<vmem>>, vector<1x1x16xf32>,
      %get3A_302 = vector.shape_cast %get3A_301 : vector<1x1x16xf32> to vector<16xf32>
      %bitcast_convert_type3A_303 = tpu.bitcast %get3A_302 : vector<16xf32> -> vector<16xi32>
      %shift_right_arithmetic3A_304 = arith.constant 16 : i32
      %shift_right_arithmetic3A_305 = vector.broadcast %shift_right_arithmetic3A_304 : i32 to vector<16xi32>
      %shift_right_arithmetic3A_306 = arith.shrsi %bitcast_convert_type3A_303, %shift_right_arithmetic3A_305 : vector<16xi32>
      %and3A_307 = arith.constant 1 : i32
      %and3A_308 = vector.broadcast %and3A_307 : i32 to vector<16xi32>
      %and3A_309 = arith.andi %shift_right_arithmetic3A_306, %and3A_308 : vector<16xi32>
      %add3A_310 = arith.constant 32767 : i32
      %add3A_311 = vector.broadcast %add3A_310 : i32 to vector<16xi32>
      %add3A_312 = arith.addi %bitcast_convert_type3A_303, %add3A_311 : vector<16xi32>
      %add3A_313 = arith.addi %add3A_312, %and3A_309 : vector<16xi32>
      %and3A_314 = arith.constant -65536 : i32
      %and3A_315 = vector.broadcast %and3A_314 : i32 to vector<16xi32>
      %and3A_316 = arith.andi %add3A_313, %and3A_315 : vector<16xi32>
      %bitcast_convert_type3A_317 = tpu.bitcast %and3A_316 : vector<16xi32> -> vector<16xf32>
      %add3A_318 = arith.addf %bitcast_convert_type3A_170, %bitcast_convert_type3A_191 : vector<16xf32>
      %add3A_319 = arith.addf %bitcast_convert_type3A_212, %bitcast_convert_type3A_233 : vector<16xf32>
      %add3A_320 = arith.addf %bitcast_convert_type3A_254, %bitcast_convert_type3A_275 : vector<16xf32>
      %add3A_321 = arith.addf %bitcast_convert_type3A_296, %bitcast_convert_type3A_317 : vector<16xf32>
      %add3A_322 = arith.addf %add3A_318, %add3A_319 : vector<16xf32>
      %add3A_323 = arith.addf %add3A_320, %add3A_321 : vector<16xf32>
      %add3A_324 = arith.addf %add3A_322, %add3A_323 : vector<16xf32>
      %mul3A_325 = arith.constant 16 : i32
      %mul3A_326 = arith.muli %scan3A_152, %mul3A_325 : i32
      %swap3A = arith.constant 6 : i32
      %swap3A_327 = arith.index_cast %swap3A : i32 to index
      %swap3A_328 = arith.index_cast %mul3A_326 : i32 to index
      %swap3A_329 = tpu.vector_load %arg6[%swap3A_327, %swap3A_328] {strides = array<i32>} : memref<8x1024xf32, #tpu.memory_space<vmem>>, vector<1x16xf32>,
      %swap3A_330 = vector.shape_cast %swap3A_329 : vector<1x16xf32> to vector<16xf32>
      %swap3A_331 = vector.shape_cast %add3A_324 : vector<16xf32> to vector<1x16xf32>
      tpu.vector_store %arg6[%swap3A_327, %swap3A_328], %swap3A_331 {strides = array<i32>} : memref<8x1024xf32, #tpu.memory_space<vmem>>, vector<1x16xf32>,
    }
    %scan3A_143 = arith.constant 64 : i32
    %scan3A_144 = arith.constant 0 : i32
    %scan3A_145 = arith.constant 0 : i32
    %scan3A_146 = arith.constant 64 : i32
    %scan3A_147 = arith.addi %scan3A_145, %scan3A_146 : i32
    %scan3A_148 = arith.constant 1 : i32
    scf.for %scan3A_152 = %scan3A_145 to %scan3A_147 step %scan3A_148  : i32 {
      %get3A = arith.constant 1 : i32
      %get3A_153 = arith.index_cast %get3A : i32 to index
      %get3A_154 = arith.index_cast %scan3A_152 : i32 to index
      %get3A_155 = arith.constant 0 : index
      %get3A_156 = tpu.vector_load %arg5[%get3A_153, %get3A_154, %get3A_155] {strides = array<i32>} : memref<2x64x128xf32, #tpu.memory_space<vmem>>, vector<1x1x16xf32>,
      %get3A_157 = vector.shape_cast %get3A_156 : vector<1x1x16xf32> to vector<16xf32>
      %bitcast_convert_type3A = tpu.bitcast %get3A_157 : vector<16xf32> -> vector<16xi32>
      %shift_right_arithmetic3A = arith.constant 16 : i32
      %shift_right_arithmetic3A_158 = vector.broadcast %shift_right_arithmetic3A : i32 to vector<16xi32>
      %shift_right_arithmetic3A_159 = arith.shrsi %bitcast_convert_type3A, %shift_right_arithmetic3A_158 : vector<16xi32>
      %and3A_160 = arith.constant 1 : i32
      %and3A_161 = vector.broadcast %and3A_160 : i32 to vector<16xi32>
      %and3A_162 = arith.andi %shift_right_arithmetic3A_159, %and3A_161 : vector<16xi32>
      %add3A_163 = arith.constant 32767 : i32
      %add3A_164 = vector.broadcast %add3A_163 : i32 to vector<16xi32>
      %add3A_165 = arith.addi %bitcast_convert_type3A, %add3A_164 : vector<16xi32>
      %add3A_166 = arith.addi %add3A_165, %and3A_162 : vector<16xi32>
      %and3A_167 = arith.constant -65536 : i32
      %and3A_168 = vector.broadcast %and3A_167 : i32 to vector<16xi32>
      %and3A_169 = arith.andi %add3A_166, %and3A_168 : vector<16xi32>
      %bitcast_convert_type3A_170 = tpu.bitcast %and3A_169 : vector<16xi32> -> vector<16xf32>
      %get3A_171 = arith.constant 1 : i32
      %get3A_172 = arith.index_cast %get3A_171 : i32 to index
      %get3A_173 = arith.index_cast %scan3A_152 : i32 to index
      %get3A_174 = arith.constant 16 : index
      %get3A_175 = tpu.vector_load %arg5[%get3A_172, %get3A_173, %get3A_174] {strides = array<i32>} : memref<2x64x128xf32, #tpu.memory_space<vmem>>, vector<1x1x16xf32>,
      %get3A_176 = vector.shape_cast %get3A_175 : vector<1x1x16xf32> to vector<16xf32>
      %bitcast_convert_type3A_177 = tpu.bitcast %get3A_176 : vector<16xf32> -> vector<16xi32>
      %shift_right_arithmetic3A_178 = arith.constant 16 : i32
      %shift_right_arithmetic3A_179 = vector.broadcast %shift_right_arithmetic3A_178 : i32 to vector<16xi32>
      %shift_right_arithmetic3A_180 = arith.shrsi %bitcast_convert_type3A_177, %shift_right_arithmetic3A_179 : vector<16xi32>
      %and3A_181 = arith.constant 1 : i32
      %and3A_182 = vector.broadcast %and3A_181 : i32 to vector<16xi32>
      %and3A_183 = arith.andi %shift_right_arithmetic3A_180, %and3A_182 : vector<16xi32>
      %add3A_184 = arith.constant 32767 : i32
      %add3A_185 = vector.broadcast %add3A_184 : i32 to vector<16xi32>
      %add3A_186 = arith.addi %bitcast_convert_type3A_177, %add3A_185 : vector<16xi32>
      %add3A_187 = arith.addi %add3A_186, %and3A_183 : vector<16xi32>
      %and3A_188 = arith.constant -65536 : i32
      %and3A_189 = vector.broadcast %and3A_188 : i32 to vector<16xi32>
      %and3A_190 = arith.andi %add3A_187, %and3A_189 : vector<16xi32>
      %bitcast_convert_type3A_191 = tpu.bitcast %and3A_190 : vector<16xi32> -> vector<16xf32>
      %get3A_192 = arith.constant 1 : i32
      %get3A_193 = arith.index_cast %get3A_192 : i32 to index
      %get3A_194 = arith.index_cast %scan3A_152 : i32 to index
      %get3A_195 = arith.constant 32 : index
      %get3A_196 = tpu.vector_load %arg5[%get3A_193, %get3A_194, %get3A_195] {strides = array<i32>} : memref<2x64x128xf32, #tpu.memory_space<vmem>>, vector<1x1x16xf32>,
      %get3A_197 = vector.shape_cast %get3A_196 : vector<1x1x16xf32> to vector<16xf32>
      %bitcast_convert_type3A_198 = tpu.bitcast %get3A_197 : vector<16xf32> -> vector<16xi32>
      %shift_right_arithmetic3A_199 = arith.constant 16 : i32
      %shift_right_arithmetic3A_200 = vector.broadcast %shift_right_arithmetic3A_199 : i32 to vector<16xi32>
      %shift_right_arithmetic3A_201 = arith.shrsi %bitcast_convert_type3A_198, %shift_right_arithmetic3A_200 : vector<16xi32>
      %and3A_202 = arith.constant 1 : i32
      %and3A_203 = vector.broadcast %and3A_202 : i32 to vector<16xi32>
      %and3A_204 = arith.andi %shift_right_arithmetic3A_201, %and3A_203 : vector<16xi32>
      %add3A_205 = arith.constant 32767 : i32
      %add3A_206 = vector.broadcast %add3A_205 : i32 to vector<16xi32>
      %add3A_207 = arith.addi %bitcast_convert_type3A_198, %add3A_206 : vector<16xi32>
      %add3A_208 = arith.addi %add3A_207, %and3A_204 : vector<16xi32>
      %and3A_209 = arith.constant -65536 : i32
      %and3A_210 = vector.broadcast %and3A_209 : i32 to vector<16xi32>
      %and3A_211 = arith.andi %add3A_208, %and3A_210 : vector<16xi32>
      %bitcast_convert_type3A_212 = tpu.bitcast %and3A_211 : vector<16xi32> -> vector<16xf32>
      %get3A_213 = arith.constant 1 : i32
      %get3A_214 = arith.index_cast %get3A_213 : i32 to index
      %get3A_215 = arith.index_cast %scan3A_152 : i32 to index
      %get3A_216 = arith.constant 48 : index
      %get3A_217 = tpu.vector_load %arg5[%get3A_214, %get3A_215, %get3A_216] {strides = array<i32>} : memref<2x64x128xf32, #tpu.memory_space<vmem>>, vector<1x1x16xf32>,
      %get3A_218 = vector.shape_cast %get3A_217 : vector<1x1x16xf32> to vector<16xf32>
      %bitcast_convert_type3A_219 = tpu.bitcast %get3A_218 : vector<16xf32> -> vector<16xi32>
      %shift_right_arithmetic3A_220 = arith.constant 16 : i32
      %shift_right_arithmetic3A_221 = vector.broadcast %shift_right_arithmetic3A_220 : i32 to vector<16xi32>
      %shift_right_arithmetic3A_222 = arith.shrsi %bitcast_convert_type3A_219, %shift_right_arithmetic3A_221 : vector<16xi32>
      %and3A_223 = arith.constant 1 : i32
      %and3A_224 = vector.broadcast %and3A_223 : i32 to vector<16xi32>
      %and3A_225 = arith.andi %shift_right_arithmetic3A_222, %and3A_224 : vector<16xi32>
      %add3A_226 = arith.constant 32767 : i32
      %add3A_227 = vector.broadcast %add3A_226 : i32 to vector<16xi32>
      %add3A_228 = arith.addi %bitcast_convert_type3A_219, %add3A_227 : vector<16xi32>
      %add3A_229 = arith.addi %add3A_228, %and3A_225 : vector<16xi32>
      %and3A_230 = arith.constant -65536 : i32
      %and3A_231 = vector.broadcast %and3A_230 : i32 to vector<16xi32>
      %and3A_232 = arith.andi %add3A_229, %and3A_231 : vector<16xi32>
      %bitcast_convert_type3A_233 = tpu.bitcast %and3A_232 : vector<16xi32> -> vector<16xf32>
      %get3A_234 = arith.constant 1 : i32
      %get3A_235 = arith.index_cast %get3A_234 : i32 to index
      %get3A_236 = arith.index_cast %scan3A_152 : i32 to index
      %get3A_237 = arith.constant 64 : index
      %get3A_238 = tpu.vector_load %arg5[%get3A_235, %get3A_236, %get3A_237] {strides = array<i32>} : memref<2x64x128xf32, #tpu.memory_space<vmem>>, vector<1x1x16xf32>,
      %get3A_239 = vector.shape_cast %get3A_238 : vector<1x1x16xf32> to vector<16xf32>
      %bitcast_convert_type3A_240 = tpu.bitcast %get3A_239 : vector<16xf32> -> vector<16xi32>
      %shift_right_arithmetic3A_241 = arith.constant 16 : i32
      %shift_right_arithmetic3A_242 = vector.broadcast %shift_right_arithmetic3A_241 : i32 to vector<16xi32>
      %shift_right_arithmetic3A_243 = arith.shrsi %bitcast_convert_type3A_240, %shift_right_arithmetic3A_242 : vector<16xi32>
      %and3A_244 = arith.constant 1 : i32
      %and3A_245 = vector.broadcast %and3A_244 : i32 to vector<16xi32>
      %and3A_246 = arith.andi %shift_right_arithmetic3A_243, %and3A_245 : vector<16xi32>
      %add3A_247 = arith.constant 32767 : i32
      %add3A_248 = vector.broadcast %add3A_247 : i32 to vector<16xi32>
      %add3A_249 = arith.addi %bitcast_convert_type3A_240, %add3A_248 : vector<16xi32>
      %add3A_250 = arith.addi %add3A_249, %and3A_246 : vector<16xi32>
      %and3A_251 = arith.constant -65536 : i32
      %and3A_252 = vector.broadcast %and3A_251 : i32 to vector<16xi32>
      %and3A_253 = arith.andi %add3A_250, %and3A_252 : vector<16xi32>
      %bitcast_convert_type3A_254 = tpu.bitcast %and3A_253 : vector<16xi32> -> vector<16xf32>
      %get3A_255 = arith.constant 1 : i32
      %get3A_256 = arith.index_cast %get3A_255 : i32 to index
      %get3A_257 = arith.index_cast %scan3A_152 : i32 to index
      %get3A_258 = arith.constant 80 : index
      %get3A_259 = tpu.vector_load %arg5[%get3A_256, %get3A_257, %get3A_258] {strides = array<i32>} : memref<2x64x128xf32, #tpu.memory_space<vmem>>, vector<1x1x16xf32>,
      %get3A_260 = vector.shape_cast %get3A_259 : vector<1x1x16xf32> to vector<16xf32>
      %bitcast_convert_type3A_261 = tpu.bitcast %get3A_260 : vector<16xf32> -> vector<16xi32>
      %shift_right_arithmetic3A_262 = arith.constant 16 : i32
      %shift_right_arithmetic3A_263 = vector.broadcast %shift_right_arithmetic3A_262 : i32 to vector<16xi32>
      %shift_right_arithmetic3A_264 = arith.shrsi %bitcast_convert_type3A_261, %shift_right_arithmetic3A_263 : vector<16xi32>
      %and3A_265 = arith.constant 1 : i32
      %and3A_266 = vector.broadcast %and3A_265 : i32 to vector<16xi32>
      %and3A_267 = arith.andi %shift_right_arithmetic3A_264, %and3A_266 : vector<16xi32>
      %add3A_268 = arith.constant 32767 : i32
      %add3A_269 = vector.broadcast %add3A_268 : i32 to vector<16xi32>
      %add3A_270 = arith.addi %bitcast_convert_type3A_261, %add3A_269 : vector<16xi32>
      %add3A_271 = arith.addi %add3A_270, %and3A_267 : vector<16xi32>
      %and3A_272 = arith.constant -65536 : i32
      %and3A_273 = vector.broadcast %and3A_272 : i32 to vector<16xi32>
      %and3A_274 = arith.andi %add3A_271, %and3A_273 : vector<16xi32>
      %bitcast_convert_type3A_275 = tpu.bitcast %and3A_274 : vector<16xi32> -> vector<16xf32>
      %get3A_276 = arith.constant 1 : i32
      %get3A_277 = arith.index_cast %get3A_276 : i32 to index
      %get3A_278 = arith.index_cast %scan3A_152 : i32 to index
      %get3A_279 = arith.constant 96 : index
      %get3A_280 = tpu.vector_load %arg5[%get3A_277, %get3A_278, %get3A_279] {strides = array<i32>} : memref<2x64x128xf32, #tpu.memory_space<vmem>>, vector<1x1x16xf32>,
      %get3A_281 = vector.shape_cast %get3A_280 : vector<1x1x16xf32> to vector<16xf32>
      %bitcast_convert_type3A_282 = tpu.bitcast %get3A_281 : vector<16xf32> -> vector<16xi32>
      %shift_right_arithmetic3A_283 = arith.constant 16 : i32
      %shift_right_arithmetic3A_284 = vector.broadcast %shift_right_arithmetic3A_283 : i32 to vector<16xi32>
      %shift_right_arithmetic3A_285 = arith.shrsi %bitcast_convert_type3A_282, %shift_right_arithmetic3A_284 : vector<16xi32>
      %and3A_286 = arith.constant 1 : i32
      %and3A_287 = vector.broadcast %and3A_286 : i32 to vector<16xi32>
      %and3A_288 = arith.andi %shift_right_arithmetic3A_285, %and3A_287 : vector<16xi32>
      %add3A_289 = arith.constant 32767 : i32
      %add3A_290 = vector.broadcast %add3A_289 : i32 to vector<16xi32>
      %add3A_291 = arith.addi %bitcast_convert_type3A_282, %add3A_290 : vector<16xi32>
      %add3A_292 = arith.addi %add3A_291, %and3A_288 : vector<16xi32>
      %and3A_293 = arith.constant -65536 : i32
      %and3A_294 = vector.broadcast %and3A_293 : i32 to vector<16xi32>
      %and3A_295 = arith.andi %add3A_292, %and3A_294 : vector<16xi32>
      %bitcast_convert_type3A_296 = tpu.bitcast %and3A_295 : vector<16xi32> -> vector<16xf32>
      %get3A_297 = arith.constant 1 : i32
      %get3A_298 = arith.index_cast %get3A_297 : i32 to index
      %get3A_299 = arith.index_cast %scan3A_152 : i32 to index
      %get3A_300 = arith.constant 112 : index
      %get3A_301 = tpu.vector_load %arg5[%get3A_298, %get3A_299, %get3A_300] {strides = array<i32>} : memref<2x64x128xf32, #tpu.memory_space<vmem>>, vector<1x1x16xf32>,
      %get3A_302 = vector.shape_cast %get3A_301 : vector<1x1x16xf32> to vector<16xf32>
      %bitcast_convert_type3A_303 = tpu.bitcast %get3A_302 : vector<16xf32> -> vector<16xi32>
      %shift_right_arithmetic3A_304 = arith.constant 16 : i32
      %shift_right_arithmetic3A_305 = vector.broadcast %shift_right_arithmetic3A_304 : i32 to vector<16xi32>
      %shift_right_arithmetic3A_306 = arith.shrsi %bitcast_convert_type3A_303, %shift_right_arithmetic3A_305 : vector<16xi32>
      %and3A_307 = arith.constant 1 : i32
      %and3A_308 = vector.broadcast %and3A_307 : i32 to vector<16xi32>
      %and3A_309 = arith.andi %shift_right_arithmetic3A_306, %and3A_308 : vector<16xi32>
      %add3A_310 = arith.constant 32767 : i32
      %add3A_311 = vector.broadcast %add3A_310 : i32 to vector<16xi32>
      %add3A_312 = arith.addi %bitcast_convert_type3A_303, %add3A_311 : vector<16xi32>
      %add3A_313 = arith.addi %add3A_312, %and3A_309 : vector<16xi32>
      %and3A_314 = arith.constant -65536 : i32
      %and3A_315 = vector.broadcast %and3A_314 : i32 to vector<16xi32>
      %and3A_316 = arith.andi %add3A_313, %and3A_315 : vector<16xi32>
      %bitcast_convert_type3A_317 = tpu.bitcast %and3A_316 : vector<16xi32> -> vector<16xf32>
      %add3A_318 = arith.addf %bitcast_convert_type3A_170, %bitcast_convert_type3A_191 : vector<16xf32>
      %add3A_319 = arith.addf %bitcast_convert_type3A_212, %bitcast_convert_type3A_233 : vector<16xf32>
      %add3A_320 = arith.addf %bitcast_convert_type3A_254, %bitcast_convert_type3A_275 : vector<16xf32>
      %add3A_321 = arith.addf %bitcast_convert_type3A_296, %bitcast_convert_type3A_317 : vector<16xf32>
      %add3A_322 = arith.addf %add3A_318, %add3A_319 : vector<16xf32>
      %add3A_323 = arith.addf %add3A_320, %add3A_321 : vector<16xf32>
      %add3A_324 = arith.addf %add3A_322, %add3A_323 : vector<16xf32>
      %mul3A_325 = arith.constant 16 : i32
      %mul3A_326 = arith.muli %scan3A_152, %mul3A_325 : i32
      %swap3A = arith.constant 7 : i32
      %swap3A_327 = arith.index_cast %swap3A : i32 to index
      %swap3A_328 = arith.index_cast %mul3A_326 : i32 to index
      %swap3A_329 = tpu.vector_load %arg6[%swap3A_327, %swap3A_328] {strides = array<i32>} : memref<8x1024xf32, #tpu.memory_space<vmem>>, vector<1x16xf32>,
      %swap3A_330 = vector.shape_cast %swap3A_329 : vector<1x16xf32> to vector<16xf32>
      %swap3A_331 = vector.shape_cast %add3A_324 : vector<16xf32> to vector<1x16xf32>
      tpu.vector_store %arg6[%swap3A_327, %swap3A_328], %swap3A_331 {strides = array<i32>} : memref<8x1024xf32, #tpu.memory_space<vmem>>, vector<1x16xf32>,
    }
    %scan3A_149 = arith.constant 64 : i32
    %mul3A_150 = arith.constant 8 : i32
    %mul3A_151 = arith.muli %add3A, %mul3A_150 : i32
    "tpu.region"() ({
      %run_scoped3A = tpu.sem_alloc : memref<!tpu.dma_semaphore, #tpu.memory_space<semaphore_mem>>
      %dma_start3A_152 = arith.constant 0 : i32
      %dma_start3A_153 = tpu.memref_slice %arg3[%mul3A_151, %dma_start3A_152] : memref<256x1024xf32, #tpu.memory_space<hbm>> -> memref<8x1024xf32, #tpu.memory_space<hbm>>
      %dma_start3A_154 = arith.constant 0 : i32
      %dma_start3A_155 = tpu.memref_slice %arg3[%mul3A_151, %dma_start3A_154] : memref<256x1024xf32, #tpu.memory_space<hbm>> -> memref<8x1024xf32, #tpu.memory_space<hbm>>
      tpu.enqueue_dma source(%arg6 : memref<8x1024xf32, #tpu.memory_space<vmem>>) target(%dma_start3A_155 : memref<8x1024xf32, #tpu.memory_space<hbm>>) target_semaphore(%run_scoped3A : memref<!tpu.dma_semaphore, #tpu.memory_space<semaphore_mem>>)
      %dma_wait3A_156 = arith.constant 0 : i32
      %dma_wait3A_157 = tpu.memref_slice %arg3[%mul3A_151, %dma_wait3A_156] : memref<256x1024xf32, #tpu.memory_space<hbm>> -> memref<8x1024xf32, #tpu.memory_space<hbm>>
      %dma_wait3A_158 = arith.constant 0 : i32
      %dma_wait3A_159 = tpu.memref_slice %arg3[%mul3A_151, %dma_wait3A_158] : memref<256x1024xf32, #tpu.memory_space<hbm>> -> memref<8x1024xf32, #tpu.memory_space<hbm>>
      tpu.wait_dma2 semaphore(%run_scoped3A : memref<!tpu.dma_semaphore, #tpu.memory_space<semaphore_mem>>) src(%arg6 : memref<8x1024xf32, #tpu.memory_space<vmem>>) dst(%dma_wait3A_159 : memref<8x1024xf32, #tpu.memory_space<hbm>>)
      tpu.yield
    }) : () -> ()
    return
  }
}

module attributes {stable_mosaic.version = 14 : i64} {
  func.func @_tc_esum_kernel(%arg0: i32, %arg1: i32, %arg2: memref<1x32x64x128xf32, #tpu.memory_space<vmem>>, %arg3: memref<8192x64xbf16, #tpu.memory_space<vmem>>, %arg4: memref<1x32x64xf32, #tpu.memory_space<vmem>>) attributes {dimension_semantics = [#tpu.dimension_semantics<arbitrary>, #tpu.dimension_semantics<arbitrary>], iteration_bounds = array<i64: 2, 4>, scalar_prefetch = 0 : i64, scratch_operands = 0 : i64, tpu.core_type = #tpu.core_type<tc>, window_params = [{transform_indices = @transform_0, window_bounds = array<i64: 1, 32, 64, 128>}, {pipeline_mode = #tpu.pipeline_mode<synchronous>, transform_indices = @transform_1, window_bounds = array<i64: 8192, 64>}, {transform_indices = @transform_2, window_bounds = array<i64: 1, 32, 64>}]} {
    %get3A = arith.constant 0 : index
    %get3A_0 = arith.constant 0 : index
    %get3A_1 = arith.constant 0 : index
    %get3A_2 = arith.constant 0 : index
    %get3A_3 = vector.load %arg2[%get3A, %get3A_0, %get3A_1, %get3A_2] : memref<1x32x64x128xf32, #tpu.memory_space<vmem>>, vector<1x32x64x128xf32>
    %get3A_4 = vector.shape_cast %get3A_3 : vector<1x32x64x128xf32> to vector<32x64x128xf32>
    %reshape3A = vector.shape_cast %get3A_4 : vector<32x64x128xf32> to vector<32x8192xf32>
    %convert_element_type3A = arith.truncf %reshape3A : vector<32x8192xf32> to vector<32x8192xbf16>
    %get3A_5 = arith.constant 0 : index
    %get3A_6 = arith.constant 0 : index
    %get3A_7 = vector.load %arg3[%get3A_5, %get3A_6] : memref<8192x64xbf16, #tpu.memory_space<vmem>>, vector<8192x64xbf16>
    %dot_general3A = arith.constant dense<0.000000e+00> : vector<32x64xf32>
    %dot_general3A_8 = tpu.matmul %convert_element_type3A, %get3A_7, %dot_general3A {dimension_numbers = #tpu.dot_dimension_numbers<[1], [0], [0], [1], [0, 0, 1, 1], [], []>, transpose_lhs_hint = false} : vector<32x8192xbf16>, vector<8192x64xbf16>, vector<32x64xf32> -> vector<32x64xf32>
    %swap3A = arith.constant 0 : index
    %swap3A_9 = arith.constant 0 : index
    %swap3A_10 = arith.constant 0 : index
    %swap3A_11 = vector.load %arg4[%swap3A, %swap3A_9, %swap3A_10] : memref<1x32x64xf32, #tpu.memory_space<vmem>>, vector<1x32x64xf32>
    %swap3A_12 = vector.shape_cast %swap3A_11 : vector<1x32x64xf32> to vector<32x64xf32>
    %swap3A_13 = vector.shape_cast %dot_general3A_8 : vector<32x64xf32> to vector<1x32x64xf32>
    tpu.vector_store %arg4[%swap3A, %swap3A_9, %swap3A_10], %swap3A_13 {strides = array<i32>} : memref<1x32x64xf32, #tpu.memory_space<vmem>>, vector<1x32x64xf32>,
    return
  }
  func.func @transform_0(%arg0: i32, %arg1: i32) -> (i32, i32, i32, i32) {
    %add3A = arith.constant 2 : i32
    %add3A_0 = arith.addi %add3A, %arg0 : i32
    %c0_i32 = arith.constant 0 : i32
    %c0_i32_1 = arith.constant 0 : i32
    %c0_i32_2 = arith.constant 0 : i32
    return %add3A_0, %arg1, %c0_i32, %c0_i32_1 : i32, i32, i32, i32
  }
  func.func @transform_1(%arg0: i32, %arg1: i32) -> (i32, i32) {
    %c0_i32 = arith.constant 0 : i32
    %c0_i32_0 = arith.constant 0 : i32
    %c0_i32_1 = arith.constant 0 : i32
    return %c0_i32, %c0_i32_0 : i32, i32
  }
  func.func @transform_2(%arg0: i32, %arg1: i32) -> (i32, i32, i32) {
    %c0_i32 = arith.constant 0 : i32
    %c0_i32_0 = arith.constant 0 : i32
    return %arg0, %arg1, %c0_i32 : i32, i32, i32
  }
}

module attributes {stable_mosaic.version = 14 : i64} {
  func.func @_gru_kernel(%arg0: memref<256x1024xf32, #tpu.memory_space<vmem>>, %arg1: memref<2x128x64xf32, #tpu.memory_space<vmem>>, %arg2: memref<4x128x64xf32, #tpu.memory_space<vmem>>, %arg3: memref<3x128x384xbf16, #tpu.memory_space<vmem>>, %arg4: memref<3x64x384xbf16, #tpu.memory_space<vmem>>, %arg5: memref<3x384xf32, #tpu.memory_space<vmem>>, %arg6: memref<3x384x192xbf16, #tpu.memory_space<vmem>>, %arg7: memref<3x64x192xbf16, #tpu.memory_space<vmem>>, %arg8: memref<3x192xf32, #tpu.memory_space<vmem>>, %arg9: memref<3x192xf32, #tpu.memory_space<vmem>>, %arg10: memref<4x64xf32, #tpu.memory_space<vmem>>) attributes {dimension_semantics = [], scalar_prefetch = 0 : i64, scratch_operands = 0 : i64, tpu.core_type = #tpu.core_type<tc>} {
    %get3A = arith.constant 0 : index
    %get3A_0 = arith.constant 0 : index
    %get3A_1 = vector.load %arg0[%get3A, %get3A_0] : memref<256x1024xf32, #tpu.memory_space<vmem>>, vector<256x1024xf32>
    %iota3A = tpu.iota {dimensions = array<i32: 0>} : vector<1024x64xi32>
    %iota3A_2 = tpu.iota {dimensions = array<i32: 1>} : vector<1024x64xi32>
    %jit3A = arith.constant 16 : i32
    %div3A = vector.broadcast %jit3A : i32 to vector<1024x64xi32>
    %div3A_3 = arith.divsi %iota3A, %div3A : vector<1024x64xi32>
    %sign3A = arith.constant 0 : i32
    %sign3A_4 = vector.broadcast %sign3A : i32 to vector<1024x64xi32>
    %sign3A_5 = arith.cmpi sgt, %iota3A, %sign3A_4 : vector<1024x64xi32>
    %sign3A_6 = arith.extui %sign3A_5 : vector<1024x64xi1> to vector<1024x64xi32>
    %sign3A_7 = arith.constant 0 : i32
    %sign3A_8 = vector.broadcast %sign3A_7 : i32 to vector<1024x64xi32>
    %sign3A_9 = arith.cmpi slt, %iota3A, %sign3A_8 : vector<1024x64xi32>
    %sign3A_10 = arith.extui %sign3A_9 : vector<1024x64xi1> to vector<1024x64xi32>
    %sign3A_11 = arith.subi %sign3A_6, %sign3A_10 : vector<1024x64xi32>
    %sign3A_12 = arith.constant 0 : i32
    %sign3A_13 = arith.cmpi sgt, %jit3A, %sign3A_12 : i32
    %sign3A_14 = arith.extui %sign3A_13 : i1 to i32
    %sign3A_15 = arith.constant 0 : i32
    %sign3A_16 = arith.cmpi slt, %jit3A, %sign3A_15 : i32
    %sign3A_17 = arith.extui %sign3A_16 : i1 to i32
    %sign3A_18 = arith.subi %sign3A_14, %sign3A_17 : i32
    %ne3A = vector.broadcast %sign3A_18 : i32 to vector<1024x64xi32>
    %ne3A_19 = arith.cmpi ne, %sign3A_11, %ne3A : vector<1024x64xi32>
    %rem3A = vector.broadcast %jit3A : i32 to vector<1024x64xi32>
    %rem3A_20 = arith.remsi %iota3A, %rem3A : vector<1024x64xi32>
    %ne3A_21 = arith.constant 0 : i32
    %ne3A_22 = vector.broadcast %ne3A_21 : i32 to vector<1024x64xi32>
    %ne3A_23 = arith.cmpi ne, %rem3A_20, %ne3A_22 : vector<1024x64xi32>
    %and3A = arith.andi %ne3A_19, %ne3A_23 : vector<1024x64xi1>
    %sub3A = arith.constant 1 : i32
    %sub3A_24 = vector.broadcast %sub3A : i32 to vector<1024x64xi32>
    %sub3A_25 = arith.subi %div3A_3, %sub3A_24 : vector<1024x64xi32>
    %select_n3A = arith.select %and3A, %sub3A_25, %div3A_3 : vector<1024x64xi1>, vector<1024x64xi32>
    %eq3A = arith.cmpi eq, %select_n3A, %iota3A_2 : vector<1024x64xi32>
    %convert_element_type3A = arith.extui %eq3A : vector<1024x64xi1> to vector<1024x64xi32>
    %convert_element_type3A_26 = arith.sitofp %convert_element_type3A : vector<1024x64xi32> to vector<1024x64xf32>
    %dot_general3A = arith.constant dense<0.000000e+00> : vector<256x64xf32>
    %dot_general3A_27 = tpu.matmul %get3A_1, %convert_element_type3A_26, %dot_general3A {dimension_numbers = #tpu.dot_dimension_numbers<[1], [0], [0], [1], [0, 0, 1, 1], [], []>, precision = #tpu.contract_precision<fp32>, transpose_lhs_hint = false} : vector<256x1024xf32>, vector<1024x64xf32>, vector<256x64xf32> -> vector<256x64xf32>
    %get3A_28 = arith.constant 0 : index
    %get3A_29 = arith.constant 0 : index
    %get3A_30 = arith.constant 0 : index
    %get3A_31 = vector.load %arg1[%get3A_28, %get3A_29, %get3A_30] : memref<2x128x64xf32, #tpu.memory_space<vmem>>, vector<2x128x64xf32>
    %reshape3A = vector.shape_cast %get3A_31 : vector<2x128x64xf32> to vector<256x64xf32>
    %concatenate3A = tpu.concatenate %dot_general3A_27, %reshape3A in 0 : vector<256x64xf32>, vector<256x64xf32> -> vector<512x64xf32>
    %get3A_32 = arith.constant 0 : index
    %get3A_33 = arith.constant 0 : index
    %get3A_34 = arith.constant 0 : index
    %get3A_35 = vector.load %arg2[%get3A_32, %get3A_33, %get3A_34] : memref<4x128x64xf32, #tpu.memory_space<vmem>>, vector<4x128x64xf32>
    %reshape3A_36 = vector.shape_cast %get3A_35 : vector<4x128x64xf32> to vector<512x64xf32>
    %convert_element_type3A_37 = arith.truncf %reshape3A_36 : vector<512x64xf32> to vector<512x64xbf16>
    %get3A_38 = arith.constant 0 : index
    %get3A_39 = arith.constant 0 : index
    %get3A_40 = arith.constant 0 : index
    %get3A_41 = vector.load %arg3[%get3A_38, %get3A_39, %get3A_40] : memref<3x128x384xbf16, #tpu.memory_space<vmem>>, vector<1x64x384xbf16>
    %get3A_42 = vector.shape_cast %get3A_41 : vector<1x64x384xbf16> to vector<64x384xbf16>
    %dot_general3A_43 = arith.constant dense<0.000000e+00> : vector<512x384xf32>
    %dot_general3A_44 = tpu.matmul %convert_element_type3A_37, %get3A_42, %dot_general3A_43 {dimension_numbers = #tpu.dot_dimension_numbers<[1], [0], [0], [1], [0, 0, 1, 1], [], []>, transpose_lhs_hint = false} : vector<512x64xbf16>, vector<64x384xbf16>, vector<512x384xf32> -> vector<512x384xf32>
    %mul3A = arith.constant 1.280000e+02 : f32
    %mul3A_45 = vector.broadcast %mul3A : f32 to vector<512x384xf32>
    %mul3A_46 = arith.mulf %dot_general3A_44, %mul3A_45 : vector<512x384xf32>
    %convert_element_type3A_47 = arith.extf %convert_element_type3A_37 : vector<512x64xbf16> to vector<512x64xf32>
    %reshape3A_48 = vector.shape_cast %convert_element_type3A_47 : vector<512x64xf32> to vector<4x128x64xf32>
    %reduce_sum3A = arith.constant dense<0.000000e+00> : vector<4x64xf32>
    %reduce_sum3A_49 = vector.multi_reduction <add>, %reshape3A_48, %reduce_sum3A [1] : vector<4x128x64xf32> to vector<4x64xf32>
    %get3A_50 = arith.constant 0 : index
    %get3A_51 = arith.constant 64 : index
    %get3A_52 = arith.constant 0 : index
    %get3A_53 = vector.load %arg3[%get3A_50, %get3A_51, %get3A_52] : memref<3x128x384xbf16, #tpu.memory_space<vmem>>, vector<1x64x384xbf16>
    %get3A_54 = vector.shape_cast %get3A_53 : vector<1x64x384xbf16> to vector<64x384xbf16>
    %convert_element_type3A_55 = arith.extf %get3A_54 : vector<64x384xbf16> to vector<64x384xf32>
    %dot_general3A_56 = arith.constant dense<0.000000e+00> : vector<4x384xf32>
    %dot_general3A_57 = tpu.matmul %reduce_sum3A_49, %convert_element_type3A_55, %dot_general3A_56 {dimension_numbers = #tpu.dot_dimension_numbers<[1], [0], [0], [1], [0, 0, 1, 1], [], []>, precision = #tpu.contract_precision<fp32>, transpose_lhs_hint = false} : vector<4x64xf32>, vector<64x384xf32>, vector<4x384xf32> -> vector<4x384xf32>
    %broadcast_in_dim3A = vector.shape_cast %dot_general3A_57 : vector<4x384xf32> to vector<4x1x384xf32>
    %broadcast_in_dim3A_58 = vector.shape_cast %broadcast_in_dim3A : vector<4x1x384xf32> to vector<4x1x384xf32>
    %broadcast_in_dim3A_59 = vector.broadcast %broadcast_in_dim3A_58 : vector<4x1x384xf32> to vector<4x128x384xf32>
    %get3A_60 = arith.constant 0 : index
    %get3A_61 = arith.constant 0 : index
    %get3A_62 = arith.constant 0 : index
    %get3A_63 = vector.load %arg4[%get3A_60, %get3A_61, %get3A_62] : memref<3x64x384xbf16, #tpu.memory_space<vmem>>, vector<1x64x384xbf16>
    %get3A_64 = vector.shape_cast %get3A_63 : vector<1x64x384xbf16> to vector<64x384xbf16>
    %convert_element_type3A_65 = arith.extf %get3A_64 : vector<64x384xbf16> to vector<64x384xf32>
    %dot_general3A_66 = arith.constant dense<0.000000e+00> : vector<512x384xf32>
    %dot_general3A_67 = tpu.matmul %concatenate3A, %convert_element_type3A_65, %dot_general3A_66 {dimension_numbers = #tpu.dot_dimension_numbers<[1], [0], [0], [1], [0, 0, 1, 1], [], []>, precision = #tpu.contract_precision<fp32>, transpose_lhs_hint = false} : vector<512x64xf32>, vector<64x384xf32>, vector<512x384xf32> -> vector<512x384xf32>
    %reshape3A_68 = vector.shape_cast %broadcast_in_dim3A_59 : vector<4x128x384xf32> to vector<512x384xf32>
    %add3A = arith.addf %mul3A_46, %reshape3A_68 : vector<512x384xf32>
    %add3A_69 = arith.addf %add3A, %dot_general3A_67 : vector<512x384xf32>
    %get3A_70 = arith.constant 0 : index
    %get3A_71 = arith.constant 0 : index
    %get3A_72 = vector.load %arg5[%get3A_70, %get3A_71] : memref<3x384xf32, #tpu.memory_space<vmem>>, vector<1x384xf32>
    %get3A_73 = vector.shape_cast %get3A_72 : vector<1x384xf32> to vector<384xf32>
    %broadcast_in_dim3A_74 = vector.shape_cast %get3A_73 : vector<384xf32> to vector<1x384xf32>
    %mul3A_75 = arith.constant 1.280000e+02 : f32
    %mul3A_76 = vector.broadcast %mul3A_75 : f32 to vector<1x384xf32>
    %mul3A_77 = arith.mulf %mul3A_76, %broadcast_in_dim3A_74 : vector<1x384xf32>
    %add3A_78 = vector.broadcast %mul3A_77 : vector<1x384xf32> to vector<512x384xf32>
    %add3A_79 = arith.addf %add3A_69, %add3A_78 : vector<512x384xf32>
    %convert_element_type3A_80 = arith.truncf %add3A_79 : vector<512x384xf32> to vector<512x384xbf16>
    %get3A_81 = arith.constant 0 : index
    %get3A_82 = arith.constant 0 : index
    %get3A_83 = arith.constant 0 : index
    %get3A_84 = vector.load %arg6[%get3A_81, %get3A_82, %get3A_83] : memref<3x384x192xbf16, #tpu.memory_space<vmem>>, vector<1x384x192xbf16>
    %get3A_85 = vector.shape_cast %get3A_84 : vector<1x384x192xbf16> to vector<384x192xbf16>
    %dot_general3A_86 = arith.constant dense<0.000000e+00> : vector<512x192xf32>
    %dot_general3A_87 = tpu.matmul %convert_element_type3A_80, %get3A_85, %dot_general3A_86 {dimension_numbers = #tpu.dot_dimension_numbers<[1], [0], [0], [1], [0, 0, 1, 1], [], []>, transpose_lhs_hint = false} : vector<512x384xbf16>, vector<384x192xbf16>, vector<512x192xf32> -> vector<512x192xf32>
    %get3A_88 = arith.constant 0 : index
    %get3A_89 = arith.constant 0 : index
    %get3A_90 = vector.load %arg8[%get3A_88, %get3A_89] : memref<3x192xf32, #tpu.memory_space<vmem>>, vector<1x192xf32>
    %get3A_91 = vector.shape_cast %get3A_90 : vector<1x192xf32> to vector<192xf32>
    %broadcast_in_dim3A_92 = vector.shape_cast %get3A_91 : vector<192xf32> to vector<1x192xf32>
    %add3A_93 = vector.broadcast %broadcast_in_dim3A_92 : vector<1x192xf32> to vector<512x192xf32>
    %add3A_94 = arith.addf %dot_general3A_87, %add3A_93 : vector<512x192xf32>
    %get3A_95 = arith.constant 0 : index
    %get3A_96 = arith.constant 0 : index
    %get3A_97 = arith.constant 0 : index
    %get3A_98 = vector.load %arg7[%get3A_95, %get3A_96, %get3A_97] : memref<3x64x192xbf16, #tpu.memory_space<vmem>>, vector<1x64x192xbf16>
    %get3A_99 = vector.shape_cast %get3A_98 : vector<1x64x192xbf16> to vector<64x192xbf16>
    %dot_general3A_100 = arith.constant dense<0.000000e+00> : vector<512x192xf32>
    %dot_general3A_101 = tpu.matmul %convert_element_type3A_37, %get3A_99, %dot_general3A_100 {dimension_numbers = #tpu.dot_dimension_numbers<[1], [0], [0], [1], [0, 0, 1, 1], [], []>, transpose_lhs_hint = false} : vector<512x64xbf16>, vector<64x192xbf16>, vector<512x192xf32> -> vector<512x192xf32>
    %get3A_102 = arith.constant 0 : index
    %get3A_103 = arith.constant 0 : index
    %get3A_104 = vector.load %arg9[%get3A_102, %get3A_103] : memref<3x192xf32, #tpu.memory_space<vmem>>, vector<1x192xf32>
    %get3A_105 = vector.shape_cast %get3A_104 : vector<1x192xf32> to vector<192xf32>
    %broadcast_in_dim3A_106 = vector.shape_cast %get3A_105 : vector<192xf32> to vector<1x192xf32>
    %add3A_107 = vector.broadcast %broadcast_in_dim3A_106 : vector<1x192xf32> to vector<512x192xf32>
    %add3A_108 = arith.addf %dot_general3A_101, %add3A_107 : vector<512x192xf32>
    %split3A = vector.extract_strided_slice %add3A_94 {offsets = [0, 0], sizes = [512, 64], strides = [1, 1]} : vector<512x192xf32> to vector<512x64xf32>
    %split3A_109 = vector.extract_strided_slice %add3A_94 {offsets = [0, 64], sizes = [512, 64], strides = [1, 1]} : vector<512x192xf32> to vector<512x64xf32>
    %split3A_110 = vector.extract_strided_slice %add3A_94 {offsets = [0, 128], sizes = [512, 64], strides = [1, 1]} : vector<512x192xf32> to vector<512x64xf32>
    %split3A_111 = vector.extract_strided_slice %add3A_108 {offsets = [0, 0], sizes = [512, 64], strides = [1, 1]} : vector<512x192xf32> to vector<512x64xf32>
    %split3A_112 = vector.extract_strided_slice %add3A_108 {offsets = [0, 64], sizes = [512, 64], strides = [1, 1]} : vector<512x192xf32> to vector<512x64xf32>
    %split3A_113 = vector.extract_strided_slice %add3A_108 {offsets = [0, 128], sizes = [512, 64], strides = [1, 1]} : vector<512x192xf32> to vector<512x64xf32>
    %add3A_114 = arith.addf %split3A, %split3A_111 : vector<512x64xf32>
    %logistic3A = arith.negf %add3A_114 : vector<512x64xf32>
    %logistic3A_115 = math.exp %logistic3A : vector<512x64xf32>
    %logistic3A_116 = arith.constant 1.000000e+00 : f32
    %logistic3A_117 = vector.broadcast %logistic3A_116 : f32 to vector<512x64xf32>
    %logistic3A_118 = arith.addf %logistic3A_117, %logistic3A_115 : vector<512x64xf32>
    %logistic3A_119 = arith.divf %logistic3A_117, %logistic3A_118 : vector<512x64xf32>
    %add3A_120 = arith.addf %split3A_109, %split3A_112 : vector<512x64xf32>
    %logistic3A_121 = arith.negf %add3A_120 : vector<512x64xf32>
    %logistic3A_122 = math.exp %logistic3A_121 : vector<512x64xf32>
    %logistic3A_123 = arith.constant 1.000000e+00 : f32
    %logistic3A_124 = vector.broadcast %logistic3A_123 : f32 to vector<512x64xf32>
    %logistic3A_125 = arith.addf %logistic3A_124, %logistic3A_122 : vector<512x64xf32>
    %logistic3A_126 = arith.divf %logistic3A_124, %logistic3A_125 : vector<512x64xf32>
    %mul3A_127 = arith.mulf %logistic3A_119, %split3A_113 : vector<512x64xf32>
    %add3A_128 = arith.addf %split3A_110, %mul3A_127 : vector<512x64xf32>
    %tanh3A = math.tanh %add3A_128 : vector<512x64xf32>
    %sub3A_129 = arith.constant 1.000000e+00 : f32
    %sub3A_130 = vector.broadcast %sub3A_129 : f32 to vector<512x64xf32>
    %sub3A_131 = arith.subf %sub3A_130, %logistic3A_126 : vector<512x64xf32>
    %mul3A_132 = arith.mulf %sub3A_131, %tanh3A : vector<512x64xf32>
    %mul3A_133 = arith.mulf %logistic3A_126, %reshape3A_36 : vector<512x64xf32>
    %add3A_134 = arith.addf %mul3A_132, %mul3A_133 : vector<512x64xf32>
    %convert_element_type3A_135 = arith.truncf %add3A_134 : vector<512x64xf32> to vector<512x64xbf16>
    %get3A_136 = arith.constant 1 : index
    %get3A_137 = arith.constant 0 : index
    %get3A_138 = arith.constant 0 : index
    %get3A_139 = vector.load %arg3[%get3A_136, %get3A_137, %get3A_138] : memref<3x128x384xbf16, #tpu.memory_space<vmem>>, vector<1x64x384xbf16>
    %get3A_140 = vector.shape_cast %get3A_139 : vector<1x64x384xbf16> to vector<64x384xbf16>
    %dot_general3A_141 = arith.constant dense<0.000000e+00> : vector<512x384xf32>
    %dot_general3A_142 = tpu.matmul %convert_element_type3A_135, %get3A_140, %dot_general3A_141 {dimension_numbers = #tpu.dot_dimension_numbers<[1], [0], [0], [1], [0, 0, 1, 1], [], []>, transpose_lhs_hint = false} : vector<512x64xbf16>, vector<64x384xbf16>, vector<512x384xf32> -> vector<512x384xf32>
    %mul3A_143 = arith.constant 1.280000e+02 : f32
    %mul3A_144 = vector.broadcast %mul3A_143 : f32 to vector<512x384xf32>
    %mul3A_145 = arith.mulf %dot_general3A_142, %mul3A_144 : vector<512x384xf32>
    %convert_element_type3A_146 = arith.extf %convert_element_type3A_135 : vector<512x64xbf16> to vector<512x64xf32>
    %reshape3A_147 = vector.shape_cast %convert_element_type3A_146 : vector<512x64xf32> to vector<4x128x64xf32>
    %reduce_sum3A_148 = arith.constant dense<0.000000e+00> : vector<4x64xf32>
    %reduce_sum3A_149 = vector.multi_reduction <add>, %reshape3A_147, %reduce_sum3A_148 [1] : vector<4x128x64xf32> to vector<4x64xf32>
    %get3A_150 = arith.constant 1 : index
    %get3A_151 = arith.constant 64 : index
    %get3A_152 = arith.constant 0 : index
    %get3A_153 = vector.load %arg3[%get3A_150, %get3A_151, %get3A_152] : memref<3x128x384xbf16, #tpu.memory_space<vmem>>, vector<1x64x384xbf16>
    %get3A_154 = vector.shape_cast %get3A_153 : vector<1x64x384xbf16> to vector<64x384xbf16>
    %convert_element_type3A_155 = arith.extf %get3A_154 : vector<64x384xbf16> to vector<64x384xf32>
    %dot_general3A_156 = arith.constant dense<0.000000e+00> : vector<4x384xf32>
    %dot_general3A_157 = tpu.matmul %reduce_sum3A_149, %convert_element_type3A_155, %dot_general3A_156 {dimension_numbers = #tpu.dot_dimension_numbers<[1], [0], [0], [1], [0, 0, 1, 1], [], []>, precision = #tpu.contract_precision<fp32>, transpose_lhs_hint = false} : vector<4x64xf32>, vector<64x384xf32>, vector<4x384xf32> -> vector<4x384xf32>
    %broadcast_in_dim3A_158 = vector.shape_cast %dot_general3A_157 : vector<4x384xf32> to vector<4x1x384xf32>
    %broadcast_in_dim3A_159 = vector.shape_cast %broadcast_in_dim3A_158 : vector<4x1x384xf32> to vector<4x1x384xf32>
    %broadcast_in_dim3A_160 = vector.broadcast %broadcast_in_dim3A_159 : vector<4x1x384xf32> to vector<4x128x384xf32>
    %get3A_161 = arith.constant 1 : index
    %get3A_162 = arith.constant 0 : index
    %get3A_163 = arith.constant 0 : index
    %get3A_164 = vector.load %arg4[%get3A_161, %get3A_162, %get3A_163] : memref<3x64x384xbf16, #tpu.memory_space<vmem>>, vector<1x64x384xbf16>
    %get3A_165 = vector.shape_cast %get3A_164 : vector<1x64x384xbf16> to vector<64x384xbf16>
    %convert_element_type3A_166 = arith.extf %get3A_165 : vector<64x384xbf16> to vector<64x384xf32>
    %dot_general3A_167 = arith.constant dense<0.000000e+00> : vector<512x384xf32>
    %dot_general3A_168 = tpu.matmul %concatenate3A, %convert_element_type3A_166, %dot_general3A_167 {dimension_numbers = #tpu.dot_dimension_numbers<[1], [0], [0], [1], [0, 0, 1, 1], [], []>, precision = #tpu.contract_precision<fp32>, transpose_lhs_hint = false} : vector<512x64xf32>, vector<64x384xf32>, vector<512x384xf32> -> vector<512x384xf32>
    %reshape3A_169 = vector.shape_cast %broadcast_in_dim3A_160 : vector<4x128x384xf32> to vector<512x384xf32>
    %add3A_170 = arith.addf %mul3A_145, %reshape3A_169 : vector<512x384xf32>
    %add3A_171 = arith.addf %add3A_170, %dot_general3A_168 : vector<512x384xf32>
    %get3A_172 = arith.constant 1 : index
    %get3A_173 = arith.constant 0 : index
    %get3A_174 = vector.load %arg5[%get3A_172, %get3A_173] : memref<3x384xf32, #tpu.memory_space<vmem>>, vector<1x384xf32>
    %get3A_175 = vector.shape_cast %get3A_174 : vector<1x384xf32> to vector<384xf32>
    %broadcast_in_dim3A_176 = vector.shape_cast %get3A_175 : vector<384xf32> to vector<1x384xf32>
    %mul3A_177 = arith.constant 1.280000e+02 : f32
    %mul3A_178 = vector.broadcast %mul3A_177 : f32 to vector<1x384xf32>
    %mul3A_179 = arith.mulf %mul3A_178, %broadcast_in_dim3A_176 : vector<1x384xf32>
    %add3A_180 = vector.broadcast %mul3A_179 : vector<1x384xf32> to vector<512x384xf32>
    %add3A_181 = arith.addf %add3A_171, %add3A_180 : vector<512x384xf32>
    %convert_element_type3A_182 = arith.truncf %add3A_181 : vector<512x384xf32> to vector<512x384xbf16>
    %get3A_183 = arith.constant 1 : index
    %get3A_184 = arith.constant 0 : index
    %get3A_185 = arith.constant 0 : index
    %get3A_186 = vector.load %arg6[%get3A_183, %get3A_184, %get3A_185] : memref<3x384x192xbf16, #tpu.memory_space<vmem>>, vector<1x384x192xbf16>
    %get3A_187 = vector.shape_cast %get3A_186 : vector<1x384x192xbf16> to vector<384x192xbf16>
    %dot_general3A_188 = arith.constant dense<0.000000e+00> : vector<512x192xf32>
    %dot_general3A_189 = tpu.matmul %convert_element_type3A_182, %get3A_187, %dot_general3A_188 {dimension_numbers = #tpu.dot_dimension_numbers<[1], [0], [0], [1], [0, 0, 1, 1], [], []>, transpose_lhs_hint = false} : vector<512x384xbf16>, vector<384x192xbf16>, vector<512x192xf32> -> vector<512x192xf32>
    %get3A_190 = arith.constant 1 : index
    %get3A_191 = arith.constant 0 : index
    %get3A_192 = vector.load %arg8[%get3A_190, %get3A_191] : memref<3x192xf32, #tpu.memory_space<vmem>>, vector<1x192xf32>
    %get3A_193 = vector.shape_cast %get3A_192 : vector<1x192xf32> to vector<192xf32>
    %broadcast_in_dim3A_194 = vector.shape_cast %get3A_193 : vector<192xf32> to vector<1x192xf32>
    %add3A_195 = vector.broadcast %broadcast_in_dim3A_194 : vector<1x192xf32> to vector<512x192xf32>
    %add3A_196 = arith.addf %dot_general3A_189, %add3A_195 : vector<512x192xf32>
    %get3A_197 = arith.constant 1 : index
    %get3A_198 = arith.constant 0 : index
    %get3A_199 = arith.constant 0 : index
    %get3A_200 = vector.load %arg7[%get3A_197, %get3A_198, %get3A_199] : memref<3x64x192xbf16, #tpu.memory_space<vmem>>, vector<1x64x192xbf16>
    %get3A_201 = vector.shape_cast %get3A_200 : vector<1x64x192xbf16> to vector<64x192xbf16>
    %dot_general3A_202 = arith.constant dense<0.000000e+00> : vector<512x192xf32>
    %dot_general3A_203 = tpu.matmul %convert_element_type3A_135, %get3A_201, %dot_general3A_202 {dimension_numbers = #tpu.dot_dimension_numbers<[1], [0], [0], [1], [0, 0, 1, 1], [], []>, transpose_lhs_hint = false} : vector<512x64xbf16>, vector<64x192xbf16>, vector<512x192xf32> -> vector<512x192xf32>
    %get3A_204 = arith.constant 1 : index
    %get3A_205 = arith.constant 0 : index
    %get3A_206 = vector.load %arg9[%get3A_204, %get3A_205] : memref<3x192xf32, #tpu.memory_space<vmem>>, vector<1x192xf32>
    %get3A_207 = vector.shape_cast %get3A_206 : vector<1x192xf32> to vector<192xf32>
    %broadcast_in_dim3A_208 = vector.shape_cast %get3A_207 : vector<192xf32> to vector<1x192xf32>
    %add3A_209 = vector.broadcast %broadcast_in_dim3A_208 : vector<1x192xf32> to vector<512x192xf32>
    %add3A_210 = arith.addf %dot_general3A_203, %add3A_209 : vector<512x192xf32>
    %split3A_211 = vector.extract_strided_slice %add3A_196 {offsets = [0, 0], sizes = [512, 64], strides = [1, 1]} : vector<512x192xf32> to vector<512x64xf32>
    %split3A_212 = vector.extract_strided_slice %add3A_196 {offsets = [0, 64], sizes = [512, 64], strides = [1, 1]} : vector<512x192xf32> to vector<512x64xf32>
    %split3A_213 = vector.extract_strided_slice %add3A_196 {offsets = [0, 128], sizes = [512, 64], strides = [1, 1]} : vector<512x192xf32> to vector<512x64xf32>
    %split3A_214 = vector.extract_strided_slice %add3A_210 {offsets = [0, 0], sizes = [512, 64], strides = [1, 1]} : vector<512x192xf32> to vector<512x64xf32>
    %split3A_215 = vector.extract_strided_slice %add3A_210 {offsets = [0, 64], sizes = [512, 64], strides = [1, 1]} : vector<512x192xf32> to vector<512x64xf32>
    %split3A_216 = vector.extract_strided_slice %add3A_210 {offsets = [0, 128], sizes = [512, 64], strides = [1, 1]} : vector<512x192xf32> to vector<512x64xf32>
    %add3A_217 = arith.addf %split3A_211, %split3A_214 : vector<512x64xf32>
    %logistic3A_218 = arith.negf %add3A_217 : vector<512x64xf32>
    %logistic3A_219 = math.exp %logistic3A_218 : vector<512x64xf32>
    %logistic3A_220 = arith.constant 1.000000e+00 : f32
    %logistic3A_221 = vector.broadcast %logistic3A_220 : f32 to vector<512x64xf32>
    %logistic3A_222 = arith.addf %logistic3A_221, %logistic3A_219 : vector<512x64xf32>
    %logistic3A_223 = arith.divf %logistic3A_221, %logistic3A_222 : vector<512x64xf32>
    %add3A_224 = arith.addf %split3A_212, %split3A_215 : vector<512x64xf32>
    %logistic3A_225 = arith.negf %add3A_224 : vector<512x64xf32>
    %logistic3A_226 = math.exp %logistic3A_225 : vector<512x64xf32>
    %logistic3A_227 = arith.constant 1.000000e+00 : f32
    %logistic3A_228 = vector.broadcast %logistic3A_227 : f32 to vector<512x64xf32>
    %logistic3A_229 = arith.addf %logistic3A_228, %logistic3A_226 : vector<512x64xf32>
    %logistic3A_230 = arith.divf %logistic3A_228, %logistic3A_229 : vector<512x64xf32>
    %mul3A_231 = arith.mulf %logistic3A_223, %split3A_216 : vector<512x64xf32>
    %add3A_232 = arith.addf %split3A_213, %mul3A_231 : vector<512x64xf32>
    %tanh3A_233 = math.tanh %add3A_232 : vector<512x64xf32>
    %sub3A_234 = arith.constant 1.000000e+00 : f32
    %sub3A_235 = vector.broadcast %sub3A_234 : f32 to vector<512x64xf32>
    %sub3A_236 = arith.subf %sub3A_235, %logistic3A_230 : vector<512x64xf32>
    %mul3A_237 = arith.mulf %sub3A_236, %tanh3A_233 : vector<512x64xf32>
    %mul3A_238 = arith.mulf %logistic3A_230, %add3A_134 : vector<512x64xf32>
    %add3A_239 = arith.addf %mul3A_237, %mul3A_238 : vector<512x64xf32>
    %convert_element_type3A_240 = arith.truncf %add3A_239 : vector<512x64xf32> to vector<512x64xbf16>
    %get3A_241 = arith.constant 2 : index
    %get3A_242 = arith.constant 0 : index
    %get3A_243 = arith.constant 0 : index
    %get3A_244 = vector.load %arg3[%get3A_241, %get3A_242, %get3A_243] : memref<3x128x384xbf16, #tpu.memory_space<vmem>>, vector<1x64x384xbf16>
    %get3A_245 = vector.shape_cast %get3A_244 : vector<1x64x384xbf16> to vector<64x384xbf16>
    %dot_general3A_246 = arith.constant dense<0.000000e+00> : vector<512x384xf32>
    %dot_general3A_247 = tpu.matmul %convert_element_type3A_240, %get3A_245, %dot_general3A_246 {dimension_numbers = #tpu.dot_dimension_numbers<[1], [0], [0], [1], [0, 0, 1, 1], [], []>, transpose_lhs_hint = false} : vector<512x64xbf16>, vector<64x384xbf16>, vector<512x384xf32> -> vector<512x384xf32>
    %mul3A_248 = arith.constant 1.280000e+02 : f32
    %mul3A_249 = vector.broadcast %mul3A_248 : f32 to vector<512x384xf32>
    %mul3A_250 = arith.mulf %dot_general3A_247, %mul3A_249 : vector<512x384xf32>
    %convert_element_type3A_251 = arith.extf %convert_element_type3A_240 : vector<512x64xbf16> to vector<512x64xf32>
    %reshape3A_252 = vector.shape_cast %convert_element_type3A_251 : vector<512x64xf32> to vector<4x128x64xf32>
    %reduce_sum3A_253 = arith.constant dense<0.000000e+00> : vector<4x64xf32>
    %reduce_sum3A_254 = vector.multi_reduction <add>, %reshape3A_252, %reduce_sum3A_253 [1] : vector<4x128x64xf32> to vector<4x64xf32>
    %get3A_255 = arith.constant 2 : index
    %get3A_256 = arith.constant 64 : index
    %get3A_257 = arith.constant 0 : index
    %get3A_258 = vector.load %arg3[%get3A_255, %get3A_256, %get3A_257] : memref<3x128x384xbf16, #tpu.memory_space<vmem>>, vector<1x64x384xbf16>
    %get3A_259 = vector.shape_cast %get3A_258 : vector<1x64x384xbf16> to vector<64x384xbf16>
    %convert_element_type3A_260 = arith.extf %get3A_259 : vector<64x384xbf16> to vector<64x384xf32>
    %dot_general3A_261 = arith.constant dense<0.000000e+00> : vector<4x384xf32>
    %dot_general3A_262 = tpu.matmul %reduce_sum3A_254, %convert_element_type3A_260, %dot_general3A_261 {dimension_numbers = #tpu.dot_dimension_numbers<[1], [0], [0], [1], [0, 0, 1, 1], [], []>, precision = #tpu.contract_precision<fp32>, transpose_lhs_hint = false} : vector<4x64xf32>, vector<64x384xf32>, vector<4x384xf32> -> vector<4x384xf32>
    %broadcast_in_dim3A_263 = vector.shape_cast %dot_general3A_262 : vector<4x384xf32> to vector<4x1x384xf32>
    %broadcast_in_dim3A_264 = vector.shape_cast %broadcast_in_dim3A_263 : vector<4x1x384xf32> to vector<4x1x384xf32>
    %broadcast_in_dim3A_265 = vector.broadcast %broadcast_in_dim3A_264 : vector<4x1x384xf32> to vector<4x128x384xf32>
    %get3A_266 = arith.constant 2 : index
    %get3A_267 = arith.constant 0 : index
    %get3A_268 = arith.constant 0 : index
    %get3A_269 = vector.load %arg4[%get3A_266, %get3A_267, %get3A_268] : memref<3x64x384xbf16, #tpu.memory_space<vmem>>, vector<1x64x384xbf16>
    %get3A_270 = vector.shape_cast %get3A_269 : vector<1x64x384xbf16> to vector<64x384xbf16>
    %convert_element_type3A_271 = arith.extf %get3A_270 : vector<64x384xbf16> to vector<64x384xf32>
    %dot_general3A_272 = arith.constant dense<0.000000e+00> : vector<512x384xf32>
    %dot_general3A_273 = tpu.matmul %concatenate3A, %convert_element_type3A_271, %dot_general3A_272 {dimension_numbers = #tpu.dot_dimension_numbers<[1], [0], [0], [1], [0, 0, 1, 1], [], []>, precision = #tpu.contract_precision<fp32>, transpose_lhs_hint = false} : vector<512x64xf32>, vector<64x384xf32>, vector<512x384xf32> -> vector<512x384xf32>
    %reshape3A_274 = vector.shape_cast %broadcast_in_dim3A_265 : vector<4x128x384xf32> to vector<512x384xf32>
    %add3A_275 = arith.addf %mul3A_250, %reshape3A_274 : vector<512x384xf32>
    %add3A_276 = arith.addf %add3A_275, %dot_general3A_273 : vector<512x384xf32>
    %get3A_277 = arith.constant 2 : index
    %get3A_278 = arith.constant 0 : index
    %get3A_279 = vector.load %arg5[%get3A_277, %get3A_278] : memref<3x384xf32, #tpu.memory_space<vmem>>, vector<1x384xf32>
    %get3A_280 = vector.shape_cast %get3A_279 : vector<1x384xf32> to vector<384xf32>
    %broadcast_in_dim3A_281 = vector.shape_cast %get3A_280 : vector<384xf32> to vector<1x384xf32>
    %mul3A_282 = arith.constant 1.280000e+02 : f32
    %mul3A_283 = vector.broadcast %mul3A_282 : f32 to vector<1x384xf32>
    %mul3A_284 = arith.mulf %mul3A_283, %broadcast_in_dim3A_281 : vector<1x384xf32>
    %add3A_285 = vector.broadcast %mul3A_284 : vector<1x384xf32> to vector<512x384xf32>
    %add3A_286 = arith.addf %add3A_276, %add3A_285 : vector<512x384xf32>
    %convert_element_type3A_287 = arith.truncf %add3A_286 : vector<512x384xf32> to vector<512x384xbf16>
    %get3A_288 = arith.constant 2 : index
    %get3A_289 = arith.constant 0 : index
    %get3A_290 = arith.constant 0 : index
    %get3A_291 = vector.load %arg6[%get3A_288, %get3A_289, %get3A_290] : memref<3x384x192xbf16, #tpu.memory_space<vmem>>, vector<1x384x192xbf16>
    %get3A_292 = vector.shape_cast %get3A_291 : vector<1x384x192xbf16> to vector<384x192xbf16>
    %dot_general3A_293 = arith.constant dense<0.000000e+00> : vector<512x192xf32>
    %dot_general3A_294 = tpu.matmul %convert_element_type3A_287, %get3A_292, %dot_general3A_293 {dimension_numbers = #tpu.dot_dimension_numbers<[1], [0], [0], [1], [0, 0, 1, 1], [], []>, transpose_lhs_hint = false} : vector<512x384xbf16>, vector<384x192xbf16>, vector<512x192xf32> -> vector<512x192xf32>
    %get3A_295 = arith.constant 2 : index
    %get3A_296 = arith.constant 0 : index
    %get3A_297 = vector.load %arg8[%get3A_295, %get3A_296] : memref<3x192xf32, #tpu.memory_space<vmem>>, vector<1x192xf32>
    %get3A_298 = vector.shape_cast %get3A_297 : vector<1x192xf32> to vector<192xf32>
    %broadcast_in_dim3A_299 = vector.shape_cast %get3A_298 : vector<192xf32> to vector<1x192xf32>
    %add3A_300 = vector.broadcast %broadcast_in_dim3A_299 : vector<1x192xf32> to vector<512x192xf32>
    %add3A_301 = arith.addf %dot_general3A_294, %add3A_300 : vector<512x192xf32>
    %get3A_302 = arith.constant 2 : index
    %get3A_303 = arith.constant 0 : index
    %get3A_304 = arith.constant 0 : index
    %get3A_305 = vector.load %arg7[%get3A_302, %get3A_303, %get3A_304] : memref<3x64x192xbf16, #tpu.memory_space<vmem>>, vector<1x64x192xbf16>
    %get3A_306 = vector.shape_cast %get3A_305 : vector<1x64x192xbf16> to vector<64x192xbf16>
    %dot_general3A_307 = arith.constant dense<0.000000e+00> : vector<512x192xf32>
    %dot_general3A_308 = tpu.matmul %convert_element_type3A_240, %get3A_306, %dot_general3A_307 {dimension_numbers = #tpu.dot_dimension_numbers<[1], [0], [0], [1], [0, 0, 1, 1], [], []>, transpose_lhs_hint = false} : vector<512x64xbf16>, vector<64x192xbf16>, vector<512x192xf32> -> vector<512x192xf32>
    %get3A_309 = arith.constant 2 : index
    %get3A_310 = arith.constant 0 : index
    %get3A_311 = vector.load %arg9[%get3A_309, %get3A_310] : memref<3x192xf32, #tpu.memory_space<vmem>>, vector<1x192xf32>
    %get3A_312 = vector.shape_cast %get3A_311 : vector<1x192xf32> to vector<192xf32>
    %broadcast_in_dim3A_313 = vector.shape_cast %get3A_312 : vector<192xf32> to vector<1x192xf32>
    %add3A_314 = vector.broadcast %broadcast_in_dim3A_313 : vector<1x192xf32> to vector<512x192xf32>
    %add3A_315 = arith.addf %dot_general3A_308, %add3A_314 : vector<512x192xf32>
    %split3A_316 = vector.extract_strided_slice %add3A_301 {offsets = [0, 0], sizes = [512, 64], strides = [1, 1]} : vector<512x192xf32> to vector<512x64xf32>
    %split3A_317 = vector.extract_strided_slice %add3A_301 {offsets = [0, 64], sizes = [512, 64], strides = [1, 1]} : vector<512x192xf32> to vector<512x64xf32>
    %split3A_318 = vector.extract_strided_slice %add3A_301 {offsets = [0, 128], sizes = [512, 64], strides = [1, 1]} : vector<512x192xf32> to vector<512x64xf32>
    %split3A_319 = vector.extract_strided_slice %add3A_315 {offsets = [0, 0], sizes = [512, 64], strides = [1, 1]} : vector<512x192xf32> to vector<512x64xf32>
    %split3A_320 = vector.extract_strided_slice %add3A_315 {offsets = [0, 64], sizes = [512, 64], strides = [1, 1]} : vector<512x192xf32> to vector<512x64xf32>
    %split3A_321 = vector.extract_strided_slice %add3A_315 {offsets = [0, 128], sizes = [512, 64], strides = [1, 1]} : vector<512x192xf32> to vector<512x64xf32>
    %add3A_322 = arith.addf %split3A_316, %split3A_319 : vector<512x64xf32>
    %logistic3A_323 = arith.negf %add3A_322 : vector<512x64xf32>
    %logistic3A_324 = math.exp %logistic3A_323 : vector<512x64xf32>
    %logistic3A_325 = arith.constant 1.000000e+00 : f32
    %logistic3A_326 = vector.broadcast %logistic3A_325 : f32 to vector<512x64xf32>
    %logistic3A_327 = arith.addf %logistic3A_326, %logistic3A_324 : vector<512x64xf32>
    %logistic3A_328 = arith.divf %logistic3A_326, %logistic3A_327 : vector<512x64xf32>
    %add3A_329 = arith.addf %split3A_317, %split3A_320 : vector<512x64xf32>
    %logistic3A_330 = arith.negf %add3A_329 : vector<512x64xf32>
    %logistic3A_331 = math.exp %logistic3A_330 : vector<512x64xf32>
    %logistic3A_332 = arith.constant 1.000000e+00 : f32
    %logistic3A_333 = vector.broadcast %logistic3A_332 : f32 to vector<512x64xf32>
    %logistic3A_334 = arith.addf %logistic3A_333, %logistic3A_331 : vector<512x64xf32>
    %logistic3A_335 = arith.divf %logistic3A_333, %logistic3A_334 : vector<512x64xf32>
    %mul3A_336 = arith.mulf %logistic3A_328, %split3A_321 : vector<512x64xf32>
    %add3A_337 = arith.addf %split3A_318, %mul3A_336 : vector<512x64xf32>
    %tanh3A_338 = math.tanh %add3A_337 : vector<512x64xf32>
    %sub3A_339 = arith.constant 1.000000e+00 : f32
    %sub3A_340 = vector.broadcast %sub3A_339 : f32 to vector<512x64xf32>
    %sub3A_341 = arith.subf %sub3A_340, %logistic3A_335 : vector<512x64xf32>
    %mul3A_342 = arith.mulf %sub3A_341, %tanh3A_338 : vector<512x64xf32>
    %mul3A_343 = arith.mulf %logistic3A_335, %add3A_239 : vector<512x64xf32>
    %add3A_344 = arith.addf %mul3A_342, %mul3A_343 : vector<512x64xf32>
    %reshape3A_345 = vector.shape_cast %add3A_344 : vector<512x64xf32> to vector<4x128x64xf32>
    %reduce_sum3A_346 = arith.constant dense<0.000000e+00> : vector<4x64xf32>
    %reduce_sum3A_347 = vector.multi_reduction <add>, %reshape3A_345, %reduce_sum3A_346 [1] : vector<4x128x64xf32> to vector<4x64xf32>
    %swap3A = arith.constant 0 : index
    %swap3A_348 = arith.constant 0 : index
    %swap3A_349 = vector.load %arg10[%swap3A, %swap3A_348] : memref<4x64xf32, #tpu.memory_space<vmem>>, vector<4x64xf32>
    tpu.vector_store %arg10[%swap3A, %swap3A_348], %reduce_sum3A_347 {strides = array<i32>} : memref<4x64xf32, #tpu.memory_space<vmem>>, vector<4x64xf32>,
    return
  }
}

</mosaic_0001>

<sc_bundles>
// kernel: kernel.5.cloned.1.call-start
scs
__scs_entry_jumppad:
0x0: {  	(pc) =	sbr.rel $0x88, $3  }
0x1: {  	(tag) =	ssettag $0x0;
	lr =	simm.s32 $0x1  }
0x2: {  	[smem:$0x3F99] =	sst lr;
	_ =	strace $0xD0000000  }
0x3: {  	_ = 	snop  }
0x4: {  	_ = 	snop  }
0x5: {  	_ = 	snop  }
0x6: {  	_ = 	snop  }
0x7: {  	_ = 	snop  }
__scs_overlays_trampoline_lowered:
0x8: {  	[smem:$0x3FA8] =	sst s0  }
0x9: {  	[smem:$0x3FA9] =	sst s1  }
0xa: {  	[smem:$0x3FAA] =	sst s2  }
0xb: {  	[smem:$0x3FAB] =	sst s3  }
0xc: {  	[smem:$0x3FAC] =	sst s4  }
0xd: {  	[smem:$0x3FAD] =	sst s5  }
0xe: {  	[smem:$0x3FAE] =	sst s6  }
0xf: {  	[smem:$0x3FAF] =	sst s7  }
0x10: {  	[smem:$0x3FB0] =	sst s8  }
0x11: {  	[smem:$0x3FB1] =	sst s9;
	s0 =	simm.s32 @!p0 $0x0  }
0x12: {  	s1 =	sld [smem:$0x3F97];
	s0 =	simm.s32 @p0 $0x1  }
0x13: {  	[smem:$0x3FB2] =	sst s0;
	s0 =	simm.s32 @!p1 $0x0  }
0x14: {  	s2 =	sld [smem:$0x3F96];
	s0 =	simm.s32 @p1 $0x1  }
0x15: {  	[smem:$0x3FB3] =	sst s0;
	s0 =	simm.s32 @!p2 $0x0  }
0x16: {  	s3 =	sld [smem:$0x3FDB];
	s0 =	simm.s32 @p2 $0x1  }
0x17: {  	s4 =	simm.s32 $0x1BF5;
	[smem:$0x3FB5] =	sst s0  }
0x18: {  	s0 =	sld [smem:$0x3F98];
	_ =	swait.ge [sflag:s4], $0x0  }
0x19: {  	s7 =	sld [smem:$0x3F99]  }
0x1a: {  	s8 =	sadd.s32 $0xFFFFE003, lr  }
0x1b: {  	s9 =	sadd.s32 $0xFFFFFEF7, lr;
	s5 =	simm.s32 $0xFFFFFFFF;
	p2 =	slt.u32 s8, $0xFFFFF086  }
0x1c: {  	p1 =	slt.u32 s9, $0xF7A;
	s5 =	simm.s32 @!p2 $0x0  }
0x1d: {  	s5 =	simm.s32 @p1 $0x1;
	p0 =	seq.s32 s7, s2  }
0x1e: {  	s7 =	smul.u32 @!p0 $0xF7A, s2;
	p2 =	seq.s32 @!p0 s5, $0x0  }
0x1f: {  	s9 =	smul.u32 $0xF7A, s1;
	s8 =	simm.s32 @!p0 $0x1BF5;
	p2 =	por !p2, p0  }
0x20: {  	[sflag:s8] =	ssyncset.s32 @!p0 $0xFFFFF086;
	s6 =	sadd.s32 @!p0 s3, s7;
	s7 =	simm.s32 @!p0 $0x108  }
0x21: {  	s3 =	sadd.s32 s3, s9;
	s6 =	sadd.s32 @!p0 $0x88, s6;
	s7 =	simm.s32 @p2 $0x1082  }
0x22: {  	[simem:s7], [sflag:s8] =	dma.local @!p0 [hbm:s6], $0xF7A  }
0x23: {  	s9 =	sor.u32 $0xD0000000, s2;
	s6 =	simm.s32 $0x108;
	_ =	swait.ge @!p0 [sflag:s8], $0x0  }
0x24: {  	s3 =	sadd.s32 $0x88, s3;
	s6 =	simm.s32 @!p1 $0x1082;
	[sflag:s4] =	ssyncset.s32 $0xFFFFF086  }
0x25: {  	[simem:s6], [sflag:s4] =	dma.local [hbm:s3], $0xF7A  }
0x26: {  	[smem:$0x3F99] =	sst s1;
	(tag) =	ssettag s2;
	_ =	strace s9  }
0x27: {  	s1 =	sld [smem:$0x3FA9]  }
0x28: {  	s2 =	sld [smem:$0x3FAA]  }
0x29: {  	s4 =	sld [smem:$0x3FAC]  }
0x2a: {  	p0 =	seq.s32 s5, $0x0;
	s5 =	sld [smem:$0x3FAD]  }
0x2b: {  	s6 =	sld [smem:$0x3FAE]  }
0x2c: {  	s7 =	sld [smem:$0x3FAF]  }
0x2d: {  	s3 =	simm.s32 $0x108;
	s8 =	sld [smem:$0x3FB0]  }
0x2e: {  	s3 =	simm.s32 @!p0 $0x1082;
	s9 =	sld [smem:$0x3FB1]  }
0x2f: {  	lr =	sadd.s32 s0, s3;
	s0 =	sld [smem:$0x3FA8]  }
0x30: {  	s3 =	sld [smem:$0x3FAB]  }
0x31: {  	[smem:$0x3FB4] =	sst s10  }
0x32: {  	s10 =	sld [smem:$0x3FB2];
	_ =	sdelay $0x3  }
0x33: {  	p0 =	seq.s32 s10, $0x1;
	s10 =	sld [smem:$0x3FB4];
	_ =	sdelay $0x3  }
0x34: {  	[smem:$0x3FB4] =	sst s10  }
0x35: {  	s10 =	sld [smem:$0x3FB3];
	_ =	sdelay $0x3  }
0x36: {  	p1 =	seq.s32 s10, $0x1;
	s10 =	sld [smem:$0x3FB4];
	_ =	sdelay $0x3  }
0x37: {  	[smem:$0x3FB4] =	sst s10  }
0x38: {  	s10 =	sld [smem:$0x3FB5]  }
0x39: {  	_ = 	snop;
	(pc) =	sbr.ind lr, $3  }
0x3a: {  	_ = 	snop  }
0x3b: {  	_ = 	snop  }
0x3c: {  	p2 =	seq.s32 s10, $0x1;
	s10 =	sld [smem:$0x3FB4]  }
0x3d: {  	_ =	shalt  }
0x3e: {  	_ =	shalt  }
0x3f: {  	_ =	shalt  }
0x40: {  	_ =	shalt  }
0x41: {  	_ =	shalt  }
0x42: {  	_ =	shalt  }
0x43: {  	_ =	shalt  }
0x44: {  	_ =	shalt  }
0x45: {  	_ =	shalt  }
0x46: {  	_ =	shalt  }
0x47: {  	_ =	shalt  }
0x48: {  	_ =	shalt  }
0x49: {  	_ =	shalt  }
0x4a: {  	_ =	shalt  }
0x4b: {  	_ =	shalt  }
0x4c: {  	_ =	shalt  }
0x4d: {  	_ =	shalt  }
0x4e: {  	_ =	shalt  }
0x4f: {  	_ =	shalt  }
0x50: {  	_ =	shalt  }
0x51: {  	_ =	shalt  }
0x52: {  	_ =	shalt  }
0x53: {  	_ =	shalt  }
0x54: {  	_ =	shalt  }
0x55: {  	_ =	shalt  }
0x56: {  	_ =	shalt  }
0x57: {  	_ =	shalt  }
0x58: {  	_ =	shalt  }
0x59: {  	_ =	shalt  }
0x5a: {  	_ =	shalt  }
0x5b: {  	_ =	shalt  }
0x5c: {  	_ =	shalt  }
0x5d: {  	_ =	shalt  }
0x5e: {  	_ =	shalt  }
0x5f: {  	_ =	shalt  }
0x60: {  	_ =	shalt  }
0x61: {  	_ =	shalt  }
0x62: {  	_ =	shalt  }
0x63: {  	_ =	shalt  }
0x64: {  	_ =	shalt  }
0x65: {  	_ =	shalt  }
0x66: {  	_ =	shalt  }
0x67: {  	_ =	shalt  }
0x68: {  	_ =	shalt  }
0x69: {  	_ =	shalt  }
0x6a: {  	_ =	shalt  }
0x6b: {  	_ =	shalt  }
0x6c: {  	_ =	shalt  }
0x6d: {  	_ =	shalt  }
0x6e: {  	_ =	shalt  }
0x6f: {  	_ =	shalt  }
0x70: {  	_ =	shalt  }
0x71: {  	_ =	shalt  }
0x72: {  	_ =	shalt  }
0x73: {  	_ =	shalt  }
0x74: {  	_ =	shalt  }
0x75: {  	_ =	shalt  }
0x76: {  	_ =	shalt  }
0x77: {  	_ =	shalt  }
0x78: {  	_ =	shalt  }
0x79: {  	_ =	shalt  }
0x7a: {  	_ =	shalt  }
0x7b: {  	_ =	shalt  }
0x7c: {  	_ =	shalt  }
0x7d: {  	_ =	shalt  }
0x7e: {  	_ =	shalt  }
0x7f: {  	_ =	shalt  }
0x80: {  	_ =	shalt  }
0x81: {  	_ =	shalt  }
0x82: {  	_ =	shalt  }
0x83: {  	_ =	shalt  }
0x84: {  	_ =	shalt  }
0x85: {  	_ =	shalt  }
0x86: {  	_ =	shalt  }
0x87: {  	_ =	shalt  }
.Lfunc_end0:
.L_simem_size_0:
called_computation_lowered:
.L_overlay_start_0:
0x88: {  	s2 =	sld [smem:$0x3FD9]  }
0x89: {  	s3 =	sld [smem:$0x3FFE];
	_ =	sdelay $0x1  }
0x8a: {  	s1 =	srdreg.scid  }
0x8b: {  	s0 =	sand.u32 $0x1, s1  }
0x8c: {  	s17 =	sshll.u32 s0, $0xA;
	s2 =	sadd.s32 s3, s2  }
0x8d: {  	s2 =	sadd.s32 s2, s17  }
0x8e: {  	[smem:$0x3FC0] =	sst s2  }
0x8f: {  	_ = 	snop  }
0x90: {  	s2 =	sld [smem:$0x3FC8];
	(tm) =	ssettm $0x1  }
0x91: {  	s18 =	sld [smem:$0x3FFB];
	_ =	sdelay $0x3  }
0x92: {  	_ =	strace s18  }
0x93: {  	s3 =	sld [smem:$0x3FFC];
	_ =	sdelay $0x3  }
0x94: {  	_ =	strace s3  }
0x95: {  	s3 =	sld [smem:$0x3FFD];
	_ =	sdelay $0x3  }
0x96: {  	_ =	strace s3  }
0x97: {  	_ =	strace $0x8FFFFFFF  }
0x98: {  	s19 =	sld [smem:$0x3FDB];
	_ =	sdelay $0x1  }
0x99: {  	s4 =	simm.s32 $_scs_section_size  }
0x9a: {  	s5 =	simm.s32 $_size__tile_overlayer_lowered;
	s6 =	simm.s32 $_tile_overlayer_lowered  }
0x9b: {  	s22 =	simm.s32 $0x1BFF;
	s21 =	sshll.u32 s6, $0x1;
	s3 =	sadd.s32 s4, s19  }
0x9c: {  	s7 =	simm.s32 $0x0;
	s20 =	sshll.u32 s5, $0x1;
	s5 =	sadd.s32 s21, s3  }
0x9d: {  	[timem:s7], [sflag:s22] =	dma.local [hbm:s5], s20  }
0x9e: {  	_ =	swait.ge [sflag:s22], s20  }
0x9f: {  	s4 =	ssub.s32 $0x0, s20;
	[sflag:s22] =	ssyncset.done $0x0  }
0xa0: {  	[sflag:s22] =	ssyncadd.s32 s4;
	_ =	sdelay $0x1  }
0xa1: {  	s23 =	simm.s32 $0x1B8B  }
0xa2: {  	_ =	swait.ge [sflag:s23], $0x1  }
0xa3: {  	[sflag:s23] =	ssyncset.done $0x0  }
0xa4: {  	s25 =	simm.s32 $0x1B8E;
	s24 =	sld [smem:$0x3FFE];
	[sflag:s23] =	ssyncadd.s32 $0xFFFFFFFF  }
0xa5: {  	s26 =	simm.s32 $execute0_lowered;
	[smem:$0x3FD2] =	sst s25  }
0xa6: {  	s5 =	sshll.u32 s26, $0x1;
	_ =	strace $0x80000046;
	[dreg:$0x1] =	wrdreg $0xFFFFFFFF  }
0xa7: {  	s28 =	simm.s32 $_size_execute0_lowered;
	s3 =	sadd.s32 s3, s5;
	[dreg:$0x0] =	wrdreg $0x0  }
0xa8: {  	s5 =	sshll.u32 s28, $0x1;
	[dreg:$0x2] =	wrdreg s3  }
0xa9: {  	[dreg:$0x3] =	wrdreg s5  }
0xaa: {  	[dreg:$0x4] =	wrdreg $0xC0  }
0xab: {  	_ =	task [dreg:s7], $0x5FFFF  }
0xac: {  	[dreg:$0x1] =	wrdreg $0xFFFFFFFF  }
0xad: {  	[dreg:$0x0] =	wrdreg $0x60  }
0xae: {  	[dreg:$0x2] =	wrdreg s2  }
0xaf: {  	[dreg:$0x3] =	wrdreg s24  }
0xb0: {  	[dreg:$0x4] =	wrdreg $0x9  }
0xb1: {  	_ =	task.clear_ibuf [dreg:s7], $0x5FFFF;
	_ =	strace $0x90000046  }
0xb2: {  	s29 =	simm.s32 $0x9;
	_ =	strace $0x80000048  }
0xb3: {  	_ =	swait.ge [sflag:s29], $0x1  }
0xb4: {  	[sflag:s29] =	ssyncadd.s32 $0xFFFFFFFF  }
0xb5: {  	_ =	strace $0x90000048  }
0xb6: {  	_ =	sfence  }
0xb7: {  	s30 =	sld [smem:$0x0];
	_ =	sdelay $0x2  }
0xb8: {  	s31 =	sshll.u32 s1, $0xD;
	s1 =	sshrl.u32 s1, $0x2  }
0xb9: {  	s3 =	sand.u32 $0x4000, s31;
	s1 =	sadd.s32 s1, s30  }
0xba: {  	s0 =	sor.u32 s3, s0;
	s1 =	sshll.u32 s1, $0x11  }
0xbb: {  	s0 =	sor.u32 s1, s0  }
0xbc: {  	s0 =	sadd.s32 $0x8F2B, s0  }
0xbd: {  	[sflag:s0] =	ssyncadd.remote.s32 $0x1  }
0xbe: {  	_ =	sfence.sel $0xFFFF  }
0xbf: {  	[dreg:$0x0] =	wrdreg $0xFFFFFFFF;
	(pc) =	sbr.abs _section_cstart, $3  }
0xc0: {  	[dreg:$0x1] =	wrdreg $0xFFFFFFFF  }
0xc1: {  	_ =	task.clear_ibuf [dreg:s7], $0x2FFFF;
	_ =	strace $0x9FFFFFFF  }
0xc2: {  	(tm) =	ssettm $0x7FFFFFFF  }
0xc3: {  	_ =	shalt  }
tec
execute0_lowered:
.L_overlay_start_1:
0x0: {  	(tag) =	ssettag $0x1  }
0x1: {  	s3 =	rddreg [dreg:$0x0]  }
0x2: {  	s1 =	srdreg.scid;
	s0 =	stileid.u32  }
0x3: {  	s4 =	rddreg [dreg:$0x1];
	s2 =	simm.s32 $0x0;
	s10 =	simm.s32 $0x1  }
0x4: {  	s11 =	simm.s32 $0x2;
	s12 =	simm.s32 $0x8000;
	s13 =	simm.s32 $0x3  }
0x5: {  	s14 =	simm.s32 $0x0;
	s5 =	sand.u32 $0x1, s1;
	s1 =	rddreg [dreg:$0x2]  }
0x6: {  	s6 =	sshll.u32 s0, $0x1;
	[smem:$0x7FF] =	sst s2;
	s8 =	sshll.u32 s0, $0xE  }
0x7: {  	s6 =	sor.u32 s5, s6;
	_ =	strace $0x80000047;
	s5 =	ssub.s32 $0x2, s5  }
0x8: {  	s8 =	sand.u32 $0x20000, s8;
	s7 =	sshll.u32 s6, $0xD;
	s31 =	sshrl.u32 s5, $0x1  }
0x9: {  	s6 =	sshll.u32 s6, $0xA;
	s7 =	sand.u32 $0x1E000, s7;
	s9 =	ssub.s32 s5, s31  }
0xa: {  	s30 =	sadd.s32 s6, s4;
	s7 =	sor.u32 s8, s7;
	s8 =	smax.u32 s9, $0x1  }
0xb: {  	s9 =	simm.s32 $0x4000;
	s3 =	sadd.s32 s3, s7;
	s7 =	sadd.s32 $0x1800, s30  }
0xc: {  	s4 =	sadd.s32 $0x800, s3;
	s5 =	sadd.s32 $0x1000, s3;
	s6 =	sadd.s32 $0x1800, s3  }
.LBB2_1:
0xd: {  	[tilespmem:s2], [sflag:$0x1] =	stream.linear.gather [hbm4b:s3+s2], $0x4000, $0x38;
	[tilespmem:$0xA000] =	vst v63  }
0xe: {  	_ = 	snop  }
0xf: {  	[tilespmem:s9], [sflag:$0x2] =	stream.linear.gather [hbm4b:s4+s2], $0x4000, $0x38;
	[tilespmem:$0xA000] =	vst v63  }
0x10: {  	_ =	swait.ge [sflag:s10], $0x4000  }
0x11: {  	[sflag:s10] =	ssyncset.done $0x0  }
0x12: {  	s15 =	simm.s32 $0x40;
	[sflag:s10] =	ssyncadd.s32 $0xFFFFC000  }
0x13: {  	v0 =	vld [tilespmem:s15+$0xFFFFFFE0]  }
0x14: {  	v1 =	vld [tilespmem:s15+$0xFFFFFFF0]  }
0x15: {  	v2 =	vld [tilespmem:s15+$0x0]  }
0x16: {  	v3 =	vld [tilespmem:s15+$0x10]  }
0x17: {  	v4 =	vld [tilespmem:s15+$0x20]  }
0x18: {  	v6 =	vld [tilespmem:s15+$0x30]  }
0x19: {  	v8 =	vld [tilespmem:s15+$0xFFFFFFC0]  }
0x1a: {  	v10 =	vld [tilespmem:s15+$0xFFFFFFD0];
	_ =	sdelay $0x2  }
0x1b: {  	v5 =	vshrl.u32 v0, $0x10;
	v7 =	vshrl.u32 v1, $0x10;
	v52 =	vshrl.u32 v2, $0x10  }
0x1c: {  	v54 =	vshrl.u32 v3, $0x10;
	v9 =	vshrl.u32 v4, $0x10;
	v56 =	vshrl.u32 v6, $0x10  }
0x1d: {  	v59 =	vshrl.u32 v8, $0x10;
	v60 =	vshrl.u32 v10, $0x10;
	v5 =	vand.u32 $0x1, v5  }
0x1e: {  	v51 =	vand.u32 $0x1, v7;
	v53 =	vand.u32 $0x1, v52;
	v7 =	vand.u32 $0x1, v54  }
0x1f: {  	v55 =	vand.u32 $0x1, v9;
	v57 =	vand.u32 $0x1, v56;
	v62 =	vand.u32 $0x1, v60  }
0x20: {  	v0 =	vadd.s32 v5, v0;
	v1 =	vadd.s32 v51, v1;
	v3 =	vadd.s32 v7, v3  }
0x21: {  	v4 =	vadd.s32 v55, v4;
	v2 =	vadd.s32 v53, v2;
	v58 =	vadd.s32 v57, v6  }
0x22: {  	v6 =	vand.u32 $0x1, v59;
	v1 =	vadd.s32 $0x7FFF, v1;
	v3 =	vadd.s32 $0x7FFF, v3  }
0x23: {  	v4 =	vadd.s32 $0x7FFF, v4;
	v2 =	vadd.s32 $0x7FFF, v2;
	v5 =	vadd.s32 $0x7FFF, v58  }
0x24: {  	v61 =	vadd.s32 v6, v8;
	v0 =	vadd.s32 $0x7FFF, v0;
	v6 =	vadd.s32 v62, v10  }
0x25: {  	v1 =	vand.u32 $0xFFFF0000, v1;
	v4 =	vand.u32 $0xFFFF0000, v4;
	v5 =	vand.u32 $0xFFFF0000, v5  }
0x26: {  	v0 =	vand.u32 $0xFFFF0000, v0;
	v6 =	vadd.s32 $0x7FFF, v6;
	v2 =	vand.u32 $0xFFFF0000, v2  }
0x27: {  	v3 =	vand.u32 $0xFFFF0000, v3;
	v4 =	vadd.f32 v5, v4;
	v5 =	vadd.s32 $0x7FFF, v61  }
0x28: {  	v0 =	vadd.f32 v1, v0;
	v63 =	vand.u32 $0xFFFF0000, v6;
	v1 =	vand.u32 $0xFFFF0000, v5  }
0x29: {  	v2 =	vadd.f32 v3, v2;
	v1 =	vadd.f32 v63, v1;
	_ =	sdelay $0x1  }
0x2a: {  	v0 =	vadd.f32 v0, v1;
	v1 =	vadd.f32 v4, v2;
	_ =	sdelay $0x1  }
0x2b: {  	s17 =	sand.u32 $0x70, s2;
	s18 =	sand.u32 $0x1C00, s2;
	v0 =	vadd.f32 v1, v0  }
0x2c: {  	s16 =	simm.s32 $0x80;
	s18 =	sor.u32 s17, s18;
	s17 =	simm.s32 $0x0  }
.LBB2_2:
0x2d: {  	p0 =	sne.s32 s16, $0x1F80;
	[tilespmem:s18+$0x8000] =	vst v0;
	s17 =	sadd.s32 $0x10, s17;
	s15 =	sadd.s32 $0x80, s15  }
0x2e: {  	s18 =	smov.u32 s16;
	s16 =	sadd.s32 $0x80, s16;
	v0 =	vld [tilespmem:s15+$0xFFFFFFE0]  }
0x2f: {  	v1 =	vld [tilespmem:s15+$0xFFFFFFF0]  }
0x30: {  	v2 =	vld [tilespmem:s15+$0x0]  }
0x31: {  	v3 =	vld [tilespmem:s15+$0x10]  }
0x32: {  	v4 =	vld [tilespmem:s15+$0x20]  }
0x33: {  	v5 =	vshrl.u32 v0, $0x10;
	v6 =	vld [tilespmem:s15+$0x30]  }
0x34: {  	v5 =	vand.u32 $0x1, v5;
	v7 =	vshrl.u32 v1, $0x10  }
0x35: {  	v0 =	vadd.s32 v5, v0;
	v5 =	vand.u32 $0x1, v7;
	v7 =	vshrl.u32 v2, $0x10  }
0x36: {  	v1 =	vadd.s32 v5, v1;
	v5 =	vand.u32 $0x1, v7;
	v7 =	vshrl.u32 v3, $0x10  }
0x37: {  	v8 =	vld [tilespmem:s15+$0xFFFFFFC0];
	v1 =	vadd.s32 $0x7FFF, v1;
	v7 =	vand.u32 $0x1, v7;
	v9 =	vshrl.u32 v4, $0x10  }
0x38: {  	v10 =	vld [tilespmem:s15+$0xFFFFFFD0];
	v3 =	vadd.s32 v7, v3;
	v7 =	vand.u32 $0x1, v9;
	v9 =	vshrl.u32 v6, $0x10  }
0x39: {  	v3 =	vadd.s32 $0x7FFF, v3;
	v4 =	vadd.s32 v7, v4;
	v7 =	vand.u32 $0x1, v9  }
0x3a: {  	v2 =	vadd.s32 v5, v2;
	v4 =	vadd.s32 $0x7FFF, v4;
	v5 =	vadd.s32 v7, v6  }
0x3b: {  	v1 =	vand.u32 $0xFFFF0000, v1;
	v2 =	vadd.s32 $0x7FFF, v2;
	v5 =	vadd.s32 $0x7FFF, v5  }
0x3c: {  	v4 =	vand.u32 $0xFFFF0000, v4;
	v6 =	vshrl.u32 v8, $0x10;
	v5 =	vand.u32 $0xFFFF0000, v5  }
0x3d: {  	v6 =	vand.u32 $0x1, v6;
	v7 =	vshrl.u32 v10, $0x10;
	v4 =	vadd.f32 v5, v4  }
0x3e: {  	v0 =	vadd.s32 $0x7FFF, v0;
	v5 =	vadd.s32 v6, v8;
	v6 =	vand.u32 $0x1, v7  }
0x3f: {  	v0 =	vand.u32 $0xFFFF0000, v0;
	v5 =	vadd.s32 $0x7FFF, v5;
	v6 =	vadd.s32 v6, v10  }
0x40: {  	v2 =	vand.u32 $0xFFFF0000, v2;
	v0 =	vadd.f32 v1, v0;
	v6 =	vadd.s32 $0x7FFF, v6  }
0x41: {  	v3 =	vand.u32 $0xFFFF0000, v3;
	v1 =	vand.u32 $0xFFFF0000, v5;
	v5 =	vand.u32 $0xFFFF0000, v6  }
0x42: {  	v2 =	vadd.f32 v3, v2;
	v1 =	vadd.f32 v5, v1  }
.Ltmp0:
0x43: {  	(pc) =	sbr.rel @p0 .LBB2_2-.Ltmp0, $3  }
0x44: {  	v0 =	vadd.f32 v0, v1;
	v1 =	vadd.f32 v4, v2;
	_ =	sdelay $0x1  }
0x45: {  	s19 =	sand.u32 $0x70, s17;
	s18 =	sand.u32 $0x1C00, s18;
	v0 =	vadd.f32 v1, v0  }
0x46: {  	s18 =	sor.u32 s19, s18  }
0x47: {  	[tilespmem:s18+$0x8000] =	vst v0;
	s15 =	simm.s32 $0x2070  }
0x48: {  	v0 =	vld [tilespmem:s15+$0xFFFFFFB0]  }
0x49: {  	v1 =	vld [tilespmem:s15+$0xFFFFFFC0]  }
0x4a: {  	v2 =	vld [tilespmem:s15+$0xFFFFFFD0]  }
0x4b: {  	v3 =	vld [tilespmem:s15+$0xFFFFFFE0]  }
0x4c: {  	v4 =	vld [tilespmem:s15+$0xFFFFFFF0]  }
0x4d: {  	v6 =	vld [tilespmem:s15+$0x0]  }
0x4e: {  	v8 =	vld [tilespmem:s15+$0xFFFFFF90]  }
0x4f: {  	v10 =	vld [tilespmem:s15+$0xFFFFFFA0];
	_ =	sdelay $0x2  }
0x50: {  	v5 =	vshrl.u32 v0, $0x10;
	v7 =	vshrl.u32 v1, $0x10;
	v52 =	vshrl.u32 v2, $0x10  }
0x51: {  	v54 =	vshrl.u32 v3, $0x10;
	v9 =	vshrl.u32 v4, $0x10;
	v56 =	vshrl.u32 v6, $0x10  }
0x52: {  	v59 =	vshrl.u32 v8, $0x10;
	v60 =	vshrl.u32 v10, $0x10;
	v5 =	vand.u32 $0x1, v5  }
0x53: {  	v51 =	vand.u32 $0x1, v7;
	v53 =	vand.u32 $0x1, v52;
	v7 =	vand.u32 $0x1, v54  }
0x54: {  	v55 =	vand.u32 $0x1, v9;
	v57 =	vand.u32 $0x1, v56;
	v62 =	vand.u32 $0x1, v60  }
0x55: {  	v0 =	vadd.s32 v5, v0;
	v1 =	vadd.s32 v51, v1;
	v3 =	vadd.s32 v7, v3  }
0x56: {  	v4 =	vadd.s32 v55, v4;
	v2 =	vadd.s32 v53, v2;
	v58 =	vadd.s32 v57, v6  }
0x57: {  	v6 =	vand.u32 $0x1, v59;
	v1 =	vadd.s32 $0x7FFF, v1;
	v3 =	vadd.s32 $0x7FFF, v3  }
0x58: {  	v4 =	vadd.s32 $0x7FFF, v4;
	v2 =	vadd.s32 $0x7FFF, v2;
	v5 =	vadd.s32 $0x7FFF, v58  }
0x59: {  	v61 =	vadd.s32 v6, v8;
	v0 =	vadd.s32 $0x7FFF, v0;
	v6 =	vadd.s32 v62, v10  }
0x5a: {  	v1 =	vand.u32 $0xFFFF0000, v1;
	v4 =	vand.u32 $0xFFFF0000, v4;
	v5 =	vand.u32 $0xFFFF0000, v5  }
0x5b: {  	v0 =	vand.u32 $0xFFFF0000, v0;
	v6 =	vadd.s32 $0x7FFF, v6;
	v2 =	vand.u32 $0xFFFF0000, v2  }
0x5c: {  	v3 =	vand.u32 $0xFFFF0000, v3;
	v4 =	vadd.f32 v5, v4;
	v5 =	vadd.s32 $0x7FFF, v61  }
0x5d: {  	v0 =	vadd.f32 v1, v0;
	v63 =	vand.u32 $0xFFFF0000, v6;
	v1 =	vand.u32 $0xFFFF0000, v5  }
0x5e: {  	v2 =	vadd.f32 v3, v2;
	v1 =	vadd.f32 v63, v1;
	_ =	sdelay $0x1  }
0x5f: {  	v0 =	vadd.f32 v0, v1;
	v1 =	vadd.f32 v4, v2  }
0x60: {  	s16 =	simm.s32 $0x0  }
0x61: {  	s31 =	sand.u32 $0x70, s16;
	s19 =	sand.u32 $0x1C00, s16;
	v0 =	vadd.f32 v1, v0  }
0x62: {  	s17 =	simm.s32 $0x80;
	s18 =	sor.u32 s31, s19  }
.LBB2_4:
0x63: {  	p0 =	sne.s32 s17, $0x1F80;
	[tilespmem:s18+$0x8080] =	vst v0;
	s16 =	sadd.s32 $0x10, s16;
	s15 =	sadd.s32 $0x80, s15  }
0x64: {  	s18 =	smov.u32 s17;
	s17 =	sadd.s32 $0x80, s17;
	v0 =	vld [tilespmem:s15+$0xFFFFFFB0]  }
0x65: {  	v1 =	vld [tilespmem:s15+$0xFFFFFFC0]  }
0x66: {  	v2 =	vld [tilespmem:s15+$0xFFFFFFD0]  }
0x67: {  	v3 =	vld [tilespmem:s15+$0xFFFFFFE0]  }
0x68: {  	v4 =	vld [tilespmem:s15+$0xFFFFFFF0]  }
0x69: {  	v5 =	vshrl.u32 v0, $0x10;
	v6 =	vld [tilespmem:s15+$0x0]  }
0x6a: {  	v5 =	vand.u32 $0x1, v5;
	v7 =	vshrl.u32 v1, $0x10  }
0x6b: {  	v0 =	vadd.s32 v5, v0;
	v5 =	vand.u32 $0x1, v7;
	v7 =	vshrl.u32 v2, $0x10  }
0x6c: {  	v1 =	vadd.s32 v5, v1;
	v5 =	vand.u32 $0x1, v7;
	v7 =	vshrl.u32 v3, $0x10  }
0x6d: {  	v8 =	vld [tilespmem:s15+$0xFFFFFF90];
	v1 =	vadd.s32 $0x7FFF, v1;
	v7 =	vand.u32 $0x1, v7;
	v9 =	vshrl.u32 v4, $0x10  }
0x6e: {  	v10 =	vld [tilespmem:s15+$0xFFFFFFA0];
	v3 =	vadd.s32 v7, v3;
	v7 =	vand.u32 $0x1, v9;
	v9 =	vshrl.u32 v6, $0x10  }
0x6f: {  	v3 =	vadd.s32 $0x7FFF, v3;
	v4 =	vadd.s32 v7, v4;
	v7 =	vand.u32 $0x1, v9  }
0x70: {  	v2 =	vadd.s32 v5, v2;
	v4 =	vadd.s32 $0x7FFF, v4;
	v5 =	vadd.s32 v7, v6  }
0x71: {  	v1 =	vand.u32 $0xFFFF0000, v1;
	v2 =	vadd.s32 $0x7FFF, v2;
	v5 =	vadd.s32 $0x7FFF, v5  }
0x72: {  	v4 =	vand.u32 $0xFFFF0000, v4;
	v6 =	vshrl.u32 v8, $0x10;
	v5 =	vand.u32 $0xFFFF0000, v5  }
0x73: {  	v6 =	vand.u32 $0x1, v6;
	v7 =	vshrl.u32 v10, $0x10;
	v4 =	vadd.f32 v5, v4  }
0x74: {  	v0 =	vadd.s32 $0x7FFF, v0;
	v5 =	vadd.s32 v6, v8;
	v6 =	vand.u32 $0x1, v7  }
0x75: {  	v0 =	vand.u32 $0xFFFF0000, v0;
	v5 =	vadd.s32 $0x7FFF, v5;
	v6 =	vadd.s32 v6, v10  }
0x76: {  	v2 =	vand.u32 $0xFFFF0000, v2;
	v0 =	vadd.f32 v1, v0;
	v6 =	vadd.s32 $0x7FFF, v6  }
0x77: {  	v3 =	vand.u32 $0xFFFF0000, v3;
	v1 =	vand.u32 $0xFFFF0000, v5;
	v5 =	vand.u32 $0xFFFF0000, v6  }
0x78: {  	v2 =	vadd.f32 v3, v2;
	v1 =	vadd.f32 v5, v1  }
.Ltmp1:
0x79: {  	(pc) =	sbr.rel @p0 .LBB2_4-.Ltmp1, $3  }
0x7a: {  	v0 =	vadd.f32 v0, v1;
	v1 =	vadd.f32 v4, v2;
	_ =	sdelay $0x1  }
0x7b: {  	s19 =	sand.u32 $0x70, s16;
	s18 =	sand.u32 $0x1C00, s18;
	v0 =	vadd.f32 v1, v0  }
0x7c: {  	s18 =	sor.u32 s19, s18  }
0x7d: {  	[tilespmem:s18+$0x8080] =	vst v0;
	s15 =	simm.s32 $0x0  }
0x7e: {  	[tilespmem:s15], [sflag:$0x1] =	stream.linear.gather [hbm4b:s5+s15], $0x4000, $0x38;
	[tilespmem:$0xA000] =	vst v63  }
0x7f: {  	_ =	swait.ge [sflag:s11], $0x4000  }
0x80: {  	[sflag:s11] =	ssyncset.done $0x0  }
0x81: {  	s18 =	simm.s32 $0x4040;
	[sflag:s11] =	ssyncadd.s32 $0xFFFFC000  }
0x82: {  	v0 =	vld [tilespmem:s18+$0xFFFFFFE0]  }
0x83: {  	v1 =	vld [tilespmem:s18+$0xFFFFFFF0]  }
0x84: {  	v2 =	vld [tilespmem:s18+$0x0]  }
0x85: {  	v3 =	vld [tilespmem:s18+$0x10]  }
0x86: {  	v4 =	vld [tilespmem:s18+$0x20]  }
0x87: {  	v6 =	vld [tilespmem:s18+$0x30]  }
0x88: {  	v8 =	vld [tilespmem:s18+$0xFFFFFFC0]  }
0x89: {  	v10 =	vld [tilespmem:s18+$0xFFFFFFD0];
	_ =	sdelay $0x2  }
0x8a: {  	v5 =	vshrl.u32 v0, $0x10;
	v7 =	vshrl.u32 v1, $0x10;
	v52 =	vshrl.u32 v2, $0x10  }
0x8b: {  	v54 =	vshrl.u32 v3, $0x10;
	v9 =	vshrl.u32 v4, $0x10;
	v56 =	vshrl.u32 v6, $0x10  }
0x8c: {  	v59 =	vshrl.u32 v8, $0x10;
	v60 =	vshrl.u32 v10, $0x10;
	v5 =	vand.u32 $0x1, v5  }
0x8d: {  	v51 =	vand.u32 $0x1, v7;
	v53 =	vand.u32 $0x1, v52;
	v7 =	vand.u32 $0x1, v54  }
0x8e: {  	v55 =	vand.u32 $0x1, v9;
	v57 =	vand.u32 $0x1, v56;
	v62 =	vand.u32 $0x1, v60  }
0x8f: {  	v0 =	vadd.s32 v5, v0;
	v1 =	vadd.s32 v51, v1;
	v3 =	vadd.s32 v7, v3  }
0x90: {  	v4 =	vadd.s32 v55, v4;
	v2 =	vadd.s32 v53, v2;
	v58 =	vadd.s32 v57, v6  }
0x91: {  	v6 =	vand.u32 $0x1, v59;
	v1 =	vadd.s32 $0x7FFF, v1;
	v3 =	vadd.s32 $0x7FFF, v3  }
0x92: {  	v4 =	vadd.s32 $0x7FFF, v4;
	v2 =	vadd.s32 $0x7FFF, v2;
	v5 =	vadd.s32 $0x7FFF, v58  }
0x93: {  	v61 =	vadd.s32 v6, v8;
	v0 =	vadd.s32 $0x7FFF, v0;
	v6 =	vadd.s32 v62, v10  }
0x94: {  	v1 =	vand.u32 $0xFFFF0000, v1;
	v4 =	vand.u32 $0xFFFF0000, v4;
	v5 =	vand.u32 $0xFFFF0000, v5  }
0x95: {  	v0 =	vand.u32 $0xFFFF0000, v0;
	v6 =	vadd.s32 $0x7FFF, v6;
	v2 =	vand.u32 $0xFFFF0000, v2  }
0x96: {  	v3 =	vand.u32 $0xFFFF0000, v3;
	v4 =	vadd.f32 v5, v4;
	v5 =	vadd.s32 $0x7FFF, v61  }
0x97: {  	v0 =	vadd.f32 v1, v0;
	v63 =	vand.u32 $0xFFFF0000, v6;
	v1 =	vand.u32 $0xFFFF0000, v5  }
0x98: {  	v2 =	vadd.f32 v3, v2;
	v1 =	vadd.f32 v63, v1;
	_ =	sdelay $0x1  }
0x99: {  	v0 =	vadd.f32 v0, v1;
	v1 =	vadd.f32 v4, v2;
	_ =	sdelay $0x1  }
0x9a: {  	s16 =	sand.u32 $0x70, s15;
	s17 =	sand.u32 $0x1C00, s15;
	v0 =	vadd.f32 v1, v0  }
0x9b: {  	s19 =	simm.s32 $0x80;
	s20 =	simm.s32 $0x0;
	s21 =	sor.u32 s16, s17  }
.LBB2_6:
0x9c: {  	p0 =	sne.s32 s19, $0x1F80;
	[tilespmem:s21+$0x8100] =	vst v0;
	s20 =	sadd.s32 $0x10, s20;
	s18 =	sadd.s32 $0x80, s18  }
0x9d: {  	s21 =	smov.u32 s19;
	s19 =	sadd.s32 $0x80, s19;
	v0 =	vld [tilespmem:s18+$0xFFFFFFE0]  }
0x9e: {  	v1 =	vld [tilespmem:s18+$0xFFFFFFF0]  }
0x9f: {  	v2 =	vld [tilespmem:s18+$0x0]  }
0xa0: {  	v3 =	vld [tilespmem:s18+$0x10]  }
0xa1: {  	v4 =	vld [tilespmem:s18+$0x20]  }
0xa2: {  	v5 =	vshrl.u32 v0, $0x10;
	v6 =	vld [tilespmem:s18+$0x30]  }
0xa3: {  	v5 =	vand.u32 $0x1, v5;
	v7 =	vshrl.u32 v1, $0x10  }
0xa4: {  	v0 =	vadd.s32 v5, v0;
	v5 =	vand.u32 $0x1, v7;
	v7 =	vshrl.u32 v2, $0x10  }
0xa5: {  	v1 =	vadd.s32 v5, v1;
	v5 =	vand.u32 $0x1, v7;
	v7 =	vshrl.u32 v3, $0x10  }
0xa6: {  	v8 =	vld [tilespmem:s18+$0xFFFFFFC0];
	v1 =	vadd.s32 $0x7FFF, v1;
	v7 =	vand.u32 $0x1, v7;
	v9 =	vshrl.u32 v4, $0x10  }
0xa7: {  	v10 =	vld [tilespmem:s18+$0xFFFFFFD0];
	v3 =	vadd.s32 v7, v3;
	v7 =	vand.u32 $0x1, v9;
	v9 =	vshrl.u32 v6, $0x10  }
0xa8: {  	v3 =	vadd.s32 $0x7FFF, v3;
	v4 =	vadd.s32 v7, v4;
	v7 =	vand.u32 $0x1, v9  }
0xa9: {  	v2 =	vadd.s32 v5, v2;
	v4 =	vadd.s32 $0x7FFF, v4;
	v5 =	vadd.s32 v7, v6  }
0xaa: {  	v1 =	vand.u32 $0xFFFF0000, v1;
	v2 =	vadd.s32 $0x7FFF, v2;
	v5 =	vadd.s32 $0x7FFF, v5  }
0xab: {  	v4 =	vand.u32 $0xFFFF0000, v4;
	v6 =	vshrl.u32 v8, $0x10;
	v5 =	vand.u32 $0xFFFF0000, v5  }
0xac: {  	v6 =	vand.u32 $0x1, v6;
	v7 =	vshrl.u32 v10, $0x10;
	v4 =	vadd.f32 v5, v4  }
0xad: {  	v0 =	vadd.s32 $0x7FFF, v0;
	v5 =	vadd.s32 v6, v8;
	v6 =	vand.u32 $0x1, v7  }
0xae: {  	v0 =	vand.u32 $0xFFFF0000, v0;
	v5 =	vadd.s32 $0x7FFF, v5;
	v6 =	vadd.s32 v6, v10  }
0xaf: {  	v2 =	vand.u32 $0xFFFF0000, v2;
	v0 =	vadd.f32 v1, v0;
	v6 =	vadd.s32 $0x7FFF, v6  }
0xb0: {  	v3 =	vand.u32 $0xFFFF0000, v3;
	v1 =	vand.u32 $0xFFFF0000, v5;
	v5 =	vand.u32 $0xFFFF0000, v6  }
0xb1: {  	v2 =	vadd.f32 v3, v2;
	v1 =	vadd.f32 v5, v1  }
.Ltmp2:
0xb2: {  	(pc) =	sbr.rel @p0 .LBB2_6-.Ltmp2, $3  }
0xb3: {  	v0 =	vadd.f32 v0, v1;
	v1 =	vadd.f32 v4, v2;
	_ =	sdelay $0x1  }
0xb4: {  	s22 =	sand.u32 $0x70, s20;
	s21 =	sand.u32 $0x1C00, s21;
	v0 =	vadd.f32 v1, v0  }
0xb5: {  	s21 =	sor.u32 s22, s21  }
0xb6: {  	[tilespmem:s21+$0x8100] =	vst v0;
	s18 =	simm.s32 $0x6070  }
0xb7: {  	v0 =	vld [tilespmem:s18+$0xFFFFFFB0]  }
0xb8: {  	v1 =	vld [tilespmem:s18+$0xFFFFFFC0]  }
0xb9: {  	v2 =	vld [tilespmem:s18+$0xFFFFFFD0]  }
0xba: {  	v3 =	vld [tilespmem:s18+$0xFFFFFFE0]  }
0xbb: {  	v4 =	vld [tilespmem:s18+$0xFFFFFFF0]  }
0xbc: {  	v6 =	vld [tilespmem:s18+$0x0]  }
0xbd: {  	v8 =	vld [tilespmem:s18+$0xFFFFFF90]  }
0xbe: {  	v10 =	vld [tilespmem:s18+$0xFFFFFFA0];
	_ =	sdelay $0x2  }
0xbf: {  	v5 =	vshrl.u32 v0, $0x10;
	v7 =	vshrl.u32 v1, $0x10;
	v52 =	vshrl.u32 v2, $0x10  }
0xc0: {  	v54 =	vshrl.u32 v3, $0x10;
	v9 =	vshrl.u32 v4, $0x10;
	v56 =	vshrl.u32 v6, $0x10  }
0xc1: {  	v59 =	vshrl.u32 v8, $0x10;
	v60 =	vshrl.u32 v10, $0x10;
	v5 =	vand.u32 $0x1, v5  }
0xc2: {  	v51 =	vand.u32 $0x1, v7;
	v53 =	vand.u32 $0x1, v52;
	v7 =	vand.u32 $0x1, v54  }
0xc3: {  	v55 =	vand.u32 $0x1, v9;
	v57 =	vand.u32 $0x1, v56;
	v62 =	vand.u32 $0x1, v60  }
0xc4: {  	v0 =	vadd.s32 v5, v0;
	v1 =	vadd.s32 v51, v1;
	v3 =	vadd.s32 v7, v3  }
0xc5: {  	v4 =	vadd.s32 v55, v4;
	v2 =	vadd.s32 v53, v2;
	v58 =	vadd.s32 v57, v6  }
0xc6: {  	v6 =	vand.u32 $0x1, v59;
	v1 =	vadd.s32 $0x7FFF, v1;
	v3 =	vadd.s32 $0x7FFF, v3  }
0xc7: {  	v4 =	vadd.s32 $0x7FFF, v4;
	v2 =	vadd.s32 $0x7FFF, v2;
	v5 =	vadd.s32 $0x7FFF, v58  }
0xc8: {  	v61 =	vadd.s32 v6, v8;
	v0 =	vadd.s32 $0x7FFF, v0;
	v6 =	vadd.s32 v62, v10  }
0xc9: {  	v1 =	vand.u32 $0xFFFF0000, v1;
	v4 =	vand.u32 $0xFFFF0000, v4;
	v5 =	vand.u32 $0xFFFF0000, v5  }
0xca: {  	v0 =	vand.u32 $0xFFFF0000, v0;
	v6 =	vadd.s32 $0x7FFF, v6;
	v2 =	vand.u32 $0xFFFF0000, v2  }
0xcb: {  	v3 =	vand.u32 $0xFFFF0000, v3;
	v4 =	vadd.f32 v5, v4;
	v5 =	vadd.s32 $0x7FFF, v61  }
0xcc: {  	v0 =	vadd.f32 v1, v0;
	v63 =	vand.u32 $0xFFFF0000, v6;
	v1 =	vand.u32 $0xFFFF0000, v5  }
0xcd: {  	v2 =	vadd.f32 v3, v2;
	v1 =	vadd.f32 v63, v1;
	_ =	sdelay $0x1  }
0xce: {  	v0 =	vadd.f32 v0, v1;
	v1 =	vadd.f32 v4, v2;
	_ =	sdelay $0x1  }
0xcf: {  	v0 =	vadd.f32 v1, v0  }
0xd0: {  	s19 =	simm.s32 $0x80;
	s16 =	sor.u32 s16, s17  }
.LBB2_8:
0xd1: {  	p0 =	sne.s32 s19, $0x1F80;
	[tilespmem:s16+$0x8180] =	vst v0;
	s15 =	sadd.s32 $0x10, s15;
	s18 =	sadd.s32 $0x80, s18  }
0xd2: {  	s16 =	smov.u32 s19;
	s19 =	sadd.s32 $0x80, s19;
	v0 =	vld [tilespmem:s18+$0xFFFFFFB0]  }
0xd3: {  	v1 =	vld [tilespmem:s18+$0xFFFFFFC0]  }
0xd4: {  	v2 =	vld [tilespmem:s18+$0xFFFFFFD0]  }
0xd5: {  	v3 =	vld [tilespmem:s18+$0xFFFFFFE0]  }
0xd6: {  	v4 =	vld [tilespmem:s18+$0xFFFFFFF0]  }
0xd7: {  	v5 =	vshrl.u32 v0, $0x10;
	v6 =	vld [tilespmem:s18+$0x0]  }
0xd8: {  	v5 =	vand.u32 $0x1, v5;
	v7 =	vshrl.u32 v1, $0x10  }
0xd9: {  	v0 =	vadd.s32 v5, v0;
	v5 =	vand.u32 $0x1, v7;
	v7 =	vshrl.u32 v2, $0x10  }
0xda: {  	v1 =	vadd.s32 v5, v1;
	v5 =	vand.u32 $0x1, v7;
	v7 =	vshrl.u32 v3, $0x10  }
0xdb: {  	v8 =	vld [tilespmem:s18+$0xFFFFFF90];
	v1 =	vadd.s32 $0x7FFF, v1;
	v7 =	vand.u32 $0x1, v7;
	v9 =	vshrl.u32 v4, $0x10  }
0xdc: {  	v10 =	vld [tilespmem:s18+$0xFFFFFFA0];
	v3 =	vadd.s32 v7, v3;
	v7 =	vand.u32 $0x1, v9;
	v9 =	vshrl.u32 v6, $0x10  }
0xdd: {  	v3 =	vadd.s32 $0x7FFF, v3;
	v4 =	vadd.s32 v7, v4;
	v7 =	vand.u32 $0x1, v9  }
0xde: {  	v2 =	vadd.s32 v5, v2;
	v4 =	vadd.s32 $0x7FFF, v4;
	v5 =	vadd.s32 v7, v6  }
0xdf: {  	v1 =	vand.u32 $0xFFFF0000, v1;
	v2 =	vadd.s32 $0x7FFF, v2;
	v5 =	vadd.s32 $0x7FFF, v5  }
0xe0: {  	v4 =	vand.u32 $0xFFFF0000, v4;
	v6 =	vshrl.u32 v8, $0x10;
	v5 =	vand.u32 $0xFFFF0000, v5  }
0xe1: {  	v6 =	vand.u32 $0x1, v6;
	v7 =	vshrl.u32 v10, $0x10;
	v4 =	vadd.f32 v5, v4  }
0xe2: {  	v0 =	vadd.s32 $0x7FFF, v0;
	v5 =	vadd.s32 v6, v8;
	v6 =	vand.u32 $0x1, v7  }
0xe3: {  	v0 =	vand.u32 $0xFFFF0000, v0;
	v5 =	vadd.s32 $0x7FFF, v5;
	v6 =	vadd.s32 v6, v10  }
0xe4: {  	v2 =	vand.u32 $0xFFFF0000, v2;
	v0 =	vadd.f32 v1, v0;
	v6 =	vadd.s32 $0x7FFF, v6  }
0xe5: {  	v3 =	vand.u32 $0xFFFF0000, v3;
	v1 =	vand.u32 $0xFFFF0000, v5;
	v5 =	vand.u32 $0xFFFF0000, v6  }
0xe6: {  	v2 =	vadd.f32 v3, v2;
	v1 =	vadd.f32 v5, v1  }
.Ltmp3:
0xe7: {  	(pc) =	sbr.rel @p0 .LBB2_8-.Ltmp3, $3  }
0xe8: {  	v0 =	vadd.f32 v0, v1;
	v1 =	vadd.f32 v4, v2;
	_ =	sdelay $0x1  }
0xe9: {  	s17 =	sand.u32 $0x70, s15;
	s16 =	sand.u32 $0x1C00, s16;
	v0 =	vadd.f32 v1, v0  }
0xea: {  	s16 =	sor.u32 s17, s16  }
0xeb: {  	[tilespmem:s16+$0x8180] =	vst v0;
	s15 =	simm.s32 $0x0  }
0xec: {  	[tilespmem:s9], [sflag:$0x2] =	stream.linear.gather [hbm4b:s6+s15], $0x4000, $0x38;
	[tilespmem:$0xA000] =	vst v63  }
0xed: {  	_ =	swait.ge [sflag:s10], $0x4000  }
0xee: {  	[sflag:s10] =	ssyncset.done $0x0  }
0xef: {  	s18 =	simm.s32 $0x40;
	[sflag:s10] =	ssyncadd.s32 $0xFFFFC000  }
0xf0: {  	v0 =	vld [tilespmem:s18+$0xFFFFFFE0]  }
0xf1: {  	v1 =	vld [tilespmem:s18+$0xFFFFFFF0]  }
0xf2: {  	v2 =	vld [tilespmem:s18+$0x0]  }
0xf3: {  	v3 =	vld [tilespmem:s18+$0x10]  }
0xf4: {  	v4 =	vld [tilespmem:s18+$0x20]  }
0xf5: {  	v6 =	vld [tilespmem:s18+$0x30]  }
0xf6: {  	v8 =	vld [tilespmem:s18+$0xFFFFFFC0]  }
0xf7: {  	v10 =	vld [tilespmem:s18+$0xFFFFFFD0];
	_ =	sdelay $0x2  }
0xf8: {  	v5 =	vshrl.u32 v0, $0x10;
	v7 =	vshrl.u32 v1, $0x10;
	v52 =	vshrl.u32 v2, $0x10  }
0xf9: {  	v54 =	vshrl.u32 v3, $0x10;
	v9 =	vshrl.u32 v4, $0x10;
	v56 =	vshrl.u32 v6, $0x10  }
0xfa: {  	v59 =	vshrl.u32 v8, $0x10;
	v60 =	vshrl.u32 v10, $0x10;
	v5 =	vand.u32 $0x1, v5  }
0xfb: {  	v51 =	vand.u32 $0x1, v7;
	v53 =	vand.u32 $0x1, v52;
	v7 =	vand.u32 $0x1, v54  }
0xfc: {  	v55 =	vand.u32 $0x1, v9;
	v57 =	vand.u32 $0x1, v56;
	v62 =	vand.u32 $0x1, v60  }
0xfd: {  	v0 =	vadd.s32 v5, v0;
	v1 =	vadd.s32 v51, v1;
	v3 =	vadd.s32 v7, v3  }
0xfe: {  	v4 =	vadd.s32 v55, v4;
	v2 =	vadd.s32 v53, v2;
	v58 =	vadd.s32 v57, v6  }
0xff: {  	v6 =	vand.u32 $0x1, v59;
	v1 =	vadd.s32 $0x7FFF, v1;
	v3 =	vadd.s32 $0x7FFF, v3  }
0x100: {  	v4 =	vadd.s32 $0x7FFF, v4;
	v2 =	vadd.s32 $0x7FFF, v2;
	v5 =	vadd.s32 $0x7FFF, v58  }
0x101: {  	v61 =	vadd.s32 v6, v8;
	v0 =	vadd.s32 $0x7FFF, v0;
	v6 =	vadd.s32 v62, v10  }
0x102: {  	v1 =	vand.u32 $0xFFFF0000, v1;
	v4 =	vand.u32 $0xFFFF0000, v4;
	v5 =	vand.u32 $0xFFFF0000, v5  }
0x103: {  	v0 =	vand.u32 $0xFFFF0000, v0;
	v6 =	vadd.s32 $0x7FFF, v6;
	v2 =	vand.u32 $0xFFFF0000, v2  }
0x104: {  	v3 =	vand.u32 $0xFFFF0000, v3;
	v4 =	vadd.f32 v5, v4;
	v5 =	vadd.s32 $0x7FFF, v61  }
0x105: {  	v0 =	vadd.f32 v1, v0;
	v63 =	vand.u32 $0xFFFF0000, v6;
	v1 =	vand.u32 $0xFFFF0000, v5  }
0x106: {  	v2 =	vadd.f32 v3, v2;
	v1 =	vadd.f32 v63, v1;
	_ =	sdelay $0x1  }
0x107: {  	v0 =	vadd.f32 v0, v1;
	v1 =	vadd.f32 v4, v2;
	_ =	sdelay $0x1  }
0x108: {  	s16 =	sand.u32 $0x70, s15;
	s17 =	sand.u32 $0x1C00, s15;
	v0 =	vadd.f32 v1, v0  }
0x109: {  	s19 =	simm.s32 $0x80;
	s20 =	simm.s32 $0x0;
	s21 =	sor.u32 s16, s17  }
.LBB2_10:
0x10a: {  	p0 =	sne.s32 s19, $0x1F80;
	[tilespmem:s21+$0x8200] =	vst v0;
	s20 =	sadd.s32 $0x10, s20;
	s18 =	sadd.s32 $0x80, s18  }
0x10b: {  	s21 =	smov.u32 s19;
	s19 =	sadd.s32 $0x80, s19;
	v0 =	vld [tilespmem:s18+$0xFFFFFFE0]  }
0x10c: {  	v1 =	vld [tilespmem:s18+$0xFFFFFFF0]  }
0x10d: {  	v2 =	vld [tilespmem:s18+$0x0]  }
0x10e: {  	v3 =	vld [tilespmem:s18+$0x10]  }
0x10f: {  	v4 =	vld [tilespmem:s18+$0x20]  }
0x110: {  	v5 =	vshrl.u32 v0, $0x10;
	v6 =	vld [tilespmem:s18+$0x30]  }
0x111: {  	v5 =	vand.u32 $0x1, v5;
	v7 =	vshrl.u32 v1, $0x10  }
0x112: {  	v0 =	vadd.s32 v5, v0;
	v5 =	vand.u32 $0x1, v7;
	v7 =	vshrl.u32 v2, $0x10  }
0x113: {  	v1 =	vadd.s32 v5, v1;
	v5 =	vand.u32 $0x1, v7;
	v7 =	vshrl.u32 v3, $0x10  }
0x114: {  	v8 =	vld [tilespmem:s18+$0xFFFFFFC0];
	v1 =	vadd.s32 $0x7FFF, v1;
	v7 =	vand.u32 $0x1, v7;
	v9 =	vshrl.u32 v4, $0x10  }
0x115: {  	v10 =	vld [tilespmem:s18+$0xFFFFFFD0];
	v3 =	vadd.s32 v7, v3;
	v7 =	vand.u32 $0x1, v9;
	v9 =	vshrl.u32 v6, $0x10  }
0x116: {  	v3 =	vadd.s32 $0x7FFF, v3;
	v4 =	vadd.s32 v7, v4;
	v7 =	vand.u32 $0x1, v9  }
0x117: {  	v2 =	vadd.s32 v5, v2;
	v4 =	vadd.s32 $0x7FFF, v4;
	v5 =	vadd.s32 v7, v6  }
0x118: {  	v1 =	vand.u32 $0xFFFF0000, v1;
	v2 =	vadd.s32 $0x7FFF, v2;
	v5 =	vadd.s32 $0x7FFF, v5  }
0x119: {  	v4 =	vand.u32 $0xFFFF0000, v4;
	v6 =	vshrl.u32 v8, $0x10;
	v5 =	vand.u32 $0xFFFF0000, v5  }
0x11a: {  	v6 =	vand.u32 $0x1, v6;
	v7 =	vshrl.u32 v10, $0x10;
	v4 =	vadd.f32 v5, v4  }
0x11b: {  	v0 =	vadd.s32 $0x7FFF, v0;
	v5 =	vadd.s32 v6, v8;
	v6 =	vand.u32 $0x1, v7  }
0x11c: {  	v0 =	vand.u32 $0xFFFF0000, v0;
	v5 =	vadd.s32 $0x7FFF, v5;
	v6 =	vadd.s32 v6, v10  }
0x11d: {  	v2 =	vand.u32 $0xFFFF0000, v2;
	v0 =	vadd.f32 v1, v0;
	v6 =	vadd.s32 $0x7FFF, v6  }
0x11e: {  	v3 =	vand.u32 $0xFFFF0000, v3;
	v1 =	vand.u32 $0xFFFF0000, v5;
	v5 =	vand.u32 $0xFFFF0000, v6  }
0x11f: {  	v2 =	vadd.f32 v3, v2;
	v1 =	vadd.f32 v5, v1  }
.Ltmp4:
0x120: {  	(pc) =	sbr.rel @p0 .LBB2_10-.Ltmp4, $3  }
0x121: {  	v0 =	vadd.f32 v0, v1;
	v1 =	vadd.f32 v4, v2;
	_ =	sdelay $0x1  }
0x122: {  	s22 =	sand.u32 $0x70, s20;
	s21 =	sand.u32 $0x1C00, s21;
	v0 =	vadd.f32 v1, v0  }
0x123: {  	s21 =	sor.u32 s22, s21  }
0x124: {  	[tilespmem:s21+$0x8200] =	vst v0;
	s18 =	simm.s32 $0x2070  }
0x125: {  	v0 =	vld [tilespmem:s18+$0xFFFFFFB0]  }
0x126: {  	v1 =	vld [tilespmem:s18+$0xFFFFFFC0]  }
0x127: {  	v2 =	vld [tilespmem:s18+$0xFFFFFFD0]  }
0x128: {  	v3 =	vld [tilespmem:s18+$0xFFFFFFE0]  }
0x129: {  	v4 =	vld [tilespmem:s18+$0xFFFFFFF0]  }
0x12a: {  	v6 =	vld [tilespmem:s18+$0x0]  }
0x12b: {  	v8 =	vld [tilespmem:s18+$0xFFFFFF90]  }
0x12c: {  	v10 =	vld [tilespmem:s18+$0xFFFFFFA0];
	_ =	sdelay $0x2  }
0x12d: {  	v5 =	vshrl.u32 v0, $0x10;
	v7 =	vshrl.u32 v1, $0x10;
	v52 =	vshrl.u32 v2, $0x10  }
0x12e: {  	v54 =	vshrl.u32 v3, $0x10;
	v9 =	vshrl.u32 v4, $0x10;
	v56 =	vshrl.u32 v6, $0x10  }
0x12f: {  	v59 =	vshrl.u32 v8, $0x10;
	v60 =	vshrl.u32 v10, $0x10;
	v5 =	vand.u32 $0x1, v5  }
0x130: {  	v51 =	vand.u32 $0x1, v7;
	v53 =	vand.u32 $0x1, v52;
	v7 =	vand.u32 $0x1, v54  }
0x131: {  	v55 =	vand.u32 $0x1, v9;
	v57 =	vand.u32 $0x1, v56;
	v62 =	vand.u32 $0x1, v60  }
0x132: {  	v0 =	vadd.s32 v5, v0;
	v1 =	vadd.s32 v51, v1;
	v3 =	vadd.s32 v7, v3  }
0x133: {  	v4 =	vadd.s32 v55, v4;
	v2 =	vadd.s32 v53, v2;
	v58 =	vadd.s32 v57, v6  }
0x134: {  	v6 =	vand.u32 $0x1, v59;
	v1 =	vadd.s32 $0x7FFF, v1;
	v3 =	vadd.s32 $0x7FFF, v3  }
0x135: {  	v4 =	vadd.s32 $0x7FFF, v4;
	v2 =	vadd.s32 $0x7FFF, v2;
	v5 =	vadd.s32 $0x7FFF, v58  }
0x136: {  	v61 =	vadd.s32 v6, v8;
	v0 =	vadd.s32 $0x7FFF, v0;
	v6 =	vadd.s32 v62, v10  }
0x137: {  	v1 =	vand.u32 $0xFFFF0000, v1;
	v4 =	vand.u32 $0xFFFF0000, v4;
	v5 =	vand.u32 $0xFFFF0000, v5  }
0x138: {  	v0 =	vand.u32 $0xFFFF0000, v0;
	v6 =	vadd.s32 $0x7FFF, v6;
	v2 =	vand.u32 $0xFFFF0000, v2  }
0x139: {  	v3 =	vand.u32 $0xFFFF0000, v3;
	v4 =	vadd.f32 v5, v4;
	v5 =	vadd.s32 $0x7FFF, v61  }
0x13a: {  	v0 =	vadd.f32 v1, v0;
	v63 =	vand.u32 $0xFFFF0000, v6;
	v1 =	vand.u32 $0xFFFF0000, v5  }
0x13b: {  	v2 =	vadd.f32 v3, v2;
	v1 =	vadd.f32 v63, v1;
	_ =	sdelay $0x1  }
0x13c: {  	v0 =	vadd.f32 v0, v1;
	v1 =	vadd.f32 v4, v2;
	_ =	sdelay $0x1  }
0x13d: {  	v0 =	vadd.f32 v1, v0  }
0x13e: {  	s19 =	simm.s32 $0x80;
	s16 =	sor.u32 s16, s17  }
.LBB2_12:
0x13f: {  	p0 =	sne.s32 s19, $0x1F80;
	[tilespmem:s16+$0x8280] =	vst v0;
	s15 =	sadd.s32 $0x10, s15;
	s18 =	sadd.s32 $0x80, s18  }
0x140: {  	s16 =	smov.u32 s19;
	s19 =	sadd.s32 $0x80, s19;
	v0 =	vld [tilespmem:s18+$0xFFFFFFB0]  }
0x141: {  	v1 =	vld [tilespmem:s18+$0xFFFFFFC0]  }
0x142: {  	v2 =	vld [tilespmem:s18+$0xFFFFFFD0]  }
0x143: {  	v3 =	vld [tilespmem:s18+$0xFFFFFFE0]  }
0x144: {  	v4 =	vld [tilespmem:s18+$0xFFFFFFF0]  }
0x145: {  	v5 =	vshrl.u32 v0, $0x10;
	v6 =	vld [tilespmem:s18+$0x0]  }
0x146: {  	v5 =	vand.u32 $0x1, v5;
	v7 =	vshrl.u32 v1, $0x10  }
0x147: {  	v0 =	vadd.s32 v5, v0;
	v5 =	vand.u32 $0x1, v7;
	v7 =	vshrl.u32 v2, $0x10  }
0x148: {  	v1 =	vadd.s32 v5, v1;
	v5 =	vand.u32 $0x1, v7;
	v7 =	vshrl.u32 v3, $0x10  }
0x149: {  	v8 =	vld [tilespmem:s18+$0xFFFFFF90];
	v1 =	vadd.s32 $0x7FFF, v1;
	v7 =	vand.u32 $0x1, v7;
	v9 =	vshrl.u32 v4, $0x10  }
0x14a: {  	v10 =	vld [tilespmem:s18+$0xFFFFFFA0];
	v3 =	vadd.s32 v7, v3;
	v7 =	vand.u32 $0x1, v9;
	v9 =	vshrl.u32 v6, $0x10  }
0x14b: {  	v3 =	vadd.s32 $0x7FFF, v3;
	v4 =	vadd.s32 v7, v4;
	v7 =	vand.u32 $0x1, v9  }
0x14c: {  	v2 =	vadd.s32 v5, v2;
	v4 =	vadd.s32 $0x7FFF, v4;
	v5 =	vadd.s32 v7, v6  }
0x14d: {  	v1 =	vand.u32 $0xFFFF0000, v1;
	v2 =	vadd.s32 $0x7FFF, v2;
	v5 =	vadd.s32 $0x7FFF, v5  }
0x14e: {  	v4 =	vand.u32 $0xFFFF0000, v4;
	v6 =	vshrl.u32 v8, $0x10;
	v5 =	vand.u32 $0xFFFF0000, v5  }
0x14f: {  	v6 =	vand.u32 $0x1, v6;
	v7 =	vshrl.u32 v10, $0x10;
	v4 =	vadd.f32 v5, v4  }
0x150: {  	v0 =	vadd.s32 $0x7FFF, v0;
	v5 =	vadd.s32 v6, v8;
	v6 =	vand.u32 $0x1, v7  }
0x151: {  	v0 =	vand.u32 $0xFFFF0000, v0;
	v5 =	vadd.s32 $0x7FFF, v5;
	v6 =	vadd.s32 v6, v10  }
0x152: {  	v2 =	vand.u32 $0xFFFF0000, v2;
	v0 =	vadd.f32 v1, v0;
	v6 =	vadd.s32 $0x7FFF, v6  }
0x153: {  	v3 =	vand.u32 $0xFFFF0000, v3;
	v1 =	vand.u32 $0xFFFF0000, v5;
	v5 =	vand.u32 $0xFFFF0000, v6  }
0x154: {  	v2 =	vadd.f32 v3, v2;
	v1 =	vadd.f32 v5, v1  }
.Ltmp5:
0x155: {  	(pc) =	sbr.rel @p0 .LBB2_12-.Ltmp5, $3  }
0x156: {  	v0 =	vadd.f32 v0, v1;
	v1 =	vadd.f32 v4, v2;
	_ =	sdelay $0x1  }
0x157: {  	s17 =	sand.u32 $0x70, s15;
	s16 =	sand.u32 $0x1C00, s16;
	v0 =	vadd.f32 v1, v0  }
0x158: {  	s16 =	sor.u32 s17, s16  }
0x159: {  	[tilespmem:s16+$0x8280] =	vst v0  }
0x15a: {  	_ =	swait.ge [sflag:s11], $0x4000  }
0x15b: {  	[sflag:s11] =	ssyncset.done $0x0  }
0x15c: {  	s16 =	simm.s32 $0x4040;
	[sflag:s11] =	ssyncadd.s32 $0xFFFFC000  }
0x15d: {  	v0 =	vld [tilespmem:s16+$0xFFFFFFE0]  }
0x15e: {  	v1 =	vld [tilespmem:s16+$0xFFFFFFF0]  }
0x15f: {  	v2 =	vld [tilespmem:s16+$0x0]  }
0x160: {  	v3 =	vld [tilespmem:s16+$0x10]  }
0x161: {  	v4 =	vld [tilespmem:s16+$0x20]  }
0x162: {  	v6 =	vld [tilespmem:s16+$0x30]  }
0x163: {  	v8 =	vld [tilespmem:s16+$0xFFFFFFC0]  }
0x164: {  	v10 =	vld [tilespmem:s16+$0xFFFFFFD0];
	_ =	sdelay $0x2  }
0x165: {  	v5 =	vshrl.u32 v0, $0x10;
	v7 =	vshrl.u32 v1, $0x10;
	v52 =	vshrl.u32 v2, $0x10  }
0x166: {  	v54 =	vshrl.u32 v3, $0x10;
	v9 =	vshrl.u32 v4, $0x10;
	v56 =	vshrl.u32 v6, $0x10  }
0x167: {  	v59 =	vshrl.u32 v8, $0x10;
	v60 =	vshrl.u32 v10, $0x10;
	v5 =	vand.u32 $0x1, v5  }
0x168: {  	v51 =	vand.u32 $0x1, v7;
	v53 =	vand.u32 $0x1, v52;
	v7 =	vand.u32 $0x1, v54  }
0x169: {  	v55 =	vand.u32 $0x1, v9;
	v57 =	vand.u32 $0x1, v56;
	v62 =	vand.u32 $0x1, v60  }
0x16a: {  	v0 =	vadd.s32 v5, v0;
	v1 =	vadd.s32 v51, v1;
	v3 =	vadd.s32 v7, v3  }
0x16b: {  	v4 =	vadd.s32 v55, v4;
	v2 =	vadd.s32 v53, v2;
	v58 =	vadd.s32 v57, v6  }
0x16c: {  	v6 =	vand.u32 $0x1, v59;
	v1 =	vadd.s32 $0x7FFF, v1;
	v3 =	vadd.s32 $0x7FFF, v3  }
0x16d: {  	v4 =	vadd.s32 $0x7FFF, v4;
	v2 =	vadd.s32 $0x7FFF, v2;
	v5 =	vadd.s32 $0x7FFF, v58  }
0x16e: {  	v61 =	vadd.s32 v6, v8;
	v0 =	vadd.s32 $0x7FFF, v0;
	v6 =	vadd.s32 v62, v10  }
0x16f: {  	v1 =	vand.u32 $0xFFFF0000, v1;
	v4 =	vand.u32 $0xFFFF0000, v4;
	v5 =	vand.u32 $0xFFFF0000, v5  }
0x170: {  	v0 =	vand.u32 $0xFFFF0000, v0;
	v6 =	vadd.s32 $0x7FFF, v6;
	v2 =	vand.u32 $0xFFFF0000, v2  }
0x171: {  	v3 =	vand.u32 $0xFFFF0000, v3;
	v4 =	vadd.f32 v5, v4;
	v5 =	vadd.s32 $0x7FFF, v61  }
0x172: {  	v0 =	vadd.f32 v1, v0;
	v63 =	vand.u32 $0xFFFF0000, v6;
	v1 =	vand.u32 $0xFFFF0000, v5  }
0x173: {  	v2 =	vadd.f32 v3, v2;
	v1 =	vadd.f32 v63, v1;
	_ =	sdelay $0x1  }
0x174: {  	v0 =	vadd.f32 v0, v1;
	v1 =	vadd.f32 v4, v2  }
0x175: {  	s15 =	simm.s32 $0x0  }
0x176: {  	s18 =	sand.u32 $0x70, s15;
	s19 =	sand.u32 $0x1C00, s15;
	v0 =	vadd.f32 v1, v0  }
0x177: {  	s17 =	simm.s32 $0x80;
	s19 =	sor.u32 s18, s19;
	s18 =	simm.s32 $0x0  }
.LBB2_14:
0x178: {  	p0 =	sne.s32 s17, $0x1F80;
	[tilespmem:s19+$0x8300] =	vst v0;
	s18 =	sadd.s32 $0x10, s18;
	s16 =	sadd.s32 $0x80, s16  }
0x179: {  	s19 =	smov.u32 s17;
	s17 =	sadd.s32 $0x80, s17;
	v0 =	vld [tilespmem:s16+$0xFFFFFFE0]  }
0x17a: {  	v1 =	vld [tilespmem:s16+$0xFFFFFFF0]  }
0x17b: {  	v2 =	vld [tilespmem:s16+$0x0]  }
0x17c: {  	v3 =	vld [tilespmem:s16+$0x10]  }
0x17d: {  	v4 =	vld [tilespmem:s16+$0x20]  }
0x17e: {  	v5 =	vshrl.u32 v0, $0x10;
	v6 =	vld [tilespmem:s16+$0x30]  }
0x17f: {  	v5 =	vand.u32 $0x1, v5;
	v7 =	vshrl.u32 v1, $0x10  }
0x180: {  	v0 =	vadd.s32 v5, v0;
	v5 =	vand.u32 $0x1, v7;
	v7 =	vshrl.u32 v2, $0x10  }
0x181: {  	v1 =	vadd.s32 v5, v1;
	v5 =	vand.u32 $0x1, v7;
	v7 =	vshrl.u32 v3, $0x10  }
0x182: {  	v8 =	vld [tilespmem:s16+$0xFFFFFFC0];
	v1 =	vadd.s32 $0x7FFF, v1;
	v7 =	vand.u32 $0x1, v7;
	v9 =	vshrl.u32 v4, $0x10  }
0x183: {  	v10 =	vld [tilespmem:s16+$0xFFFFFFD0];
	v3 =	vadd.s32 v7, v3;
	v7 =	vand.u32 $0x1, v9;
	v9 =	vshrl.u32 v6, $0x10  }
0x184: {  	v3 =	vadd.s32 $0x7FFF, v3;
	v4 =	vadd.s32 v7, v4;
	v7 =	vand.u32 $0x1, v9  }
0x185: {  	v2 =	vadd.s32 v5, v2;
	v4 =	vadd.s32 $0x7FFF, v4;
	v5 =	vadd.s32 v7, v6  }
0x186: {  	v1 =	vand.u32 $0xFFFF0000, v1;
	v2 =	vadd.s32 $0x7FFF, v2;
	v5 =	vadd.s32 $0x7FFF, v5  }
0x187: {  	v4 =	vand.u32 $0xFFFF0000, v4;
	v6 =	vshrl.u32 v8, $0x10;
	v5 =	vand.u32 $0xFFFF0000, v5  }
0x188: {  	v6 =	vand.u32 $0x1, v6;
	v7 =	vshrl.u32 v10, $0x10;
	v4 =	vadd.f32 v5, v4  }
0x189: {  	v0 =	vadd.s32 $0x7FFF, v0;
	v5 =	vadd.s32 v6, v8;
	v6 =	vand.u32 $0x1, v7  }
0x18a: {  	v0 =	vand.u32 $0xFFFF0000, v0;
	v5 =	vadd.s32 $0x7FFF, v5;
	v6 =	vadd.s32 v6, v10  }
0x18b: {  	v2 =	vand.u32 $0xFFFF0000, v2;
	v0 =	vadd.f32 v1, v0;
	v6 =	vadd.s32 $0x7FFF, v6  }
0x18c: {  	v3 =	vand.u32 $0xFFFF0000, v3;
	v1 =	vand.u32 $0xFFFF0000, v5;
	v5 =	vand.u32 $0xFFFF0000, v6  }
0x18d: {  	v2 =	vadd.f32 v3, v2;
	v1 =	vadd.f32 v5, v1  }
.Ltmp6:
0x18e: {  	(pc) =	sbr.rel @p0 .LBB2_14-.Ltmp6, $3  }
0x18f: {  	v0 =	vadd.f32 v0, v1;
	v1 =	vadd.f32 v4, v2;
	_ =	sdelay $0x1  }
0x190: {  	s20 =	sand.u32 $0x70, s18;
	s19 =	sand.u32 $0x1C00, s19;
	v0 =	vadd.f32 v1, v0  }
0x191: {  	s19 =	sor.u32 s20, s19  }
0x192: {  	[tilespmem:s19+$0x8300] =	vst v0;
	s16 =	simm.s32 $0x6070  }
0x193: {  	v0 =	vld [tilespmem:s16+$0xFFFFFFB0]  }
0x194: {  	v1 =	vld [tilespmem:s16+$0xFFFFFFC0]  }
0x195: {  	v2 =	vld [tilespmem:s16+$0xFFFFFFD0]  }
0x196: {  	v3 =	vld [tilespmem:s16+$0xFFFFFFE0]  }
0x197: {  	v4 =	vld [tilespmem:s16+$0xFFFFFFF0]  }
0x198: {  	v6 =	vld [tilespmem:s16+$0x0]  }
0x199: {  	v8 =	vld [tilespmem:s16+$0xFFFFFF90]  }
0x19a: {  	v10 =	vld [tilespmem:s16+$0xFFFFFFA0];
	_ =	sdelay $0x2  }
0x19b: {  	v5 =	vshrl.u32 v0, $0x10;
	v7 =	vshrl.u32 v1, $0x10;
	v54 =	vshrl.u32 v2, $0x10  }
0x19c: {  	v56 =	vshrl.u32 v3, $0x10;
	v9 =	vshrl.u32 v4, $0x10;
	v58 =	vshrl.u32 v6, $0x10  }
0x19d: {  	v60 =	vshrl.u32 v8, $0x10;
	v61 =	vshrl.u32 v10, $0x10;
	v5 =	vand.u32 $0x1, v5  }
0x19e: {  	v53 =	vand.u32 $0x1, v7;
	v55 =	vand.u32 $0x1, v54;
	v7 =	vand.u32 $0x1, v56  }
0x19f: {  	v57 =	vand.u32 $0x1, v9;
	v59 =	vand.u32 $0x1, v58;
	v63 =	vand.u32 $0x1, v61  }
0x1a0: {  	v0 =	vadd.s32 v5, v0;
	v1 =	vadd.s32 v53, v1;
	v3 =	vadd.s32 v7, v3  }
0x1a1: {  	v2 =	vadd.s32 v55, v2;
	v4 =	vadd.s32 v57, v4;
	v5 =	vadd.s32 v59, v6  }
0x1a2: {  	v6 =	vand.u32 $0x1, v60;
	v1 =	vadd.s32 $0x7FFF, v1;
	v2 =	vadd.s32 $0x7FFF, v2  }
0x1a3: {  	v4 =	vadd.s32 $0x7FFF, v4;
	v0 =	vadd.s32 $0x7FFF, v0;
	v5 =	vadd.s32 $0x7FFF, v5  }
0x1a4: {  	v62 =	vadd.s32 v6, v8;
	v6 =	vadd.s32 v63, v10;
	v3 =	vadd.s32 $0x7FFF, v3  }
0x1a5: {  	v1 =	vand.u32 $0xFFFF0000, v1;
	v4 =	vand.u32 $0xFFFF0000, v4;
	v5 =	vand.u32 $0xFFFF0000, v5  }
0x1a6: {  	v0 =	vand.u32 $0xFFFF0000, v0;
	v2 =	vand.u32 $0xFFFF0000, v2;
	v4 =	vadd.f32 v5, v4  }
0x1a7: {  	v5 =	vadd.s32 $0x7FFF, v62;
	v0 =	vadd.f32 v1, v0;
	v1 =	vadd.s32 $0x7FFF, v6  }
0x1a8: {  	v3 =	vand.u32 $0xFFFF0000, v3;
	v5 =	vand.u32 $0xFFFF0000, v5;
	v1 =	vand.u32 $0xFFFF0000, v1  }
0x1a9: {  	v2 =	vadd.f32 v3, v2;
	v1 =	vadd.f32 v1, v5;
	_ =	sdelay $0x1  }
0x1aa: {  	v0 =	vadd.f32 v0, v1;
	v1 =	vadd.f32 v4, v2;
	_ =	sdelay $0x1  }
0x1ab: {  	s18 =	sor.u32 s15, s15;
	v0 =	vadd.f32 v1, v0  }
0x1ac: {  	s17 =	simm.s32 $0x80;
	s18 =	sor.u32 $0x380, s18  }
.LBB2_16:
0x1ad: {  	p0 =	sne.s32 s17, $0x1F80;
	[tilespmem:s18+$0x8000] =	vst v0;
	s15 =	sadd.s32 $0x10, s15;
	s16 =	sadd.s32 $0x80, s16  }
0x1ae: {  	s18 =	smov.u32 s17;
	s17 =	sadd.s32 $0x80, s17;
	v0 =	vld [tilespmem:s16+$0xFFFFFFB0]  }
0x1af: {  	v1 =	vld [tilespmem:s16+$0xFFFFFFC0]  }
0x1b0: {  	v2 =	vld [tilespmem:s16+$0xFFFFFFD0]  }
0x1b1: {  	v3 =	vld [tilespmem:s16+$0xFFFFFFE0]  }
0x1b2: {  	v4 =	vld [tilespmem:s16+$0xFFFFFFF0]  }
0x1b3: {  	v5 =	vshrl.u32 v0, $0x10;
	v6 =	vld [tilespmem:s16+$0x0]  }
0x1b4: {  	v5 =	vand.u32 $0x1, v5;
	v7 =	vshrl.u32 v1, $0x10  }
0x1b5: {  	v0 =	vadd.s32 v5, v0;
	v5 =	vand.u32 $0x1, v7;
	v7 =	vshrl.u32 v2, $0x10  }
0x1b6: {  	v1 =	vadd.s32 v5, v1;
	v5 =	vand.u32 $0x1, v7;
	v7 =	vshrl.u32 v3, $0x10  }
0x1b7: {  	v8 =	vld [tilespmem:s16+$0xFFFFFF90];
	v1 =	vadd.s32 $0x7FFF, v1;
	v7 =	vand.u32 $0x1, v7;
	v9 =	vshrl.u32 v4, $0x10  }
0x1b8: {  	v10 =	vld [tilespmem:s16+$0xFFFFFFA0];
	v3 =	vadd.s32 v7, v3;
	v7 =	vand.u32 $0x1, v9;
	v9 =	vshrl.u32 v6, $0x10  }
0x1b9: {  	v2 =	vadd.s32 v5, v2;
	v4 =	vadd.s32 v7, v4;
	v5 =	vand.u32 $0x1, v9  }
0x1ba: {  	v2 =	vadd.s32 $0x7FFF, v2;
	v4 =	vadd.s32 $0x7FFF, v4;
	v5 =	vadd.s32 v5, v6  }
0x1bb: {  	v0 =	vadd.s32 $0x7FFF, v0;
	v1 =	vand.u32 $0xFFFF0000, v1;
	v5 =	vadd.s32 $0x7FFF, v5  }
0x1bc: {  	v4 =	vand.u32 $0xFFFF0000, v4;
	v6 =	vshrl.u32 v8, $0x10;
	v5 =	vand.u32 $0xFFFF0000, v5  }
0x1bd: {  	v6 =	vand.u32 $0x1, v6;
	v7 =	vshrl.u32 v10, $0x10;
	v4 =	vadd.f32 v5, v4  }
0x1be: {  	v0 =	vand.u32 $0xFFFF0000, v0;
	v5 =	vadd.s32 v6, v8;
	v6 =	vand.u32 $0x1, v7  }
0x1bf: {  	v0 =	vadd.f32 v1, v0;
	v5 =	vadd.s32 $0x7FFF, v5;
	v6 =	vadd.s32 v6, v10  }
0x1c0: {  	v2 =	vand.u32 $0xFFFF0000, v2;
	v3 =	vadd.s32 $0x7FFF, v3;
	v1 =	vadd.s32 $0x7FFF, v6  }
0x1c1: {  	v3 =	vand.u32 $0xFFFF0000, v3;
	v5 =	vand.u32 $0xFFFF0000, v5;
	v1 =	vand.u32 $0xFFFF0000, v1  }
0x1c2: {  	v2 =	vadd.f32 v3, v2;
	v1 =	vadd.f32 v1, v5  }
.Ltmp7:
0x1c3: {  	(pc) =	sbr.rel @p0 .LBB2_16-.Ltmp7, $3  }
0x1c4: {  	v0 =	vadd.f32 v0, v1;
	v1 =	vadd.f32 v4, v2;
	_ =	sdelay $0x1  }
0x1c5: {  	s18 =	sor.u32 s18, s15;
	v0 =	vadd.f32 v1, v0  }
0x1c6: {  	s18 =	sor.u32 $0x380, s18  }
0x1c7: {  	s14 =	sadd.s32 $0x1, s14  }
0x1c8: {  	p0 =	sne.s32 s14, s8  }
.Ltmp8:
0x1c9: {  	[tilespmem:s18+$0x8000] =	vst v0;
	(pc) =	sbr.rel @p0 .LBB2_1-.Ltmp8, $4  }
0x1ca: {  	[hbm4b:s7+s2] =	stream.linear.scatter [tilespmem:s12], [sflag:$0x3], $0x2000, $0x38;
	[tilespmem:$0xA000] =	vst v63  }
0x1cb: {  	_ =	swait.ge [sflag:s13], $0x2000  }
0x1cc: {  	[sflag:s13] =	ssyncset.done $0x0  }
0x1cd: {  	[sflag:s13] =	ssyncadd.s32 $0xFFFFE000  }
0x1ce: {  	_ =	sfence.sel $0x180000  }
0x1cf: {  	[bflag:$0x0] =	sbarrier.arrive $0xFFFF  }
0x1d0: {  	p0 =	sne.s32 s0, $0x0;
	_ =	strace $0x90000047  }
0x1d1: {  	s0 =	sadd.s32 @!p0 $0x100000, s1;
	[bflag:$0x2] =	sbarrier.arrive $0xFFFF  }
0x1d2: {  	[sflag:s0] =	ssyncadd.tile.s32 @!p0 $0x1;
	_ =	shalt  }
.Lfunc_end2:
_tile_overlayer_lowered:
.L_overlay_start_2:
0x1d3: {  	(tag) =	ssettag $0x2  }
0x1d4: {  	s0 =	rddreg [dreg:$0x0];
	s2 =	stileid.u32  }
0x1d5: {  	s1 =	rddreg [dreg:$0x1];
	p0 =	sne.s32 s2, $0x0  }
0x1d6: {  	s3 =	rddreg [dreg:$0x2];
	[bflag:$0x3] =	sbarrier.arrive $0xFFFF;
	s2 =	simm.s32 @!p0 $0x1C03  }
0x1d7: {  	[timem:s3], [sflag:s2] =	dma.local @!p0 [hbm:s0], s1  }
0x1d8: {  	s0 =	simm.s32 @!p0 $0x3  }
0x1d9: {  	_ =	swait.ge @!p0 [sflag:s0], s1  }
0x1da: {  	s1 =	ssub.s32 @!p0 $0x0, s1;
	[sflag:s0] =	ssyncset.done @!p0 $0x0  }
0x1db: {  	[sflag:s0] =	ssyncadd.s32 @!p0 s1  }
0x1dc: {  	[bflag:$0x3] =	sbarrier.arrive $0xFFFF  }
0x1dd: {  	_ =	shalt  }

</sc_bundles>
